<compile_context>
chip_gen: v7x
topology: tpu7x:2x2x1
jax: 0.10.2.dev20260603
libtpu: 0.0.44.dev20260713+nightly
codegen_flags: <defaults>
</compile_context>

<pallas_src>
import functools

import jax
import jax.numpy as jnp
import numpy as np
from jax import lax
from jax.experimental import pallas as pl
from jax.experimental.pallas import tpu as pltpu
from jax.experimental.pallas import tpu_sc as plsc

N = 10000
P = 10000
E = 160000
D = 128
DV = 32
NB = 10
CUTOFF = 4.0
HID = 64
INV_SQRT_NN = 0.25

NC = 2
NS = 16
NW = NC * NS

E_PAD = 163840
CHUNK = 128
P_ACC = 10016
DUMMY = P

NSLAB = 4
SLAB = E_PAD // NSLAB
GCH = SLAB // NW // CHUNK
SCH = SLAB // NS // CHUNK

BE = 640
BP = 1000

INV_STEP = float((NB - 1) / CUTOFF)

def _basis_consts():
    rs = np.linspace(0.0, CUTOFF, 4001, dtype=np.float32)[1:]
    values = np.linspace(0.0, CUTOFF, NB, dtype=np.float32)
    step = values[1] - values[0]
    diff = (rs[:, None] - values[None, :]) / step
    bs = np.exp(-diff.astype(np.float32) ** 2) / 1.12
    mean = bs.mean(axis=0, dtype=np.float64).astype(np.float32)
    std = bs.std(axis=0, ddof=1, dtype=np.float64).astype(np.float32)
    out = np.zeros((8, 16), dtype=np.float32)
    out[0, :NB] = values
    out[1, :NB] = 1.0 / std
    out[2, :NB] = mean
    return out

_BCONST = _basis_consts()


def _sc_mesh():
    return plsc.VectorSubcoreMesh(core_axis_name="c", subcore_axis_name="s",
                                  num_cores=NC, num_subcores=NS)



def _lin1_body(x_ref, w_ref, o_ref):
    o_ref[...] = jnp.dot(x_ref[...], w_ref[...], preferred_element_type=jnp.float32)


def _lin1(atom, W):
    return pl.pallas_call(
        _lin1_body,
        grid=(10,),
        in_specs=[
            pl.BlockSpec((N // 10, D), lambda i: (i, 0)),
            pl.BlockSpec((D, D), lambda i: (0, 0)),
        ],
        out_specs=pl.BlockSpec((N // 10, D), lambda i: (i, 0)),
        out_shape=jax.ShapeDtypeStruct((N, D), jnp.float32),
    )(atom, W)



def _gather_body(src_hbm, dst_hbm, sender_hbm, pos_hbm, ppos_hbm,
                 gath_hbm, psrc_hbm, pdst_hbm,
                 idx_s, idx_d, rows0, rows1, rp0, rp1, rq0, rq1,
                 isem, g0, g1, w0, w1):
    wid = lax.axis_index("s") * NC + lax.axis_index("c")
    base = wid * (SLAB // NW)

    pltpu.async_copy(src_hbm.at[wid], idx_s, isem).wait()
    pltpu.async_copy(dst_hbm.at[wid], idx_d, isem).wait()

    def gathers(i, rows, rp, rq, sem):
        c1 = pltpu.async_copy(sender_hbm.at[idx_s.at[i]], rows, sem)
        c2 = pltpu.async_copy(pos_hbm.at[idx_s.at[i]], rp, sem)
        c3 = pltpu.async_copy(ppos_hbm.at[idx_d.at[i]], rq, sem)
        return c1, c2, c3

    def writes(i, rows, rp, rq, sem):
        off = base + i * CHUNK
        pltpu.async_copy(rows, gath_hbm.at[pl.ds(off, CHUNK)], sem)
        pltpu.async_copy(rp, psrc_hbm.at[pl.ds(off, CHUNK)], sem)
        pltpu.async_copy(rq, pdst_hbm.at[pl.ds(off, CHUNK)], sem)

    def drain_writes(rows, rp, rq, sem):
        pltpu.make_async_copy(rows, gath_hbm.at[pl.ds(base, CHUNK)], sem).wait()
        pltpu.make_async_copy(rp, psrc_hbm.at[pl.ds(base, CHUNK)], sem).wait()
        pltpu.make_async_copy(rq, pdst_hbm.at[pl.ds(base, CHUNK)], sem).wait()

    def drain(cs):
        for c in cs:
            c.wait()

    def step(j, _):
        a = 2 * j
        b = a + 1

        @pl.when(j > 0)
        def _():
            drain_writes(rows0, rp0, rq0, w0)
            drain_writes(rows1, rp1, rq1, w1)

        ca = gathers(a, rows0, rp0, rq0, g0)
        cb = gathers(b, rows1, rp1, rq1, g1)
        drain(ca)
        writes(a, rows0, rp0, rq0, w0)
        drain(cb)
        writes(b, rows1, rp1, rq1, w1)
        return 0

    lax.fori_loop(0, GCH // 2, step, 0)
    drain_writes(rows0, rp0, rq0, w0)
    drain_writes(rows1, rp1, rq1, w1)


def _gather(src, dst, sender, pospad, ppospad):
    f = pl.kernel(
        _gather_body,
        out_type=(
            jax.ShapeDtypeStruct((SLAB, D), jnp.float32),
            jax.ShapeDtypeStruct((SLAB, 16), jnp.float32),
            jax.ShapeDtypeStruct((SLAB, 16), jnp.float32),
        ),
        mesh=_sc_mesh(),
        scratch_types=[
            pltpu.VMEM((GCH, CHUNK), jnp.int32),
            pltpu.VMEM((GCH, CHUNK), jnp.int32),
            pltpu.VMEM((CHUNK, D), jnp.float32),
            pltpu.VMEM((CHUNK, D), jnp.float32),
            pltpu.VMEM((CHUNK, 16), jnp.float32),
            pltpu.VMEM((CHUNK, 16), jnp.float32),
            pltpu.VMEM((CHUNK, 16), jnp.float32),
            pltpu.VMEM((CHUNK, 16), jnp.float32),
            pltpu.SemaphoreType.DMA,
            pltpu.SemaphoreType.DMA,
            pltpu.SemaphoreType.DMA,
            pltpu.SemaphoreType.DMA,
            pltpu.SemaphoreType.DMA,
        ],
        compiler_params=pltpu.CompilerParams(use_tc_tiling_on_sc=False),
    )
    return f(src, dst, sender, pospad, ppospad)



def _edge_body(gath_ref, psrc_ref, pdst_ref, ped_ref, c_ref, bc_ref,
               w1_ref, b1_ref, w2s_ref, b2s_ref, w2v_ref, b2v_ref,
               ms_ref, mv_ref):
    g = gath_ref[...]
    disp = jnp.dot(ped_ref[...], c_ref[...], preferred_element_type=jnp.float32)
    vec = pdst_ref[...] - psrc_ref[...] - disp
    l2 = jnp.sum(vec * vec, axis=1, keepdims=True) + 1e-12
    length = jnp.sqrt(l2)
    unit = vec / length

    values = bc_ref[0:1, :]
    inv_std = bc_ref[1:2, :]
    mean = bc_ref[2:3, :]
    diff = (length - values) * INV_STEP
    basis = jnp.exp(-diff * diff) * (1.0 / 1.12)
    bn = (basis - mean) * inv_std

    h = jnp.dot(bn, w1_ref[...], preferred_element_type=jnp.float32) + b1_ref[...]
    h = h * (1.0 / (1.0 + jnp.exp(-h)))
    ws = jnp.dot(h, w2s_ref[...], preferred_element_type=jnp.float32) + b2s_ref[...]
    wv = jnp.dot(h, w2v_ref[...], preferred_element_type=jnp.float32) + b2v_ref[...]

    ms_ref[...] = ws * g
    m = wv * g[:, :DV]
    ux = unit[:, 0:1]
    uy = unit[:, 1:2]
    uz = unit[:, 2:3]
    mv_ref[...] = jnp.concatenate(
        [m * ux, m * uy, m * uz, jnp.zeros_like(m)], axis=1)


def _edge_stage(gath, psrc, pdst, ped16, c16, bconst, w1, b1, w2s, b2s, w2v, b2v):
    nb = SLAB // BE
    blk = lambda r, c: pl.BlockSpec((r, c), lambda i: (i, 0))
    full = lambda r, c: pl.BlockSpec((r, c), lambda i: (0, 0))
    return pl.pallas_call(
        _edge_body,
        grid=(nb,),
        in_specs=[
            blk(BE, D), blk(BE, 16), blk(BE, 16), blk(BE, 16),
            full(16, 16), full(8, 16),
            full(16, HID), full(1, HID),
            full(HID, D), full(1, D),
            full(HID, DV), full(1, DV),
        ],
        out_specs=[blk(BE, D), blk(BE, D)],
        out_shape=[
            jax.ShapeDtypeStruct((SLAB, D), jnp.float32),
            jax.ShapeDtypeStruct((SLAB, D), jnp.float32),
        ],
    )(gath, psrc, pdst, ped16, c16, bconst, w1, b1, w2s, b2s, w2v, b2v)



def _scatter_body(*refs):
    dsts_list = refs[0:NSLAB]
    ms_list = refs[NSLAB:2 * NSLAB]
    mv_list = refs[2 * NSLAB:3 * NSLAB]
    zero_hbm = refs[3 * NSLAB]
    outs_hbm = refs[3 * NSLAB + 1]
    outv_hbm = refs[3 * NSLAB + 2]
    idx, rows0, rows1, acc, isem, l0, l1, a0, a1 = refs[3 * NSLAB + 3:]

    c = lax.axis_index("c")
    s = lax.axis_index("s")

    @pl.when(s == 0)
    def _():
        pltpu.sync_copy(zero_hbm, acc)

    plsc.subcore_barrier()

    base = s * (SLAB // NS)

    for k in range(NSLAB):
        ms_hbm = ms_list[k]
        mv_hbm = mv_list[k]

        pltpu.async_copy(dsts_list[k].at[s], idx, isem).wait()

        def load(i, rows, sem):
            off = base + i * CHUNK

            @pl.when(c == 0)
            def _():
                pltpu.async_copy(ms_hbm.at[pl.ds(off, CHUNK)], rows, sem)

            @pl.when(c == 1)
            def _():
                pltpu.async_copy(mv_hbm.at[pl.ds(off, CHUNK)], rows, sem)

        def wait_load(rows, sem):
            pltpu.make_async_copy(ms_hbm.at[pl.ds(base, CHUNK)], rows, sem).wait()

        load(0, rows0, l0)
        load(1, rows1, l1)

        def step(j, _):
            a = 2 * j
            b = a + 1
            wait_load(rows0, l0)
            ca = pltpu.async_copy(rows0, acc.at[idx.at[a]], a0, add=True)
            wait_load(rows1, l1)
            cb = pltpu.async_copy(rows1, acc.at[idx.at[b]], a1, add=True)
            ca.wait()

            @pl.when(a + 2 < SCH)
            def _():
                load(a + 2, rows0, l0)

            cb.wait()

            @pl.when(b + 2 < SCH)
            def _():
                load(b + 2, rows1, l1)

            return 0

        lax.fori_loop(0, SCH // 2, step, 0)

    plsc.subcore_barrier()

    @pl.when((s == 0) & (c == 0))
    def _():
        pltpu.sync_copy(acc.at[pl.ds(0, P)], outs_hbm)

    @pl.when((s == 0) & (c == 1))
    def _():
        pltpu.sync_copy(acc.at[pl.ds(0, P)], outv_hbm)


def _scatter(dsts_list, ms_list, mv_list, zero):
    f = pl.kernel(
        _scatter_body,
        out_type=(
            jax.ShapeDtypeStruct((P, D), jnp.float32),
            jax.ShapeDtypeStruct((P, D), jnp.float32),
        ),
        mesh=_sc_mesh(),
        scratch_types=[
            pltpu.VMEM((SCH, CHUNK), jnp.int32),
            pltpu.VMEM((CHUNK, D), jnp.float32),
            pltpu.VMEM((CHUNK, D), jnp.float32),
            pltpu.VMEM_SHARED((P_ACC, D), jnp.float32),
            pltpu.SemaphoreType.DMA,
            pltpu.SemaphoreType.DMA,
            pltpu.SemaphoreType.DMA,
            pltpu.SemaphoreType.DMA,
            pltpu.SemaphoreType.DMA,
        ],
    )
    return f(*dsts_list, *ms_list, *mv_list, zero)



def _readout_body(s_ref, v_ref, wos_ref, wov_ref, o_ref):
    ps = s_ref[...] * INV_SQRT_NN
    vx = v_ref[:, 0:DV] * INV_SQRT_NN
    vy = v_ref[:, DV:2 * DV] * INV_SQRT_NN
    vz = v_ref[:, 2 * DV:3 * DV] * INV_SQRT_NN
    vnorm = jnp.sqrt(vx * vx + vy * vy + vz * vz + 1e-12)
    o_ref[...] = (jnp.dot(ps, wos_ref[...], preferred_element_type=jnp.float32)
                  + jnp.dot(vnorm, wov_ref[...], preferred_element_type=jnp.float32))


def _readout(accs, accv, wos, wov):
    return pl.pallas_call(
        _readout_body,
        grid=(P // BP,),
        in_specs=[
            pl.BlockSpec((BP, D), lambda i: (i, 0)),
            pl.BlockSpec((BP, D), lambda i: (i, 0)),
            pl.BlockSpec((D, D), lambda i: (0, 0)),
            pl.BlockSpec((DV, D), lambda i: (0, 0)),
        ],
        out_specs=pl.BlockSpec((BP, D), lambda i: (i, 0)),
        out_shape=jax.ShapeDtypeStruct((P, D), jnp.float32),
    )(accs, accv, wos, wov)



def kernel(atom_representation, positions, positions_probe, cells, probe_edges,
           probe_edges_displacement, splits, W_lin1, W_fc1, b_fc1, W_fc2, b_fc2,
           W_out_s, W_out_v):
    pad = E_PAD - E
    src = jnp.pad(probe_edges[:, 0].astype(jnp.int32), (0, pad))
    dst = probe_edges[:, 1].astype(jnp.int32)
    dst_g = jnp.pad(dst, (0, pad))
    dst_s = jnp.pad(dst, (0, pad), constant_values=DUMMY)

    src_sl = src.reshape(NSLAB, NW, GCH, CHUNK)
    dstg_sl = dst_g.reshape(NSLAB, NW, GCH, CHUNK)
    dsts_sl = dst_s.reshape(NSLAB, NS, SCH, CHUNK)

    pospad = jnp.pad(positions, ((0, 0), (0, 13)))
    ppospad = jnp.pad(positions_probe, ((0, 0), (0, 13)))
    ped16 = jnp.pad(probe_edges_displacement, ((0, pad), (0, 13)))
    c16 = jnp.pad(cells[0], ((0, 13), (0, 13)))
    bconst = jnp.asarray(_BCONST)

    w1 = jnp.pad(W_fc1, ((0, 6), (0, 0)))
    b1 = b_fc1[None, :]
    w2s = W_fc2[:, :D]
    b2s = b_fc2[None, :D]
    w2v = W_fc2[:, D:]
    b2v = b_fc2[None, D:]
    zero = jnp.zeros((P_ACC, D), jnp.float32)

    sender = _lin1(atom_representation, W_lin1)

    ms_list, mv_list, dsts_list = [], [], []
    for k in range(NSLAB):
        gath, psrc, pdst = _gather(src_sl[k], dstg_sl[k], sender, pospad, ppospad)
        ms_list.append(gath)
        mv_list.append(psrc)
        dsts_list.append(dsts_sl[k])

    return ms_list, mv_list
    accs, accv = _scatter(dsts_list, ms_list, mv_list, zero)
    return _readout(accs, accv, W_out_s, W_out_v)

# --- scband reference (transcript-rebuilt; emitter-appended) ---
"""Pipeline reference for scband-e3-probe-message-model-3315714752867 (READ-ONLY COPY).

The authoritative reference and input builder live on the scoring server;
editing this copy changes nothing except your own understanding.
"""

import jax
import jax.numpy as jnp
import numpy as np

N = 10000
P = 10000
E = 160000
D = 128
DV = 32
NB = 10
CUTOFF = 4.0
NUM_NEIGHBORS = 16.0
HID = 64


def _soft_one_hot_gaussian(x, start, end, number):
    values = jnp.linspace(start, end, number)
    step = values[1] - values[0]
    diff = (x[..., None] - values) / step
    return jnp.exp(-diff ** 2) / 1.12


def _basis_norm_stats():
    rs = jnp.linspace(0.0, CUTOFF, 4001)[1:]
    bs = _soft_one_hot_gaussian(rs, 0.0, CUTOFF, NB)
    mean = jnp.mean(bs, axis=0)
    std = jnp.std(bs, axis=0, ddof=1)
    return mean, 1.0 / std


def setup_inputs(seed: int = 0):
    key = jax.random.key(seed)
    ks = jax.random.split(key, 16)
    atom_representation = jax.random.normal(ks[0], (N, D), dtype=jnp.float32)
    positions = jax.random.uniform(ks[1], (N, 3), dtype=jnp.float32, minval=0.0, maxval=10.0)
    positions_probe = jax.random.uniform(ks[2], (P, 3), dtype=jnp.float32, minval=0.0, maxval=10.0)
    cells = jnp.tile(jnp.eye(3, dtype=jnp.float32)[None] * 10.0, (1, 1, 1))
    src = jax.random.randint(ks[3], (E,), 0, N)
    dst = jax.random.randint(ks[4], (E,), 0, P)
    probe_edges = jnp.stack([src, dst], axis=1)
    probe_edges_displacement = jax.random.randint(ks[5], (E, 3), -1, 2).astype(jnp.float32)
    splits = jnp.array([E], dtype=jnp.int32)
    W_lin1 = jax.random.normal(ks[6], (D, D), dtype=jnp.float32) / np.sqrt(D)
    W_fc1 = jax.random.normal(ks[7], (NB, HID), dtype=jnp.float32) / np.sqrt(NB)
    b_fc1 = jnp.zeros((HID,), dtype=jnp.float32)
    W_fc2 = jax.random.normal(ks[8], (HID, D + DV), dtype=jnp.float32) / np.sqrt(HID)
    b_fc2 = jnp.zeros((D + DV,), dtype=jnp.float32)
    W_out_s = jax.random.normal(ks[9], (D, D), dtype=jnp.float32) / np.sqrt(D)
    W_out_v = jax.random.normal(ks[10], (DV, D), dtype=jnp.float32) / np.sqrt(DV)
    return {
        "atom_representation": atom_representation,
        "positions": positions,
        "positions_probe": positions_probe,
        "cells": cells,
        "probe_edges": probe_edges,
        "probe_edges_displacement": probe_edges_displacement,
        "splits": splits,
        "W_lin1": W_lin1,
        "W_fc1": W_fc1,
        "b_fc1": b_fc1,
        "W_fc2": W_fc2,
        "b_fc2": b_fc2,
        "W_out_s": W_out_s,
        "W_out_v": W_out_v,
    }


def reference(atom_representation, positions, positions_probe, cells, probe_edges, probe_edges_displacement, splits, W_lin1, W_fc1, b_fc1, W_fc2, b_fc2, W_out_s, W_out_v):
    edge_src = probe_edges[:, 0]
    edge_dst = probe_edges[:, 1]
    # calc_edge_vec_to_probe
    unitcell_repeat = jnp.repeat(cells, splits, axis=0, total_repeat_length=E)
    displacement = jnp.squeeze(jnp.matmul(probe_edges_displacement[:, None, :], unitcell_repeat), axis=1)
    neigh_abs_pos = positions[edge_src] + displacement
    this_pos = positions_probe[edge_dst]
    vec = this_pos - neigh_abs_pos
    length = jnp.sqrt(jnp.sum(vec ** 2, axis=-1) + 1e-12)
    unit = vec / length[:, None]
    # normalized radial basis (RadialBasis with gaussian soft_one_hot_linspace)
    mean, inv_std = _basis_norm_stats()
    edge_scalars = (_soft_one_hot_gaussian(length, 0.0, CUTOFF, NB) - mean) * inv_std
    # FullyConnectedNet producing per-edge tensor-product weights
    h = jax.nn.silu(edge_scalars @ W_fc1 + b_fc1)
    w = h @ W_fc2 + b_fc2
    w_s = w[:, :D]
    w_v = w[:, D:]
    # lin1 on sender nodes, gather to edges
    sender = atom_representation @ W_lin1
    gathered = sender[edge_src]
    # weighted tensor product with edge attrs (l=0 scalar path + l=1 vector path)
    edge_s = w_s * gathered
    edge_v = (w_v * gathered[:, :DV])[:, :, None] * unit[:, None, :]
    # scatter-add onto probes, normalize by sqrt(num_neighbors)
    probe_s = jax.ops.segment_sum(edge_s, edge_dst, num_segments=P) / jnp.sqrt(NUM_NEIGHBORS)
    probe_v = jax.ops.segment_sum(edge_v.reshape(E, DV * 3), edge_dst, num_segments=P).reshape(P, DV, 3) / jnp.sqrt(NUM_NEIGHBORS)
    # lin2-style equivariant readout (invariant norm of l=1 channels + scalar channels)
    vnorm = jnp.sqrt(jnp.sum(probe_v ** 2, axis=-1) + 1e-12)
    out = probe_s @ W_out_s + vnorm @ W_out_v
    return out


if False:  # reference __main__ guard neutralized (emitter)
    inp = setup_inputs()
    out = reference(**inp)
    print(out.shape)

if __name__ == "__main__":
    import jax
    _d = setup_inputs()
    print(jax.jit(kernel)(*tuple(_d.values())))

</pallas_src>

<mosaic_0001>
#map = affine_map<(d0, d1) -> (0, 0, 0)>
#map1 = affine_map<(d0, d1) -> (0, 0)>
module attributes {stable_mosaic.version = 14 : i64} {
  func.func @_gather_body(%arg0: i32, %arg1: i32, %arg2: memref<32x10x128xi32, #tpu.memory_space<hbm>>, %arg3: memref<32x10x128xi32, #tpu.memory_space<hbm>>, %arg4: memref<10000x128xf32, #tpu.memory_space<hbm>>, %arg5: memref<10000x16xf32, #tpu.memory_space<hbm>>, %arg6: memref<10000x16xf32, #tpu.memory_space<hbm>>, %arg7: memref<40960x128xf32, #tpu.memory_space<hbm>>, %arg8: memref<40960x16xf32, #tpu.memory_space<hbm>>, %arg9: memref<40960x16xf32, #tpu.memory_space<hbm>>, %arg10: memref<10x128xi32, #tpu.memory_space<vmem>>, %arg11: memref<10x128xi32, #tpu.memory_space<vmem>>, %arg12: memref<128x128xf32, #tpu.memory_space<vmem>>, %arg13: memref<128x128xf32, #tpu.memory_space<vmem>>, %arg14: memref<128x16xf32, #tpu.memory_space<vmem>>, %arg15: memref<128x16xf32, #tpu.memory_space<vmem>>, %arg16: memref<128x16xf32, #tpu.memory_space<vmem>>, %arg17: memref<128x16xf32, #tpu.memory_space<vmem>>, %arg18: memref<!tpu.dma_semaphore, #tpu.memory_space<semaphore_mem>>, %arg19: memref<!tpu.dma_semaphore, #tpu.memory_space<semaphore_mem>>, %arg20: memref<!tpu.dma_semaphore, #tpu.memory_space<semaphore_mem>>, %arg21: memref<!tpu.dma_semaphore, #tpu.memory_space<semaphore_mem>>, %arg22: memref<!tpu.dma_semaphore, #tpu.memory_space<semaphore_mem>>) attributes {dimension_semantics = [#tpu.dimension_semantics<core_parallel>, #tpu.dimension_semantics<subcore_parallel>], iteration_bounds = array<i64: 2, 16>, scalar_prefetch = 0 : i64, scratch_operands = 13 : i64, tpu.core_type = #tpu.core_type<sc_vector_subcore>, window_params = [{transform_indices = #map}, {transform_indices = #map}, {transform_indices = #map1}, {transform_indices = #map1}, {transform_indices = #map1}, {transform_indices = #map1}, {transform_indices = #map1}, {transform_indices = #map1}]} {
    %mul3A = arith.constant 2 : i32
    %mul3A_0 = arith.muli %arg1, %mul3A : i32
    %add3A = arith.addi %mul3A_0, %arg0 : i32
    %mul3A_1 = arith.constant 1280 : i32
    %mul3A_2 = arith.muli %add3A, %mul3A_1 : i32
    %dma_start3A = arith.constant 0 : i32
    %dma_start3A_3 = arith.constant 0 : i32
    %dma_start3A_4 = tpu.memref_slice %arg2[%add3A, %dma_start3A, %dma_start3A_3] : memref<32x10x128xi32, #tpu.memory_space<hbm>> -> memref<1x10x128xi32, #tpu.memory_space<hbm>>
    %dma_start3A_5 = tpu.memref_squeeze %dma_start3A_4 : memref<1x10x128xi32, #tpu.memory_space<hbm>> -> memref<10x128xi32, #tpu.memory_space<hbm>>
    %dma_start3A_6 = arith.constant 0 : i32
    %dma_start3A_7 = arith.constant 0 : i32
    %dma_start3A_8 = tpu.memref_slice %arg2[%add3A, %dma_start3A_6, %dma_start3A_7] : memref<32x10x128xi32, #tpu.memory_space<hbm>> -> memref<1x10x128xi32, #tpu.memory_space<hbm>>
    %dma_start3A_9 = tpu.memref_squeeze %dma_start3A_8 : memref<1x10x128xi32, #tpu.memory_space<hbm>> -> memref<10x128xi32, #tpu.memory_space<hbm>>
    tpu.enqueue_dma source(%dma_start3A_9 : memref<10x128xi32, #tpu.memory_space<hbm>>) target(%arg10 : memref<10x128xi32, #tpu.memory_space<vmem>>) target_semaphore(%arg18 : memref<!tpu.dma_semaphore, #tpu.memory_space<semaphore_mem>>)
    %dma_wait3A = arith.constant 0 : i32
    %dma_wait3A_10 = arith.constant 0 : i32
    %dma_wait3A_11 = tpu.memref_slice %arg2[%add3A, %dma_wait3A, %dma_wait3A_10] : memref<32x10x128xi32, #tpu.memory_space<hbm>> -> memref<1x10x128xi32, #tpu.memory_space<hbm>>
    %dma_wait3A_12 = tpu.memref_squeeze %dma_wait3A_11 : memref<1x10x128xi32, #tpu.memory_space<hbm>> -> memref<10x128xi32, #tpu.memory_space<hbm>>
    %dma_wait3A_13 = arith.constant 0 : i32
    %dma_wait3A_14 = arith.constant 0 : i32
    %dma_wait3A_15 = tpu.memref_slice %arg2[%add3A, %dma_wait3A_13, %dma_wait3A_14] : memref<32x10x128xi32, #tpu.memory_space<hbm>> -> memref<1x10x128xi32, #tpu.memory_space<hbm>>
    %dma_wait3A_16 = tpu.memref_squeeze %dma_wait3A_15 : memref<1x10x128xi32, #tpu.memory_space<hbm>> -> memref<10x128xi32, #tpu.memory_space<hbm>>
    tpu.wait_dma2 semaphore(%arg18 : memref<!tpu.dma_semaphore, #tpu.memory_space<semaphore_mem>>) src(%dma_wait3A_16 : memref<10x128xi32, #tpu.memory_space<hbm>>) dst(%arg10 : memref<10x128xi32, #tpu.memory_space<vmem>>)
    %dma_start3A_17 = arith.constant 0 : i32
    %dma_start3A_18 = arith.constant 0 : i32
    %dma_start3A_19 = tpu.memref_slice %arg3[%add3A, %dma_start3A_17, %dma_start3A_18] : memref<32x10x128xi32, #tpu.memory_space<hbm>> -> memref<1x10x128xi32, #tpu.memory_space<hbm>>
    %dma_start3A_20 = tpu.memref_squeeze %dma_start3A_19 : memref<1x10x128xi32, #tpu.memory_space<hbm>> -> memref<10x128xi32, #tpu.memory_space<hbm>>
    %dma_start3A_21 = arith.constant 0 : i32
    %dma_start3A_22 = arith.constant 0 : i32
    %dma_start3A_23 = tpu.memref_slice %arg3[%add3A, %dma_start3A_21, %dma_start3A_22] : memref<32x10x128xi32, #tpu.memory_space<hbm>> -> memref<1x10x128xi32, #tpu.memory_space<hbm>>
    %dma_start3A_24 = tpu.memref_squeeze %dma_start3A_23 : memref<1x10x128xi32, #tpu.memory_space<hbm>> -> memref<10x128xi32, #tpu.memory_space<hbm>>
    tpu.enqueue_dma source(%dma_start3A_24 : memref<10x128xi32, #tpu.memory_space<hbm>>) target(%arg11 : memref<10x128xi32, #tpu.memory_space<vmem>>) target_semaphore(%arg18 : memref<!tpu.dma_semaphore, #tpu.memory_space<semaphore_mem>>)
    %dma_wait3A_25 = arith.constant 0 : i32
    %dma_wait3A_26 = arith.constant 0 : i32
    %dma_wait3A_27 = tpu.memref_slice %arg3[%add3A, %dma_wait3A_25, %dma_wait3A_26] : memref<32x10x128xi32, #tpu.memory_space<hbm>> -> memref<1x10x128xi32, #tpu.memory_space<hbm>>
    %dma_wait3A_28 = tpu.memref_squeeze %dma_wait3A_27 : memref<1x10x128xi32, #tpu.memory_space<hbm>> -> memref<10x128xi32, #tpu.memory_space<hbm>>
    %dma_wait3A_29 = arith.constant 0 : i32
    %dma_wait3A_30 = arith.constant 0 : i32
    %dma_wait3A_31 = tpu.memref_slice %arg3[%add3A, %dma_wait3A_29, %dma_wait3A_30] : memref<32x10x128xi32, #tpu.memory_space<hbm>> -> memref<1x10x128xi32, #tpu.memory_space<hbm>>
    %dma_wait3A_32 = tpu.memref_squeeze %dma_wait3A_31 : memref<1x10x128xi32, #tpu.memory_space<hbm>> -> memref<10x128xi32, #tpu.memory_space<hbm>>
    tpu.wait_dma2 semaphore(%arg18 : memref<!tpu.dma_semaphore, #tpu.memory_space<semaphore_mem>>) src(%dma_wait3A_32 : memref<10x128xi32, #tpu.memory_space<hbm>>) dst(%arg11 : memref<10x128xi32, #tpu.memory_space<vmem>>)
    %scan3A = arith.constant 0 : i32
    %scan3A_33 = arith.constant 0 : i32
    %scan3A_34 = arith.constant 5 : i32
    %scan3A_35 = arith.addi %scan3A_33, %scan3A_34 : i32
    %scan3A_36 = arith.constant 1 : i32
    %scan3A_37 = scf.for %scan3A_63 = %scan3A_33 to %scan3A_35 step %scan3A_36 iter_args(%scan3A_64 = %scan3A) -> (i32)  : i32 {
      %mul3A_65 = arith.constant 2 : i32
      %mul3A_66 = arith.muli %mul3A_65, %scan3A_63 : i32
      %add3A_67 = arith.constant 1 : i32
      %add3A_68 = arith.addi %mul3A_66, %add3A_67 : i32
      %gt3A = arith.constant 0 : i32
      %gt3A_69 = arith.cmpi sgt, %scan3A_63, %gt3A : i32
      %convert_element_type3A = arith.extui %gt3A_69 : i1 to i32
      %cond3A = arith.constant 0 : i32
      %cond3A_70 = arith.cmpi ne, %convert_element_type3A, %cond3A : i32
      scf.if %cond3A_70 {
        %dma_wait3A_174 = arith.constant 0 : i32
        %dma_wait3A_175 = tpu.memref_slice %arg7[%mul3A_2, %dma_wait3A_174] : memref<40960x128xf32, #tpu.memory_space<hbm>> -> memref<128x128xf32, #tpu.memory_space<hbm>>
        %dma_wait3A_176 = arith.constant 0 : i32
        %dma_wait3A_177 = tpu.memref_slice %arg7[%mul3A_2, %dma_wait3A_176] : memref<40960x128xf32, #tpu.memory_space<hbm>> -> memref<128x128xf32, #tpu.memory_space<hbm>>
        tpu.wait_dma2 semaphore(%arg21 : memref<!tpu.dma_semaphore, #tpu.memory_space<semaphore_mem>>) src(%arg12 : memref<128x128xf32, #tpu.memory_space<vmem>>) dst(%dma_wait3A_177 : memref<128x128xf32, #tpu.memory_space<hbm>>)
        %dma_wait3A_178 = arith.constant 0 : i32
        %dma_wait3A_179 = tpu.memref_slice %arg8[%mul3A_2, %dma_wait3A_178] : memref<40960x16xf32, #tpu.memory_space<hbm>> -> memref<128x16xf32, #tpu.memory_space<hbm>>
        %dma_wait3A_180 = arith.constant 0 : i32
        %dma_wait3A_181 = tpu.memref_slice %arg8[%mul3A_2, %dma_wait3A_180] : memref<40960x16xf32, #tpu.memory_space<hbm>> -> memref<128x16xf32, #tpu.memory_space<hbm>>
        tpu.wait_dma2 semaphore(%arg21 : memref<!tpu.dma_semaphore, #tpu.memory_space<semaphore_mem>>) src(%arg14 : memref<128x16xf32, #tpu.memory_space<vmem>>) dst(%dma_wait3A_181 : memref<128x16xf32, #tpu.memory_space<hbm>>)
        %dma_wait3A_182 = arith.constant 0 : i32
        %dma_wait3A_183 = tpu.memref_slice %arg9[%mul3A_2, %dma_wait3A_182] : memref<40960x16xf32, #tpu.memory_space<hbm>> -> memref<128x16xf32, #tpu.memory_space<hbm>>
        %dma_wait3A_184 = arith.constant 0 : i32
        %dma_wait3A_185 = tpu.memref_slice %arg9[%mul3A_2, %dma_wait3A_184] : memref<40960x16xf32, #tpu.memory_space<hbm>> -> memref<128x16xf32, #tpu.memory_space<hbm>>
        tpu.wait_dma2 semaphore(%arg21 : memref<!tpu.dma_semaphore, #tpu.memory_space<semaphore_mem>>) src(%arg16 : memref<128x16xf32, #tpu.memory_space<vmem>>) dst(%dma_wait3A_185 : memref<128x16xf32, #tpu.memory_space<hbm>>)
        %dma_wait3A_186 = arith.constant 0 : i32
        %dma_wait3A_187 = tpu.memref_slice %arg7[%mul3A_2, %dma_wait3A_186] : memref<40960x128xf32, #tpu.memory_space<hbm>> -> memref<128x128xf32, #tpu.memory_space<hbm>>
        %dma_wait3A_188 = arith.constant 0 : i32
        %dma_wait3A_189 = tpu.memref_slice %arg7[%mul3A_2, %dma_wait3A_188] : memref<40960x128xf32, #tpu.memory_space<hbm>> -> memref<128x128xf32, #tpu.memory_space<hbm>>
        tpu.wait_dma2 semaphore(%arg22 : memref<!tpu.dma_semaphore, #tpu.memory_space<semaphore_mem>>) src(%arg13 : memref<128x128xf32, #tpu.memory_space<vmem>>) dst(%dma_wait3A_189 : memref<128x128xf32, #tpu.memory_space<hbm>>)
        %dma_wait3A_190 = arith.constant 0 : i32
        %dma_wait3A_191 = tpu.memref_slice %arg8[%mul3A_2, %dma_wait3A_190] : memref<40960x16xf32, #tpu.memory_space<hbm>> -> memref<128x16xf32, #tpu.memory_space<hbm>>
        %dma_wait3A_192 = arith.constant 0 : i32
        %dma_wait3A_193 = tpu.memref_slice %arg8[%mul3A_2, %dma_wait3A_192] : memref<40960x16xf32, #tpu.memory_space<hbm>> -> memref<128x16xf32, #tpu.memory_space<hbm>>
        tpu.wait_dma2 semaphore(%arg22 : memref<!tpu.dma_semaphore, #tpu.memory_space<semaphore_mem>>) src(%arg15 : memref<128x16xf32, #tpu.memory_space<vmem>>) dst(%dma_wait3A_193 : memref<128x16xf32, #tpu.memory_space<hbm>>)
        %dma_wait3A_194 = arith.constant 0 : i32
        %dma_wait3A_195 = tpu.memref_slice %arg9[%mul3A_2, %dma_wait3A_194] : memref<40960x16xf32, #tpu.memory_space<hbm>> -> memref<128x16xf32, #tpu.memory_space<hbm>>
        %dma_wait3A_196 = arith.constant 0 : i32
        %dma_wait3A_197 = tpu.memref_slice %arg9[%mul3A_2, %dma_wait3A_196] : memref<40960x16xf32, #tpu.memory_space<hbm>> -> memref<128x16xf32, #tpu.memory_space<hbm>>
        tpu.wait_dma2 semaphore(%arg22 : memref<!tpu.dma_semaphore, #tpu.memory_space<semaphore_mem>>) src(%arg17 : memref<128x16xf32, #tpu.memory_space<vmem>>) dst(%dma_wait3A_197 : memref<128x16xf32, #tpu.memory_space<hbm>>)
      } else {
      }
      %dma_start3A_71 = arith.constant 0 : i32
      %dma_start3A_72 = tpu.memref_slice %arg10[%mul3A_66, %dma_start3A_71] : memref<10x128xi32, #tpu.memory_space<vmem>> -> memref<1x128xi32, #tpu.memory_space<vmem>>
      %dma_start3A_73 = tpu.memref_squeeze %dma_start3A_72 : memref<1x128xi32, #tpu.memory_space<vmem>> -> memref<128xi32, #tpu.memory_space<vmem>>
      %dma_start3A_74 = arith.constant 0 : i32
      %dma_start3A_75 = arith.constant 0 : i32
      %dma_start3A_76 = tpu.memref_slice %arg4[%dma_start3A_74, %dma_start3A_75] : memref<10000x128xf32, #tpu.memory_space<hbm>> -> memref<10000x128xf32, #tpu.memory_space<hbm>>
      tpu.enqueue_indirect_dma source(%dma_start3A_76 : memref<10000x128xf32, #tpu.memory_space<hbm>>) target(%arg12 : memref<128x128xf32, #tpu.memory_space<vmem>>) offsets(%dma_start3A_73 : memref<128xi32, #tpu.memory_space<vmem>>) semaphore(%arg19 : memref<!tpu.dma_semaphore, #tpu.memory_space<semaphore_mem>>)
      %dma_start3A_77 = arith.constant 0 : i32
      %dma_start3A_78 = tpu.memref_slice %arg10[%mul3A_66, %dma_start3A_77] : memref<10x128xi32, #tpu.memory_space<vmem>> -> memref<1x128xi32, #tpu.memory_space<vmem>>
      %dma_start3A_79 = tpu.memref_squeeze %dma_start3A_78 : memref<1x128xi32, #tpu.memory_space<vmem>> -> memref<128xi32, #tpu.memory_space<vmem>>
      %dma_start3A_80 = arith.constant 0 : i32
      %dma_start3A_81 = arith.constant 0 : i32
      %dma_start3A_82 = tpu.memref_slice %arg5[%dma_start3A_80, %dma_start3A_81] : memref<10000x16xf32, #tpu.memory_space<hbm>> -> memref<10000x16xf32, #tpu.memory_space<hbm>>
      tpu.enqueue_indirect_dma source(%dma_start3A_82 : memref<10000x16xf32, #tpu.memory_space<hbm>>) target(%arg14 : memref<128x16xf32, #tpu.memory_space<vmem>>) offsets(%dma_start3A_79 : memref<128xi32, #tpu.memory_space<vmem>>) semaphore(%arg19 : memref<!tpu.dma_semaphore, #tpu.memory_space<semaphore_mem>>)
      %dma_start3A_83 = arith.constant 0 : i32
      %dma_start3A_84 = tpu.memref_slice %arg11[%mul3A_66, %dma_start3A_83] : memref<10x128xi32, #tpu.memory_space<vmem>> -> memref<1x128xi32, #tpu.memory_space<vmem>>
      %dma_start3A_85 = tpu.memref_squeeze %dma_start3A_84 : memref<1x128xi32, #tpu.memory_space<vmem>> -> memref<128xi32, #tpu.memory_space<vmem>>
      %dma_start3A_86 = arith.constant 0 : i32
      %dma_start3A_87 = arith.constant 0 : i32
      %dma_start3A_88 = tpu.memref_slice %arg6[%dma_start3A_86, %dma_start3A_87] : memref<10000x16xf32, #tpu.memory_space<hbm>> -> memref<10000x16xf32, #tpu.memory_space<hbm>>
      tpu.enqueue_indirect_dma source(%dma_start3A_88 : memref<10000x16xf32, #tpu.memory_space<hbm>>) target(%arg16 : memref<128x16xf32, #tpu.memory_space<vmem>>) offsets(%dma_start3A_85 : memref<128xi32, #tpu.memory_space<vmem>>) semaphore(%arg19 : memref<!tpu.dma_semaphore, #tpu.memory_space<semaphore_mem>>)
      %dma_start3A_89 = arith.constant 0 : i32
      %dma_start3A_90 = tpu.memref_slice %arg10[%add3A_68, %dma_start3A_89] : memref<10x128xi32, #tpu.memory_space<vmem>> -> memref<1x128xi32, #tpu.memory_space<vmem>>
      %dma_start3A_91 = tpu.memref_squeeze %dma_start3A_90 : memref<1x128xi32, #tpu.memory_space<vmem>> -> memref<128xi32, #tpu.memory_space<vmem>>
      %dma_start3A_92 = arith.constant 0 : i32
      %dma_start3A_93 = arith.constant 0 : i32
      %dma_start3A_94 = tpu.memref_slice %arg4[%dma_start3A_92, %dma_start3A_93] : memref<10000x128xf32, #tpu.memory_space<hbm>> -> memref<10000x128xf32, #tpu.memory_space<hbm>>
      tpu.enqueue_indirect_dma source(%dma_start3A_94 : memref<10000x128xf32, #tpu.memory_space<hbm>>) target(%arg13 : memref<128x128xf32, #tpu.memory_space<vmem>>) offsets(%dma_start3A_91 : memref<128xi32, #tpu.memory_space<vmem>>) semaphore(%arg20 : memref<!tpu.dma_semaphore, #tpu.memory_space<semaphore_mem>>)
      %dma_start3A_95 = arith.constant 0 : i32
      %dma_start3A_96 = tpu.memref_slice %arg10[%add3A_68, %dma_start3A_95] : memref<10x128xi32, #tpu.memory_space<vmem>> -> memref<1x128xi32, #tpu.memory_space<vmem>>
      %dma_start3A_97 = tpu.memref_squeeze %dma_start3A_96 : memref<1x128xi32, #tpu.memory_space<vmem>> -> memref<128xi32, #tpu.memory_space<vmem>>
      %dma_start3A_98 = arith.constant 0 : i32
      %dma_start3A_99 = arith.constant 0 : i32
      %dma_start3A_100 = tpu.memref_slice %arg5[%dma_start3A_98, %dma_start3A_99] : memref<10000x16xf32, #tpu.memory_space<hbm>> -> memref<10000x16xf32, #tpu.memory_space<hbm>>
      tpu.enqueue_indirect_dma source(%dma_start3A_100 : memref<10000x16xf32, #tpu.memory_space<hbm>>) target(%arg15 : memref<128x16xf32, #tpu.memory_space<vmem>>) offsets(%dma_start3A_97 : memref<128xi32, #tpu.memory_space<vmem>>) semaphore(%arg20 : memref<!tpu.dma_semaphore, #tpu.memory_space<semaphore_mem>>)
      %dma_start3A_101 = arith.constant 0 : i32
      %dma_start3A_102 = tpu.memref_slice %arg11[%add3A_68, %dma_start3A_101] : memref<10x128xi32, #tpu.memory_space<vmem>> -> memref<1x128xi32, #tpu.memory_space<vmem>>
      %dma_start3A_103 = tpu.memref_squeeze %dma_start3A_102 : memref<1x128xi32, #tpu.memory_space<vmem>> -> memref<128xi32, #tpu.memory_space<vmem>>
      %dma_start3A_104 = arith.constant 0 : i32
      %dma_start3A_105 = arith.constant 0 : i32
      %dma_start3A_106 = tpu.memref_slice %arg6[%dma_start3A_104, %dma_start3A_105] : memref<10000x16xf32, #tpu.memory_space<hbm>> -> memref<10000x16xf32, #tpu.memory_space<hbm>>
      tpu.enqueue_indirect_dma source(%dma_start3A_106 : memref<10000x16xf32, #tpu.memory_space<hbm>>) target(%arg17 : memref<128x16xf32, #tpu.memory_space<vmem>>) offsets(%dma_start3A_103 : memref<128xi32, #tpu.memory_space<vmem>>) semaphore(%arg20 : memref<!tpu.dma_semaphore, #tpu.memory_space<semaphore_mem>>)
      %dma_wait3A_107 = arith.constant 0 : i32
      %dma_wait3A_108 = tpu.memref_slice %arg10[%mul3A_66, %dma_wait3A_107] : memref<10x128xi32, #tpu.memory_space<vmem>> -> memref<1x128xi32, #tpu.memory_space<vmem>>
      %dma_wait3A_109 = tpu.memref_squeeze %dma_wait3A_108 : memref<1x128xi32, #tpu.memory_space<vmem>> -> memref<128xi32, #tpu.memory_space<vmem>>
      %dma_wait3A_110 = arith.constant 0 : i32
      %dma_wait3A_111 = arith.constant 0 : i32
      %dma_wait3A_112 = tpu.memref_slice %arg4[%dma_wait3A_110, %dma_wait3A_111] : memref<10000x128xf32, #tpu.memory_space<hbm>> -> memref<10000x128xf32, #tpu.memory_space<hbm>>
      tpu.wait_indirect_dma semaphore(%arg19 : memref<!tpu.dma_semaphore, #tpu.memory_space<semaphore_mem>>) src(%dma_wait3A_112 : memref<10000x128xf32, #tpu.memory_space<hbm>>) dst(%arg12 : memref<128x128xf32, #tpu.memory_space<vmem>>)
      %dma_wait3A_113 = arith.constant 0 : i32
      %dma_wait3A_114 = tpu.memref_slice %arg10[%mul3A_66, %dma_wait3A_113] : memref<10x128xi32, #tpu.memory_space<vmem>> -> memref<1x128xi32, #tpu.memory_space<vmem>>
      %dma_wait3A_115 = tpu.memref_squeeze %dma_wait3A_114 : memref<1x128xi32, #tpu.memory_space<vmem>> -> memref<128xi32, #tpu.memory_space<vmem>>
      %dma_wait3A_116 = arith.constant 0 : i32
      %dma_wait3A_117 = arith.constant 0 : i32
      %dma_wait3A_118 = tpu.memref_slice %arg5[%dma_wait3A_116, %dma_wait3A_117] : memref<10000x16xf32, #tpu.memory_space<hbm>> -> memref<10000x16xf32, #tpu.memory_space<hbm>>
      tpu.wait_indirect_dma semaphore(%arg19 : memref<!tpu.dma_semaphore, #tpu.memory_space<semaphore_mem>>) src(%dma_wait3A_118 : memref<10000x16xf32, #tpu.memory_space<hbm>>) dst(%arg14 : memref<128x16xf32, #tpu.memory_space<vmem>>)
      %dma_wait3A_119 = arith.constant 0 : i32
      %dma_wait3A_120 = tpu.memref_slice %arg11[%mul3A_66, %dma_wait3A_119] : memref<10x128xi32, #tpu.memory_space<vmem>> -> memref<1x128xi32, #tpu.memory_space<vmem>>
      %dma_wait3A_121 = tpu.memref_squeeze %dma_wait3A_120 : memref<1x128xi32, #tpu.memory_space<vmem>> -> memref<128xi32, #tpu.memory_space<vmem>>
      %dma_wait3A_122 = arith.constant 0 : i32
      %dma_wait3A_123 = arith.constant 0 : i32
      %dma_wait3A_124 = tpu.memref_slice %arg6[%dma_wait3A_122, %dma_wait3A_123] : memref<10000x16xf32, #tpu.memory_space<hbm>> -> memref<10000x16xf32, #tpu.memory_space<hbm>>
      tpu.wait_indirect_dma semaphore(%arg19 : memref<!tpu.dma_semaphore, #tpu.memory_space<semaphore_mem>>) src(%dma_wait3A_124 : memref<10000x16xf32, #tpu.memory_space<hbm>>) dst(%arg16 : memref<128x16xf32, #tpu.memory_space<vmem>>)
      %mul3A_125 = arith.constant 128 : i32
      %mul3A_126 = arith.muli %mul3A_66, %mul3A_125 : i32
      %add3A_127 = arith.addi %mul3A_2, %mul3A_126 : i32
      %dma_start3A_128 = arith.constant 0 : i32
      %dma_start3A_129 = tpu.memref_slice %arg7[%add3A_127, %dma_start3A_128] : memref<40960x128xf32, #tpu.memory_space<hbm>> -> memref<128x128xf32, #tpu.memory_space<hbm>>
      %dma_start3A_130 = arith.constant 0 : i32
      %dma_start3A_131 = tpu.memref_slice %arg7[%add3A_127, %dma_start3A_130] : memref<40960x128xf32, #tpu.memory_space<hbm>> -> memref<128x128xf32, #tpu.memory_space<hbm>>
      tpu.enqueue_dma source(%arg12 : memref<128x128xf32, #tpu.memory_space<vmem>>) target(%dma_start3A_131 : memref<128x128xf32, #tpu.memory_space<hbm>>) target_semaphore(%arg21 : memref<!tpu.dma_semaphore, #tpu.memory_space<semaphore_mem>>)
      %dma_start3A_132 = arith.constant 0 : i32
      %dma_start3A_133 = tpu.memref_slice %arg8[%add3A_127, %dma_start3A_132] : memref<40960x16xf32, #tpu.memory_space<hbm>> -> memref<128x16xf32, #tpu.memory_space<hbm>>
      %dma_start3A_134 = arith.constant 0 : i32
      %dma_start3A_135 = tpu.memref_slice %arg8[%add3A_127, %dma_start3A_134] : memref<40960x16xf32, #tpu.memory_space<hbm>> -> memref<128x16xf32, #tpu.memory_space<hbm>>
      tpu.enqueue_dma source(%arg14 : memref<128x16xf32, #tpu.memory_space<vmem>>) target(%dma_start3A_135 : memref<128x16xf32, #tpu.memory_space<hbm>>) target_semaphore(%arg21 : memref<!tpu.dma_semaphore, #tpu.memory_space<semaphore_mem>>)
      %dma_start3A_136 = arith.constant 0 : i32
      %dma_start3A_137 = tpu.memref_slice %arg9[%add3A_127, %dma_start3A_136] : memref<40960x16xf32, #tpu.memory_space<hbm>> -> memref<128x16xf32, #tpu.memory_space<hbm>>
      %dma_start3A_138 = arith.constant 0 : i32
      %dma_start3A_139 = tpu.memref_slice %arg9[%add3A_127, %dma_start3A_138] : memref<40960x16xf32, #tpu.memory_space<hbm>> -> memref<128x16xf32, #tpu.memory_space<hbm>>
      tpu.enqueue_dma source(%arg16 : memref<128x16xf32, #tpu.memory_space<vmem>>) target(%dma_start3A_139 : memref<128x16xf32, #tpu.memory_space<hbm>>) target_semaphore(%arg21 : memref<!tpu.dma_semaphore, #tpu.memory_space<semaphore_mem>>)
      %dma_wait3A_140 = arith.constant 0 : i32
      %dma_wait3A_141 = tpu.memref_slice %arg10[%add3A_68, %dma_wait3A_140] : memref<10x128xi32, #tpu.memory_space<vmem>> -> memref<1x128xi32, #tpu.memory_space<vmem>>
      %dma_wait3A_142 = tpu.memref_squeeze %dma_wait3A_141 : memref<1x128xi32, #tpu.memory_space<vmem>> -> memref<128xi32, #tpu.memory_space<vmem>>
      %dma_wait3A_143 = arith.constant 0 : i32
      %dma_wait3A_144 = arith.constant 0 : i32
      %dma_wait3A_145 = tpu.memref_slice %arg4[%dma_wait3A_143, %dma_wait3A_144] : memref<10000x128xf32, #tpu.memory_space<hbm>> -> memref<10000x128xf32, #tpu.memory_space<hbm>>
      tpu.wait_indirect_dma semaphore(%arg20 : memref<!tpu.dma_semaphore, #tpu.memory_space<semaphore_mem>>) src(%dma_wait3A_145 : memref<10000x128xf32, #tpu.memory_space<hbm>>) dst(%arg13 : memref<128x128xf32, #tpu.memory_space<vmem>>)
      %dma_wait3A_146 = arith.constant 0 : i32
      %dma_wait3A_147 = tpu.memref_slice %arg10[%add3A_68, %dma_wait3A_146] : memref<10x128xi32, #tpu.memory_space<vmem>> -> memref<1x128xi32, #tpu.memory_space<vmem>>
      %dma_wait3A_148 = tpu.memref_squeeze %dma_wait3A_147 : memref<1x128xi32, #tpu.memory_space<vmem>> -> memref<128xi32, #tpu.memory_space<vmem>>
      %dma_wait3A_149 = arith.constant 0 : i32
      %dma_wait3A_150 = arith.constant 0 : i32
      %dma_wait3A_151 = tpu.memref_slice %arg5[%dma_wait3A_149, %dma_wait3A_150] : memref<10000x16xf32, #tpu.memory_space<hbm>> -> memref<10000x16xf32, #tpu.memory_space<hbm>>
      tpu.wait_indirect_dma semaphore(%arg20 : memref<!tpu.dma_semaphore, #tpu.memory_space<semaphore_mem>>) src(%dma_wait3A_151 : memref<10000x16xf32, #tpu.memory_space<hbm>>) dst(%arg15 : memref<128x16xf32, #tpu.memory_space<vmem>>)
      %dma_wait3A_152 = arith.constant 0 : i32
      %dma_wait3A_153 = tpu.memref_slice %arg11[%add3A_68, %dma_wait3A_152] : memref<10x128xi32, #tpu.memory_space<vmem>> -> memref<1x128xi32, #tpu.memory_space<vmem>>
      %dma_wait3A_154 = tpu.memref_squeeze %dma_wait3A_153 : memref<1x128xi32, #tpu.memory_space<vmem>> -> memref<128xi32, #tpu.memory_space<vmem>>
      %dma_wait3A_155 = arith.constant 0 : i32
      %dma_wait3A_156 = arith.constant 0 : i32
      %dma_wait3A_157 = tpu.memref_slice %arg6[%dma_wait3A_155, %dma_wait3A_156] : memref<10000x16xf32, #tpu.memory_space<hbm>> -> memref<10000x16xf32, #tpu.memory_space<hbm>>
      tpu.wait_indirect_dma semaphore(%arg20 : memref<!tpu.dma_semaphore, #tpu.memory_space<semaphore_mem>>) src(%dma_wait3A_157 : memref<10000x16xf32, #tpu.memory_space<hbm>>) dst(%arg17 : memref<128x16xf32, #tpu.memory_space<vmem>>)
      %mul3A_158 = arith.constant 128 : i32
      %mul3A_159 = arith.muli %add3A_68, %mul3A_158 : i32
      %add3A_160 = arith.addi %mul3A_2, %mul3A_159 : i32
      %dma_start3A_161 = arith.constant 0 : i32
      %dma_start3A_162 = tpu.memref_slice %arg7[%add3A_160, %dma_start3A_161] : memref<40960x128xf32, #tpu.memory_space<hbm>> -> memref<128x128xf32, #tpu.memory_space<hbm>>
      %dma_start3A_163 = arith.constant 0 : i32
      %dma_start3A_164 = tpu.memref_slice %arg7[%add3A_160, %dma_start3A_163] : memref<40960x128xf32, #tpu.memory_space<hbm>> -> memref<128x128xf32, #tpu.memory_space<hbm>>
      tpu.enqueue_dma source(%arg13 : memref<128x128xf32, #tpu.memory_space<vmem>>) target(%dma_start3A_164 : memref<128x128xf32, #tpu.memory_space<hbm>>) target_semaphore(%arg22 : memref<!tpu.dma_semaphore, #tpu.memory_space<semaphore_mem>>)
      %dma_start3A_165 = arith.constant 0 : i32
      %dma_start3A_166 = tpu.memref_slice %arg8[%add3A_160, %dma_start3A_165] : memref<40960x16xf32, #tpu.memory_space<hbm>> -> memref<128x16xf32, #tpu.memory_space<hbm>>
      %dma_start3A_167 = arith.constant 0 : i32
      %dma_start3A_168 = tpu.memref_slice %arg8[%add3A_160, %dma_start3A_167] : memref<40960x16xf32, #tpu.memory_space<hbm>> -> memref<128x16xf32, #tpu.memory_space<hbm>>
      tpu.enqueue_dma source(%arg15 : memref<128x16xf32, #tpu.memory_space<vmem>>) target(%dma_start3A_168 : memref<128x16xf32, #tpu.memory_space<hbm>>) target_semaphore(%arg22 : memref<!tpu.dma_semaphore, #tpu.memory_space<semaphore_mem>>)
      %dma_start3A_169 = arith.constant 0 : i32
      %dma_start3A_170 = tpu.memref_slice %arg9[%add3A_160, %dma_start3A_169] : memref<40960x16xf32, #tpu.memory_space<hbm>> -> memref<128x16xf32, #tpu.memory_space<hbm>>
      %dma_start3A_171 = arith.constant 0 : i32
      %dma_start3A_172 = tpu.memref_slice %arg9[%add3A_160, %dma_start3A_171] : memref<40960x16xf32, #tpu.memory_space<hbm>> -> memref<128x16xf32, #tpu.memory_space<hbm>>
      tpu.enqueue_dma source(%arg17 : memref<128x16xf32, #tpu.memory_space<vmem>>) target(%dma_start3A_172 : memref<128x16xf32, #tpu.memory_space<hbm>>) target_semaphore(%arg22 : memref<!tpu.dma_semaphore, #tpu.memory_space<semaphore_mem>>)
      %scan3A_173 = arith.constant 0 : i32
      scf.yield %scan3A_173 : i32
    }
    %scan3A_38 = arith.constant 5 : i32
    %dma_wait3A_39 = arith.constant 0 : i32
    %dma_wait3A_40 = tpu.memref_slice %arg7[%mul3A_2, %dma_wait3A_39] : memref<40960x128xf32, #tpu.memory_space<hbm>> -> memref<128x128xf32, #tpu.memory_space<hbm>>
    %dma_wait3A_41 = arith.constant 0 : i32
    %dma_wait3A_42 = tpu.memref_slice %arg7[%mul3A_2, %dma_wait3A_41] : memref<40960x128xf32, #tpu.memory_space<hbm>> -> memref<128x128xf32, #tpu.memory_space<hbm>>
    tpu.wait_dma2 semaphore(%arg21 : memref<!tpu.dma_semaphore, #tpu.memory_space<semaphore_mem>>) src(%arg12 : memref<128x128xf32, #tpu.memory_space<vmem>>) dst(%dma_wait3A_42 : memref<128x128xf32, #tpu.memory_space<hbm>>)
    %dma_wait3A_43 = arith.constant 0 : i32
    %dma_wait3A_44 = tpu.memref_slice %arg8[%mul3A_2, %dma_wait3A_43] : memref<40960x16xf32, #tpu.memory_space<hbm>> -> memref<128x16xf32, #tpu.memory_space<hbm>>
    %dma_wait3A_45 = arith.constant 0 : i32
    %dma_wait3A_46 = tpu.memref_slice %arg8[%mul3A_2, %dma_wait3A_45] : memref<40960x16xf32, #tpu.memory_space<hbm>> -> memref<128x16xf32, #tpu.memory_space<hbm>>
    tpu.wait_dma2 semaphore(%arg21 : memref<!tpu.dma_semaphore, #tpu.memory_space<semaphore_mem>>) src(%arg14 : memref<128x16xf32, #tpu.memory_space<vmem>>) dst(%dma_wait3A_46 : memref<128x16xf32, #tpu.memory_space<hbm>>)
    %dma_wait3A_47 = arith.constant 0 : i32
    %dma_wait3A_48 = tpu.memref_slice %arg9[%mul3A_2, %dma_wait3A_47] : memref<40960x16xf32, #tpu.memory_space<hbm>> -> memref<128x16xf32, #tpu.memory_space<hbm>>
    %dma_wait3A_49 = arith.constant 0 : i32
    %dma_wait3A_50 = tpu.memref_slice %arg9[%mul3A_2, %dma_wait3A_49] : memref<40960x16xf32, #tpu.memory_space<hbm>> -> memref<128x16xf32, #tpu.memory_space<hbm>>
    tpu.wait_dma2 semaphore(%arg21 : memref<!tpu.dma_semaphore, #tpu.memory_space<semaphore_mem>>) src(%arg16 : memref<128x16xf32, #tpu.memory_space<vmem>>) dst(%dma_wait3A_50 : memref<128x16xf32, #tpu.memory_space<hbm>>)
    %dma_wait3A_51 = arith.constant 0 : i32
    %dma_wait3A_52 = tpu.memref_slice %arg7[%mul3A_2, %dma_wait3A_51] : memref<40960x128xf32, #tpu.memory_space<hbm>> -> memref<128x128xf32, #tpu.memory_space<hbm>>
    %dma_wait3A_53 = arith.constant 0 : i32
    %dma_wait3A_54 = tpu.memref_slice %arg7[%mul3A_2, %dma_wait3A_53] : memref<40960x128xf32, #tpu.memory_space<hbm>> -> memref<128x128xf32, #tpu.memory_space<hbm>>
    tpu.wait_dma2 semaphore(%arg22 : memref<!tpu.dma_semaphore, #tpu.memory_space<semaphore_mem>>) src(%arg13 : memref<128x128xf32, #tpu.memory_space<vmem>>) dst(%dma_wait3A_54 : memref<128x128xf32, #tpu.memory_space<hbm>>)
    %dma_wait3A_55 = arith.constant 0 : i32
    %dma_wait3A_56 = tpu.memref_slice %arg8[%mul3A_2, %dma_wait3A_55] : memref<40960x16xf32, #tpu.memory_space<hbm>> -> memref<128x16xf32, #tpu.memory_space<hbm>>
    %dma_wait3A_57 = arith.constant 0 : i32
    %dma_wait3A_58 = tpu.memref_slice %arg8[%mul3A_2, %dma_wait3A_57] : memref<40960x16xf32, #tpu.memory_space<hbm>> -> memref<128x16xf32, #tpu.memory_space<hbm>>
    tpu.wait_dma2 semaphore(%arg22 : memref<!tpu.dma_semaphore, #tpu.memory_space<semaphore_mem>>) src(%arg15 : memref<128x16xf32, #tpu.memory_space<vmem>>) dst(%dma_wait3A_58 : memref<128x16xf32, #tpu.memory_space<hbm>>)
    %dma_wait3A_59 = arith.constant 0 : i32
    %dma_wait3A_60 = tpu.memref_slice %arg9[%mul3A_2, %dma_wait3A_59] : memref<40960x16xf32, #tpu.memory_space<hbm>> -> memref<128x16xf32, #tpu.memory_space<hbm>>
    %dma_wait3A_61 = arith.constant 0 : i32
    %dma_wait3A_62 = tpu.memref_slice %arg9[%mul3A_2, %dma_wait3A_61] : memref<40960x16xf32, #tpu.memory_space<hbm>> -> memref<128x16xf32, #tpu.memory_space<hbm>>
    tpu.wait_dma2 semaphore(%arg22 : memref<!tpu.dma_semaphore, #tpu.memory_space<semaphore_mem>>) src(%arg17 : memref<128x16xf32, #tpu.memory_space<vmem>>) dst(%dma_wait3A_62 : memref<128x16xf32, #tpu.memory_space<hbm>>)
    return
  }
}

#map = affine_map<(d0, d1) -> (0, 0, 0)>
#map1 = affine_map<(d0, d1) -> (0, 0)>
module attributes {stable_mosaic.version = 14 : i64} {
  func.func @_gather_body(%arg0: i32, %arg1: i32, %arg2: memref<32x10x128xi32, #tpu.memory_space<hbm>>, %arg3: memref<32x10x128xi32, #tpu.memory_space<hbm>>, %arg4: memref<10000x128xf32, #tpu.memory_space<hbm>>, %arg5: memref<10000x16xf32, #tpu.memory_space<hbm>>, %arg6: memref<10000x16xf32, #tpu.memory_space<hbm>>, %arg7: memref<40960x128xf32, #tpu.memory_space<hbm>>, %arg8: memref<40960x16xf32, #tpu.memory_space<hbm>>, %arg9: memref<40960x16xf32, #tpu.memory_space<hbm>>, %arg10: memref<10x128xi32, #tpu.memory_space<vmem>>, %arg11: memref<10x128xi32, #tpu.memory_space<vmem>>, %arg12: memref<128x128xf32, #tpu.memory_space<vmem>>, %arg13: memref<128x128xf32, #tpu.memory_space<vmem>>, %arg14: memref<128x16xf32, #tpu.memory_space<vmem>>, %arg15: memref<128x16xf32, #tpu.memory_space<vmem>>, %arg16: memref<128x16xf32, #tpu.memory_space<vmem>>, %arg17: memref<128x16xf32, #tpu.memory_space<vmem>>, %arg18: memref<!tpu.dma_semaphore, #tpu.memory_space<semaphore_mem>>, %arg19: memref<!tpu.dma_semaphore, #tpu.memory_space<semaphore_mem>>, %arg20: memref<!tpu.dma_semaphore, #tpu.memory_space<semaphore_mem>>, %arg21: memref<!tpu.dma_semaphore, #tpu.memory_space<semaphore_mem>>, %arg22: memref<!tpu.dma_semaphore, #tpu.memory_space<semaphore_mem>>) attributes {dimension_semantics = [#tpu.dimension_semantics<core_parallel>, #tpu.dimension_semantics<subcore_parallel>], iteration_bounds = array<i64: 2, 16>, scalar_prefetch = 0 : i64, scratch_operands = 13 : i64, tpu.core_type = #tpu.core_type<sc_vector_subcore>, window_params = [{transform_indices = #map}, {transform_indices = #map}, {transform_indices = #map1}, {transform_indices = #map1}, {transform_indices = #map1}, {transform_indices = #map1}, {transform_indices = #map1}, {transform_indices = #map1}]} {
    %mul3A = arith.constant 2 : i32
    %mul3A_0 = arith.muli %arg1, %mul3A : i32
    %add3A = arith.addi %mul3A_0, %arg0 : i32
    %mul3A_1 = arith.constant 1280 : i32
    %mul3A_2 = arith.muli %add3A, %mul3A_1 : i32
    %dma_start3A = arith.constant 0 : i32
    %dma_start3A_3 = arith.constant 0 : i32
    %dma_start3A_4 = tpu.memref_slice %arg2[%add3A, %dma_start3A, %dma_start3A_3] : memref<32x10x128xi32, #tpu.memory_space<hbm>> -> memref<1x10x128xi32, #tpu.memory_space<hbm>>
    %dma_start3A_5 = tpu.memref_squeeze %dma_start3A_4 : memref<1x10x128xi32, #tpu.memory_space<hbm>> -> memref<10x128xi32, #tpu.memory_space<hbm>>
    %dma_start3A_6 = arith.constant 0 : i32
    %dma_start3A_7 = arith.constant 0 : i32
    %dma_start3A_8 = tpu.memref_slice %arg2[%add3A, %dma_start3A_6, %dma_start3A_7] : memref<32x10x128xi32, #tpu.memory_space<hbm>> -> memref<1x10x128xi32, #tpu.memory_space<hbm>>
    %dma_start3A_9 = tpu.memref_squeeze %dma_start3A_8 : memref<1x10x128xi32, #tpu.memory_space<hbm>> -> memref<10x128xi32, #tpu.memory_space<hbm>>
    tpu.enqueue_dma source(%dma_start3A_9 : memref<10x128xi32, #tpu.memory_space<hbm>>) target(%arg10 : memref<10x128xi32, #tpu.memory_space<vmem>>) target_semaphore(%arg18 : memref<!tpu.dma_semaphore, #tpu.memory_space<semaphore_mem>>)
    %dma_wait3A = arith.constant 0 : i32
    %dma_wait3A_10 = arith.constant 0 : i32
    %dma_wait3A_11 = tpu.memref_slice %arg2[%add3A, %dma_wait3A, %dma_wait3A_10] : memref<32x10x128xi32, #tpu.memory_space<hbm>> -> memref<1x10x128xi32, #tpu.memory_space<hbm>>
    %dma_wait3A_12 = tpu.memref_squeeze %dma_wait3A_11 : memref<1x10x128xi32, #tpu.memory_space<hbm>> -> memref<10x128xi32, #tpu.memory_space<hbm>>
    %dma_wait3A_13 = arith.constant 0 : i32
    %dma_wait3A_14 = arith.constant 0 : i32
    %dma_wait3A_15 = tpu.memref_slice %arg2[%add3A, %dma_wait3A_13, %dma_wait3A_14] : memref<32x10x128xi32, #tpu.memory_space<hbm>> -> memref<1x10x128xi32, #tpu.memory_space<hbm>>
    %dma_wait3A_16 = tpu.memref_squeeze %dma_wait3A_15 : memref<1x10x128xi32, #tpu.memory_space<hbm>> -> memref<10x128xi32, #tpu.memory_space<hbm>>
    tpu.wait_dma2 semaphore(%arg18 : memref<!tpu.dma_semaphore, #tpu.memory_space<semaphore_mem>>) src(%dma_wait3A_16 : memref<10x128xi32, #tpu.memory_space<hbm>>) dst(%arg10 : memref<10x128xi32, #tpu.memory_space<vmem>>)
    %dma_start3A_17 = arith.constant 0 : i32
    %dma_start3A_18 = arith.constant 0 : i32
    %dma_start3A_19 = tpu.memref_slice %arg3[%add3A, %dma_start3A_17, %dma_start3A_18] : memref<32x10x128xi32, #tpu.memory_space<hbm>> -> memref<1x10x128xi32, #tpu.memory_space<hbm>>
    %dma_start3A_20 = tpu.memref_squeeze %dma_start3A_19 : memref<1x10x128xi32, #tpu.memory_space<hbm>> -> memref<10x128xi32, #tpu.memory_space<hbm>>
    %dma_start3A_21 = arith.constant 0 : i32
    %dma_start3A_22 = arith.constant 0 : i32
    %dma_start3A_23 = tpu.memref_slice %arg3[%add3A, %dma_start3A_21, %dma_start3A_22] : memref<32x10x128xi32, #tpu.memory_space<hbm>> -> memref<1x10x128xi32, #tpu.memory_space<hbm>>
    %dma_start3A_24 = tpu.memref_squeeze %dma_start3A_23 : memref<1x10x128xi32, #tpu.memory_space<hbm>> -> memref<10x128xi32, #tpu.memory_space<hbm>>
    tpu.enqueue_dma source(%dma_start3A_24 : memref<10x128xi32, #tpu.memory_space<hbm>>) target(%arg11 : memref<10x128xi32, #tpu.memory_space<vmem>>) target_semaphore(%arg18 : memref<!tpu.dma_semaphore, #tpu.memory_space<semaphore_mem>>)
    %dma_wait3A_25 = arith.constant 0 : i32
    %dma_wait3A_26 = arith.constant 0 : i32
    %dma_wait3A_27 = tpu.memref_slice %arg3[%add3A, %dma_wait3A_25, %dma_wait3A_26] : memref<32x10x128xi32, #tpu.memory_space<hbm>> -> memref<1x10x128xi32, #tpu.memory_space<hbm>>
    %dma_wait3A_28 = tpu.memref_squeeze %dma_wait3A_27 : memref<1x10x128xi32, #tpu.memory_space<hbm>> -> memref<10x128xi32, #tpu.memory_space<hbm>>
    %dma_wait3A_29 = arith.constant 0 : i32
    %dma_wait3A_30 = arith.constant 0 : i32
    %dma_wait3A_31 = tpu.memref_slice %arg3[%add3A, %dma_wait3A_29, %dma_wait3A_30] : memref<32x10x128xi32, #tpu.memory_space<hbm>> -> memref<1x10x128xi32, #tpu.memory_space<hbm>>
    %dma_wait3A_32 = tpu.memref_squeeze %dma_wait3A_31 : memref<1x10x128xi32, #tpu.memory_space<hbm>> -> memref<10x128xi32, #tpu.memory_space<hbm>>
    tpu.wait_dma2 semaphore(%arg18 : memref<!tpu.dma_semaphore, #tpu.memory_space<semaphore_mem>>) src(%dma_wait3A_32 : memref<10x128xi32, #tpu.memory_space<hbm>>) dst(%arg11 : memref<10x128xi32, #tpu.memory_space<vmem>>)
    %scan3A = arith.constant 0 : i32
    %scan3A_33 = arith.constant 0 : i32
    %scan3A_34 = arith.constant 5 : i32
    %scan3A_35 = arith.addi %scan3A_33, %scan3A_34 : i32
    %scan3A_36 = arith.constant 1 : i32
    %scan3A_37 = scf.for %scan3A_63 = %scan3A_33 to %scan3A_35 step %scan3A_36 iter_args(%scan3A_64 = %scan3A) -> (i32)  : i32 {
      %mul3A_65 = arith.constant 2 : i32
      %mul3A_66 = arith.muli %mul3A_65, %scan3A_63 : i32
      %add3A_67 = arith.constant 1 : i32
      %add3A_68 = arith.addi %mul3A_66, %add3A_67 : i32
      %gt3A = arith.constant 0 : i32
      %gt3A_69 = arith.cmpi sgt, %scan3A_63, %gt3A : i32
      %convert_element_type3A = arith.extui %gt3A_69 : i1 to i32
      %cond3A = arith.constant 0 : i32
      %cond3A_70 = arith.cmpi ne, %convert_element_type3A, %cond3A : i32
      scf.if %cond3A_70 {
        %dma_wait3A_174 = arith.constant 0 : i32
        %dma_wait3A_175 = tpu.memref_slice %arg7[%mul3A_2, %dma_wait3A_174] : memref<40960x128xf32, #tpu.memory_space<hbm>> -> memref<128x128xf32, #tpu.memory_space<hbm>>
        %dma_wait3A_176 = arith.constant 0 : i32
        %dma_wait3A_177 = tpu.memref_slice %arg7[%mul3A_2, %dma_wait3A_176] : memref<40960x128xf32, #tpu.memory_space<hbm>> -> memref<128x128xf32, #tpu.memory_space<hbm>>
        tpu.wait_dma2 semaphore(%arg21 : memref<!tpu.dma_semaphore, #tpu.memory_space<semaphore_mem>>) src(%arg12 : memref<128x128xf32, #tpu.memory_space<vmem>>) dst(%dma_wait3A_177 : memref<128x128xf32, #tpu.memory_space<hbm>>)
        %dma_wait3A_178 = arith.constant 0 : i32
        %dma_wait3A_179 = tpu.memref_slice %arg8[%mul3A_2, %dma_wait3A_178] : memref<40960x16xf32, #tpu.memory_space<hbm>> -> memref<128x16xf32, #tpu.memory_space<hbm>>
        %dma_wait3A_180 = arith.constant 0 : i32
        %dma_wait3A_181 = tpu.memref_slice %arg8[%mul3A_2, %dma_wait3A_180] : memref<40960x16xf32, #tpu.memory_space<hbm>> -> memref<128x16xf32, #tpu.memory_space<hbm>>
        tpu.wait_dma2 semaphore(%arg21 : memref<!tpu.dma_semaphore, #tpu.memory_space<semaphore_mem>>) src(%arg14 : memref<128x16xf32, #tpu.memory_space<vmem>>) dst(%dma_wait3A_181 : memref<128x16xf32, #tpu.memory_space<hbm>>)
        %dma_wait3A_182 = arith.constant 0 : i32
        %dma_wait3A_183 = tpu.memref_slice %arg9[%mul3A_2, %dma_wait3A_182] : memref<40960x16xf32, #tpu.memory_space<hbm>> -> memref<128x16xf32, #tpu.memory_space<hbm>>
        %dma_wait3A_184 = arith.constant 0 : i32
        %dma_wait3A_185 = tpu.memref_slice %arg9[%mul3A_2, %dma_wait3A_184] : memref<40960x16xf32, #tpu.memory_space<hbm>> -> memref<128x16xf32, #tpu.memory_space<hbm>>
        tpu.wait_dma2 semaphore(%arg21 : memref<!tpu.dma_semaphore, #tpu.memory_space<semaphore_mem>>) src(%arg16 : memref<128x16xf32, #tpu.memory_space<vmem>>) dst(%dma_wait3A_185 : memref<128x16xf32, #tpu.memory_space<hbm>>)
        %dma_wait3A_186 = arith.constant 0 : i32
        %dma_wait3A_187 = tpu.memref_slice %arg7[%mul3A_2, %dma_wait3A_186] : memref<40960x128xf32, #tpu.memory_space<hbm>> -> memref<128x128xf32, #tpu.memory_space<hbm>>
        %dma_wait3A_188 = arith.constant 0 : i32
        %dma_wait3A_189 = tpu.memref_slice %arg7[%mul3A_2, %dma_wait3A_188] : memref<40960x128xf32, #tpu.memory_space<hbm>> -> memref<128x128xf32, #tpu.memory_space<hbm>>
        tpu.wait_dma2 semaphore(%arg22 : memref<!tpu.dma_semaphore, #tpu.memory_space<semaphore_mem>>) src(%arg13 : memref<128x128xf32, #tpu.memory_space<vmem>>) dst(%dma_wait3A_189 : memref<128x128xf32, #tpu.memory_space<hbm>>)
        %dma_wait3A_190 = arith.constant 0 : i32
        %dma_wait3A_191 = tpu.memref_slice %arg8[%mul3A_2, %dma_wait3A_190] : memref<40960x16xf32, #tpu.memory_space<hbm>> -> memref<128x16xf32, #tpu.memory_space<hbm>>
        %dma_wait3A_192 = arith.constant 0 : i32
        %dma_wait3A_193 = tpu.memref_slice %arg8[%mul3A_2, %dma_wait3A_192] : memref<40960x16xf32, #tpu.memory_space<hbm>> -> memref<128x16xf32, #tpu.memory_space<hbm>>
        tpu.wait_dma2 semaphore(%arg22 : memref<!tpu.dma_semaphore, #tpu.memory_space<semaphore_mem>>) src(%arg15 : memref<128x16xf32, #tpu.memory_space<vmem>>) dst(%dma_wait3A_193 : memref<128x16xf32, #tpu.memory_space<hbm>>)
        %dma_wait3A_194 = arith.constant 0 : i32
        %dma_wait3A_195 = tpu.memref_slice %arg9[%mul3A_2, %dma_wait3A_194] : memref<40960x16xf32, #tpu.memory_space<hbm>> -> memref<128x16xf32, #tpu.memory_space<hbm>>
        %dma_wait3A_196 = arith.constant 0 : i32
        %dma_wait3A_197 = tpu.memref_slice %arg9[%mul3A_2, %dma_wait3A_196] : memref<40960x16xf32, #tpu.memory_space<hbm>> -> memref<128x16xf32, #tpu.memory_space<hbm>>
        tpu.wait_dma2 semaphore(%arg22 : memref<!tpu.dma_semaphore, #tpu.memory_space<semaphore_mem>>) src(%arg17 : memref<128x16xf32, #tpu.memory_space<vmem>>) dst(%dma_wait3A_197 : memref<128x16xf32, #tpu.memory_space<hbm>>)
      } else {
      }
      %dma_start3A_71 = arith.constant 0 : i32
      %dma_start3A_72 = tpu.memref_slice %arg10[%mul3A_66, %dma_start3A_71] : memref<10x128xi32, #tpu.memory_space<vmem>> -> memref<1x128xi32, #tpu.memory_space<vmem>>
      %dma_start3A_73 = tpu.memref_squeeze %dma_start3A_72 : memref<1x128xi32, #tpu.memory_space<vmem>> -> memref<128xi32, #tpu.memory_space<vmem>>
      %dma_start3A_74 = arith.constant 0 : i32
      %dma_start3A_75 = arith.constant 0 : i32
      %dma_start3A_76 = tpu.memref_slice %arg4[%dma_start3A_74, %dma_start3A_75] : memref<10000x128xf32, #tpu.memory_space<hbm>> -> memref<10000x128xf32, #tpu.memory_space<hbm>>
      tpu.enqueue_indirect_dma source(%dma_start3A_76 : memref<10000x128xf32, #tpu.memory_space<hbm>>) target(%arg12 : memref<128x128xf32, #tpu.memory_space<vmem>>) offsets(%dma_start3A_73 : memref<128xi32, #tpu.memory_space<vmem>>) semaphore(%arg19 : memref<!tpu.dma_semaphore, #tpu.memory_space<semaphore_mem>>)
      %dma_start3A_77 = arith.constant 0 : i32
      %dma_start3A_78 = tpu.memref_slice %arg10[%mul3A_66, %dma_start3A_77] : memref<10x128xi32, #tpu.memory_space<vmem>> -> memref<1x128xi32, #tpu.memory_space<vmem>>
      %dma_start3A_79 = tpu.memref_squeeze %dma_start3A_78 : memref<1x128xi32, #tpu.memory_space<vmem>> -> memref<128xi32, #tpu.memory_space<vmem>>
      %dma_start3A_80 = arith.constant 0 : i32
      %dma_start3A_81 = arith.constant 0 : i32
      %dma_start3A_82 = tpu.memref_slice %arg5[%dma_start3A_80, %dma_start3A_81] : memref<10000x16xf32, #tpu.memory_space<hbm>> -> memref<10000x16xf32, #tpu.memory_space<hbm>>
      tpu.enqueue_indirect_dma source(%dma_start3A_82 : memref<10000x16xf32, #tpu.memory_space<hbm>>) target(%arg14 : memref<128x16xf32, #tpu.memory_space<vmem>>) offsets(%dma_start3A_79 : memref<128xi32, #tpu.memory_space<vmem>>) semaphore(%arg19 : memref<!tpu.dma_semaphore, #tpu.memory_space<semaphore_mem>>)
      %dma_start3A_83 = arith.constant 0 : i32
      %dma_start3A_84 = tpu.memref_slice %arg11[%mul3A_66, %dma_start3A_83] : memref<10x128xi32, #tpu.memory_space<vmem>> -> memref<1x128xi32, #tpu.memory_space<vmem>>
      %dma_start3A_85 = tpu.memref_squeeze %dma_start3A_84 : memref<1x128xi32, #tpu.memory_space<vmem>> -> memref<128xi32, #tpu.memory_space<vmem>>
      %dma_start3A_86 = arith.constant 0 : i32
      %dma_start3A_87 = arith.constant 0 : i32
      %dma_start3A_88 = tpu.memref_slice %arg6[%dma_start3A_86, %dma_start3A_87] : memref<10000x16xf32, #tpu.memory_space<hbm>> -> memref<10000x16xf32, #tpu.memory_space<hbm>>
      tpu.enqueue_indirect_dma source(%dma_start3A_88 : memref<10000x16xf32, #tpu.memory_space<hbm>>) target(%arg16 : memref<128x16xf32, #tpu.memory_space<vmem>>) offsets(%dma_start3A_85 : memref<128xi32, #tpu.memory_space<vmem>>) semaphore(%arg19 : memref<!tpu.dma_semaphore, #tpu.memory_space<semaphore_mem>>)
      %dma_start3A_89 = arith.constant 0 : i32
      %dma_start3A_90 = tpu.memref_slice %arg10[%add3A_68, %dma_start3A_89] : memref<10x128xi32, #tpu.memory_space<vmem>> -> memref<1x128xi32, #tpu.memory_space<vmem>>
      %dma_start3A_91 = tpu.memref_squeeze %dma_start3A_90 : memref<1x128xi32, #tpu.memory_space<vmem>> -> memref<128xi32, #tpu.memory_space<vmem>>
      %dma_start3A_92 = arith.constant 0 : i32
      %dma_start3A_93 = arith.constant 0 : i32
      %dma_start3A_94 = tpu.memref_slice %arg4[%dma_start3A_92, %dma_start3A_93] : memref<10000x128xf32, #tpu.memory_space<hbm>> -> memref<10000x128xf32, #tpu.memory_space<hbm>>
      tpu.enqueue_indirect_dma source(%dma_start3A_94 : memref<10000x128xf32, #tpu.memory_space<hbm>>) target(%arg13 : memref<128x128xf32, #tpu.memory_space<vmem>>) offsets(%dma_start3A_91 : memref<128xi32, #tpu.memory_space<vmem>>) semaphore(%arg20 : memref<!tpu.dma_semaphore, #tpu.memory_space<semaphore_mem>>)
      %dma_start3A_95 = arith.constant 0 : i32
      %dma_start3A_96 = tpu.memref_slice %arg10[%add3A_68, %dma_start3A_95] : memref<10x128xi32, #tpu.memory_space<vmem>> -> memref<1x128xi32, #tpu.memory_space<vmem>>
      %dma_start3A_97 = tpu.memref_squeeze %dma_start3A_96 : memref<1x128xi32, #tpu.memory_space<vmem>> -> memref<128xi32, #tpu.memory_space<vmem>>
      %dma_start3A_98 = arith.constant 0 : i32
      %dma_start3A_99 = arith.constant 0 : i32
      %dma_start3A_100 = tpu.memref_slice %arg5[%dma_start3A_98, %dma_start3A_99] : memref<10000x16xf32, #tpu.memory_space<hbm>> -> memref<10000x16xf32, #tpu.memory_space<hbm>>
      tpu.enqueue_indirect_dma source(%dma_start3A_100 : memref<10000x16xf32, #tpu.memory_space<hbm>>) target(%arg15 : memref<128x16xf32, #tpu.memory_space<vmem>>) offsets(%dma_start3A_97 : memref<128xi32, #tpu.memory_space<vmem>>) semaphore(%arg20 : memref<!tpu.dma_semaphore, #tpu.memory_space<semaphore_mem>>)
      %dma_start3A_101 = arith.constant 0 : i32
      %dma_start3A_102 = tpu.memref_slice %arg11[%add3A_68, %dma_start3A_101] : memref<10x128xi32, #tpu.memory_space<vmem>> -> memref<1x128xi32, #tpu.memory_space<vmem>>
      %dma_start3A_103 = tpu.memref_squeeze %dma_start3A_102 : memref<1x128xi32, #tpu.memory_space<vmem>> -> memref<128xi32, #tpu.memory_space<vmem>>
      %dma_start3A_104 = arith.constant 0 : i32
      %dma_start3A_105 = arith.constant 0 : i32
      %dma_start3A_106 = tpu.memref_slice %arg6[%dma_start3A_104, %dma_start3A_105] : memref<10000x16xf32, #tpu.memory_space<hbm>> -> memref<10000x16xf32, #tpu.memory_space<hbm>>
      tpu.enqueue_indirect_dma source(%dma_start3A_106 : memref<10000x16xf32, #tpu.memory_space<hbm>>) target(%arg17 : memref<128x16xf32, #tpu.memory_space<vmem>>) offsets(%dma_start3A_103 : memref<128xi32, #tpu.memory_space<vmem>>) semaphore(%arg20 : memref<!tpu.dma_semaphore, #tpu.memory_space<semaphore_mem>>)
      %dma_wait3A_107 = arith.constant 0 : i32
      %dma_wait3A_108 = tpu.memref_slice %arg10[%mul3A_66, %dma_wait3A_107] : memref<10x128xi32, #tpu.memory_space<vmem>> -> memref<1x128xi32, #tpu.memory_space<vmem>>
      %dma_wait3A_109 = tpu.memref_squeeze %dma_wait3A_108 : memref<1x128xi32, #tpu.memory_space<vmem>> -> memref<128xi32, #tpu.memory_space<vmem>>
      %dma_wait3A_110 = arith.constant 0 : i32
      %dma_wait3A_111 = arith.constant 0 : i32
      %dma_wait3A_112 = tpu.memref_slice %arg4[%dma_wait3A_110, %dma_wait3A_111] : memref<10000x128xf32, #tpu.memory_space<hbm>> -> memref<10000x128xf32, #tpu.memory_space<hbm>>
      tpu.wait_indirect_dma semaphore(%arg19 : memref<!tpu.dma_semaphore, #tpu.memory_space<semaphore_mem>>) src(%dma_wait3A_112 : memref<10000x128xf32, #tpu.memory_space<hbm>>) dst(%arg12 : memref<128x128xf32, #tpu.memory_space<vmem>>)
      %dma_wait3A_113 = arith.constant 0 : i32
      %dma_wait3A_114 = tpu.memref_slice %arg10[%mul3A_66, %dma_wait3A_113] : memref<10x128xi32, #tpu.memory_space<vmem>> -> memref<1x128xi32, #tpu.memory_space<vmem>>
      %dma_wait3A_115 = tpu.memref_squeeze %dma_wait3A_114 : memref<1x128xi32, #tpu.memory_space<vmem>> -> memref<128xi32, #tpu.memory_space<vmem>>
      %dma_wait3A_116 = arith.constant 0 : i32
      %dma_wait3A_117 = arith.constant 0 : i32
      %dma_wait3A_118 = tpu.memref_slice %arg5[%dma_wait3A_116, %dma_wait3A_117] : memref<10000x16xf32, #tpu.memory_space<hbm>> -> memref<10000x16xf32, #tpu.memory_space<hbm>>
      tpu.wait_indirect_dma semaphore(%arg19 : memref<!tpu.dma_semaphore, #tpu.memory_space<semaphore_mem>>) src(%dma_wait3A_118 : memref<10000x16xf32, #tpu.memory_space<hbm>>) dst(%arg14 : memref<128x16xf32, #tpu.memory_space<vmem>>)
      %dma_wait3A_119 = arith.constant 0 : i32
      %dma_wait3A_120 = tpu.memref_slice %arg11[%mul3A_66, %dma_wait3A_119] : memref<10x128xi32, #tpu.memory_space<vmem>> -> memref<1x128xi32, #tpu.memory_space<vmem>>
      %dma_wait3A_121 = tpu.memref_squeeze %dma_wait3A_120 : memref<1x128xi32, #tpu.memory_space<vmem>> -> memref<128xi32, #tpu.memory_space<vmem>>
      %dma_wait3A_122 = arith.constant 0 : i32
      %dma_wait3A_123 = arith.constant 0 : i32
      %dma_wait3A_124 = tpu.memref_slice %arg6[%dma_wait3A_122, %dma_wait3A_123] : memref<10000x16xf32, #tpu.memory_space<hbm>> -> memref<10000x16xf32, #tpu.memory_space<hbm>>
      tpu.wait_indirect_dma semaphore(%arg19 : memref<!tpu.dma_semaphore, #tpu.memory_space<semaphore_mem>>) src(%dma_wait3A_124 : memref<10000x16xf32, #tpu.memory_space<hbm>>) dst(%arg16 : memref<128x16xf32, #tpu.memory_space<vmem>>)
      %mul3A_125 = arith.constant 128 : i32
      %mul3A_126 = arith.muli %mul3A_66, %mul3A_125 : i32
      %add3A_127 = arith.addi %mul3A_2, %mul3A_126 : i32
      %dma_start3A_128 = arith.constant 0 : i32
      %dma_start3A_129 = tpu.memref_slice %arg7[%add3A_127, %dma_start3A_128] : memref<40960x128xf32, #tpu.memory_space<hbm>> -> memref<128x128xf32, #tpu.memory_space<hbm>>
      %dma_start3A_130 = arith.constant 0 : i32
      %dma_start3A_131 = tpu.memref_slice %arg7[%add3A_127, %dma_start3A_130] : memref<40960x128xf32, #tpu.memory_space<hbm>> -> memref<128x128xf32, #tpu.memory_space<hbm>>
      tpu.enqueue_dma source(%arg12 : memref<128x128xf32, #tpu.memory_space<vmem>>) target(%dma_start3A_131 : memref<128x128xf32, #tpu.memory_space<hbm>>) target_semaphore(%arg21 : memref<!tpu.dma_semaphore, #tpu.memory_space<semaphore_mem>>)
      %dma_start3A_132 = arith.constant 0 : i32
      %dma_start3A_133 = tpu.memref_slice %arg8[%add3A_127, %dma_start3A_132] : memref<40960x16xf32, #tpu.memory_space<hbm>> -> memref<128x16xf32, #tpu.memory_space<hbm>>
      %dma_start3A_134 = arith.constant 0 : i32
      %dma_start3A_135 = tpu.memref_slice %arg8[%add3A_127, %dma_start3A_134] : memref<40960x16xf32, #tpu.memory_space<hbm>> -> memref<128x16xf32, #tpu.memory_space<hbm>>
      tpu.enqueue_dma source(%arg14 : memref<128x16xf32, #tpu.memory_space<vmem>>) target(%dma_start3A_135 : memref<128x16xf32, #tpu.memory_space<hbm>>) target_semaphore(%arg21 : memref<!tpu.dma_semaphore, #tpu.memory_space<semaphore_mem>>)
      %dma_start3A_136 = arith.constant 0 : i32
      %dma_start3A_137 = tpu.memref_slice %arg9[%add3A_127, %dma_start3A_136] : memref<40960x16xf32, #tpu.memory_space<hbm>> -> memref<128x16xf32, #tpu.memory_space<hbm>>
      %dma_start3A_138 = arith.constant 0 : i32
      %dma_start3A_139 = tpu.memref_slice %arg9[%add3A_127, %dma_start3A_138] : memref<40960x16xf32, #tpu.memory_space<hbm>> -> memref<128x16xf32, #tpu.memory_space<hbm>>
      tpu.enqueue_dma source(%arg16 : memref<128x16xf32, #tpu.memory_space<vmem>>) target(%dma_start3A_139 : memref<128x16xf32, #tpu.memory_space<hbm>>) target_semaphore(%arg21 : memref<!tpu.dma_semaphore, #tpu.memory_space<semaphore_mem>>)
      %dma_wait3A_140 = arith.constant 0 : i32
      %dma_wait3A_141 = tpu.memref_slice %arg10[%add3A_68, %dma_wait3A_140] : memref<10x128xi32, #tpu.memory_space<vmem>> -> memref<1x128xi32, #tpu.memory_space<vmem>>
      %dma_wait3A_142 = tpu.memref_squeeze %dma_wait3A_141 : memref<1x128xi32, #tpu.memory_space<vmem>> -> memref<128xi32, #tpu.memory_space<vmem>>
      %dma_wait3A_143 = arith.constant 0 : i32
      %dma_wait3A_144 = arith.constant 0 : i32
      %dma_wait3A_145 = tpu.memref_slice %arg4[%dma_wait3A_143, %dma_wait3A_144] : memref<10000x128xf32, #tpu.memory_space<hbm>> -> memref<10000x128xf32, #tpu.memory_space<hbm>>
      tpu.wait_indirect_dma semaphore(%arg20 : memref<!tpu.dma_semaphore, #tpu.memory_space<semaphore_mem>>) src(%dma_wait3A_145 : memref<10000x128xf32, #tpu.memory_space<hbm>>) dst(%arg13 : memref<128x128xf32, #tpu.memory_space<vmem>>)
      %dma_wait3A_146 = arith.constant 0 : i32
      %dma_wait3A_147 = tpu.memref_slice %arg10[%add3A_68, %dma_wait3A_146] : memref<10x128xi32, #tpu.memory_space<vmem>> -> memref<1x128xi32, #tpu.memory_space<vmem>>
      %dma_wait3A_148 = tpu.memref_squeeze %dma_wait3A_147 : memref<1x128xi32, #tpu.memory_space<vmem>> -> memref<128xi32, #tpu.memory_space<vmem>>
      %dma_wait3A_149 = arith.constant 0 : i32
      %dma_wait3A_150 = arith.constant 0 : i32
      %dma_wait3A_151 = tpu.memref_slice %arg5[%dma_wait3A_149, %dma_wait3A_150] : memref<10000x16xf32, #tpu.memory_space<hbm>> -> memref<10000x16xf32, #tpu.memory_space<hbm>>
      tpu.wait_indirect_dma semaphore(%arg20 : memref<!tpu.dma_semaphore, #tpu.memory_space<semaphore_mem>>) src(%dma_wait3A_151 : memref<10000x16xf32, #tpu.memory_space<hbm>>) dst(%arg15 : memref<128x16xf32, #tpu.memory_space<vmem>>)
      %dma_wait3A_152 = arith.constant 0 : i32
      %dma_wait3A_153 = tpu.memref_slice %arg11[%add3A_68, %dma_wait3A_152] : memref<10x128xi32, #tpu.memory_space<vmem>> -> memref<1x128xi32, #tpu.memory_space<vmem>>
      %dma_wait3A_154 = tpu.memref_squeeze %dma_wait3A_153 : memref<1x128xi32, #tpu.memory_space<vmem>> -> memref<128xi32, #tpu.memory_space<vmem>>
      %dma_wait3A_155 = arith.constant 0 : i32
      %dma_wait3A_156 = arith.constant 0 : i32
      %dma_wait3A_157 = tpu.memref_slice %arg6[%dma_wait3A_155, %dma_wait3A_156] : memref<10000x16xf32, #tpu.memory_space<hbm>> -> memref<10000x16xf32, #tpu.memory_space<hbm>>
      tpu.wait_indirect_dma semaphore(%arg20 : memref<!tpu.dma_semaphore, #tpu.memory_space<semaphore_mem>>) src(%dma_wait3A_157 : memref<10000x16xf32, #tpu.memory_space<hbm>>) dst(%arg17 : memref<128x16xf32, #tpu.memory_space<vmem>>)
      %mul3A_158 = arith.constant 128 : i32
      %mul3A_159 = arith.muli %add3A_68, %mul3A_158 : i32
      %add3A_160 = arith.addi %mul3A_2, %mul3A_159 : i32
      %dma_start3A_161 = arith.constant 0 : i32
      %dma_start3A_162 = tpu.memref_slice %arg7[%add3A_160, %dma_start3A_161] : memref<40960x128xf32, #tpu.memory_space<hbm>> -> memref<128x128xf32, #tpu.memory_space<hbm>>
      %dma_start3A_163 = arith.constant 0 : i32
      %dma_start3A_164 = tpu.memref_slice %arg7[%add3A_160, %dma_start3A_163] : memref<40960x128xf32, #tpu.memory_space<hbm>> -> memref<128x128xf32, #tpu.memory_space<hbm>>
      tpu.enqueue_dma source(%arg13 : memref<128x128xf32, #tpu.memory_space<vmem>>) target(%dma_start3A_164 : memref<128x128xf32, #tpu.memory_space<hbm>>) target_semaphore(%arg22 : memref<!tpu.dma_semaphore, #tpu.memory_space<semaphore_mem>>)
      %dma_start3A_165 = arith.constant 0 : i32
      %dma_start3A_166 = tpu.memref_slice %arg8[%add3A_160, %dma_start3A_165] : memref<40960x16xf32, #tpu.memory_space<hbm>> -> memref<128x16xf32, #tpu.memory_space<hbm>>
      %dma_start3A_167 = arith.constant 0 : i32
      %dma_start3A_168 = tpu.memref_slice %arg8[%add3A_160, %dma_start3A_167] : memref<40960x16xf32, #tpu.memory_space<hbm>> -> memref<128x16xf32, #tpu.memory_space<hbm>>
      tpu.enqueue_dma source(%arg15 : memref<128x16xf32, #tpu.memory_space<vmem>>) target(%dma_start3A_168 : memref<128x16xf32, #tpu.memory_space<hbm>>) target_semaphore(%arg22 : memref<!tpu.dma_semaphore, #tpu.memory_space<semaphore_mem>>)
      %dma_start3A_169 = arith.constant 0 : i32
      %dma_start3A_170 = tpu.memref_slice %arg9[%add3A_160, %dma_start3A_169] : memref<40960x16xf32, #tpu.memory_space<hbm>> -> memref<128x16xf32, #tpu.memory_space<hbm>>
      %dma_start3A_171 = arith.constant 0 : i32
      %dma_start3A_172 = tpu.memref_slice %arg9[%add3A_160, %dma_start3A_171] : memref<40960x16xf32, #tpu.memory_space<hbm>> -> memref<128x16xf32, #tpu.memory_space<hbm>>
      tpu.enqueue_dma source(%arg17 : memref<128x16xf32, #tpu.memory_space<vmem>>) target(%dma_start3A_172 : memref<128x16xf32, #tpu.memory_space<hbm>>) target_semaphore(%arg22 : memref<!tpu.dma_semaphore, #tpu.memory_space<semaphore_mem>>)
      %scan3A_173 = arith.constant 0 : i32
      scf.yield %scan3A_173 : i32
    }
    %scan3A_38 = arith.constant 5 : i32
    %dma_wait3A_39 = arith.constant 0 : i32
    %dma_wait3A_40 = tpu.memref_slice %arg7[%mul3A_2, %dma_wait3A_39] : memref<40960x128xf32, #tpu.memory_space<hbm>> -> memref<128x128xf32, #tpu.memory_space<hbm>>
    %dma_wait3A_41 = arith.constant 0 : i32
    %dma_wait3A_42 = tpu.memref_slice %arg7[%mul3A_2, %dma_wait3A_41] : memref<40960x128xf32, #tpu.memory_space<hbm>> -> memref<128x128xf32, #tpu.memory_space<hbm>>
    tpu.wait_dma2 semaphore(%arg21 : memref<!tpu.dma_semaphore, #tpu.memory_space<semaphore_mem>>) src(%arg12 : memref<128x128xf32, #tpu.memory_space<vmem>>) dst(%dma_wait3A_42 : memref<128x128xf32, #tpu.memory_space<hbm>>)
    %dma_wait3A_43 = arith.constant 0 : i32
    %dma_wait3A_44 = tpu.memref_slice %arg8[%mul3A_2, %dma_wait3A_43] : memref<40960x16xf32, #tpu.memory_space<hbm>> -> memref<128x16xf32, #tpu.memory_space<hbm>>
    %dma_wait3A_45 = arith.constant 0 : i32
    %dma_wait3A_46 = tpu.memref_slice %arg8[%mul3A_2, %dma_wait3A_45] : memref<40960x16xf32, #tpu.memory_space<hbm>> -> memref<128x16xf32, #tpu.memory_space<hbm>>
    tpu.wait_dma2 semaphore(%arg21 : memref<!tpu.dma_semaphore, #tpu.memory_space<semaphore_mem>>) src(%arg14 : memref<128x16xf32, #tpu.memory_space<vmem>>) dst(%dma_wait3A_46 : memref<128x16xf32, #tpu.memory_space<hbm>>)
    %dma_wait3A_47 = arith.constant 0 : i32
    %dma_wait3A_48 = tpu.memref_slice %arg9[%mul3A_2, %dma_wait3A_47] : memref<40960x16xf32, #tpu.memory_space<hbm>> -> memref<128x16xf32, #tpu.memory_space<hbm>>
    %dma_wait3A_49 = arith.constant 0 : i32
    %dma_wait3A_50 = tpu.memref_slice %arg9[%mul3A_2, %dma_wait3A_49] : memref<40960x16xf32, #tpu.memory_space<hbm>> -> memref<128x16xf32, #tpu.memory_space<hbm>>
    tpu.wait_dma2 semaphore(%arg21 : memref<!tpu.dma_semaphore, #tpu.memory_space<semaphore_mem>>) src(%arg16 : memref<128x16xf32, #tpu.memory_space<vmem>>) dst(%dma_wait3A_50 : memref<128x16xf32, #tpu.memory_space<hbm>>)
    %dma_wait3A_51 = arith.constant 0 : i32
    %dma_wait3A_52 = tpu.memref_slice %arg7[%mul3A_2, %dma_wait3A_51] : memref<40960x128xf32, #tpu.memory_space<hbm>> -> memref<128x128xf32, #tpu.memory_space<hbm>>
    %dma_wait3A_53 = arith.constant 0 : i32
    %dma_wait3A_54 = tpu.memref_slice %arg7[%mul3A_2, %dma_wait3A_53] : memref<40960x128xf32, #tpu.memory_space<hbm>> -> memref<128x128xf32, #tpu.memory_space<hbm>>
    tpu.wait_dma2 semaphore(%arg22 : memref<!tpu.dma_semaphore, #tpu.memory_space<semaphore_mem>>) src(%arg13 : memref<128x128xf32, #tpu.memory_space<vmem>>) dst(%dma_wait3A_54 : memref<128x128xf32, #tpu.memory_space<hbm>>)
    %dma_wait3A_55 = arith.constant 0 : i32
    %dma_wait3A_56 = tpu.memref_slice %arg8[%mul3A_2, %dma_wait3A_55] : memref<40960x16xf32, #tpu.memory_space<hbm>> -> memref<128x16xf32, #tpu.memory_space<hbm>>
    %dma_wait3A_57 = arith.constant 0 : i32
    %dma_wait3A_58 = tpu.memref_slice %arg8[%mul3A_2, %dma_wait3A_57] : memref<40960x16xf32, #tpu.memory_space<hbm>> -> memref<128x16xf32, #tpu.memory_space<hbm>>
    tpu.wait_dma2 semaphore(%arg22 : memref<!tpu.dma_semaphore, #tpu.memory_space<semaphore_mem>>) src(%arg15 : memref<128x16xf32, #tpu.memory_space<vmem>>) dst(%dma_wait3A_58 : memref<128x16xf32, #tpu.memory_space<hbm>>)
    %dma_wait3A_59 = arith.constant 0 : i32
    %dma_wait3A_60 = tpu.memref_slice %arg9[%mul3A_2, %dma_wait3A_59] : memref<40960x16xf32, #tpu.memory_space<hbm>> -> memref<128x16xf32, #tpu.memory_space<hbm>>
    %dma_wait3A_61 = arith.constant 0 : i32
    %dma_wait3A_62 = tpu.memref_slice %arg9[%mul3A_2, %dma_wait3A_61] : memref<40960x16xf32, #tpu.memory_space<hbm>> -> memref<128x16xf32, #tpu.memory_space<hbm>>
    tpu.wait_dma2 semaphore(%arg22 : memref<!tpu.dma_semaphore, #tpu.memory_space<semaphore_mem>>) src(%arg17 : memref<128x16xf32, #tpu.memory_space<vmem>>) dst(%dma_wait3A_62 : memref<128x16xf32, #tpu.memory_space<hbm>>)
    return
  }
}

#map = affine_map<(d0, d1) -> (0, 0, 0)>
#map1 = affine_map<(d0, d1) -> (0, 0)>
module attributes {stable_mosaic.version = 14 : i64} {
  func.func @_gather_body(%arg0: i32, %arg1: i32, %arg2: memref<32x10x128xi32, #tpu.memory_space<hbm>>, %arg3: memref<32x10x128xi32, #tpu.memory_space<hbm>>, %arg4: memref<10000x128xf32, #tpu.memory_space<hbm>>, %arg5: memref<10000x16xf32, #tpu.memory_space<hbm>>, %arg6: memref<10000x16xf32, #tpu.memory_space<hbm>>, %arg7: memref<40960x128xf32, #tpu.memory_space<hbm>>, %arg8: memref<40960x16xf32, #tpu.memory_space<hbm>>, %arg9: memref<40960x16xf32, #tpu.memory_space<hbm>>, %arg10: memref<10x128xi32, #tpu.memory_space<vmem>>, %arg11: memref<10x128xi32, #tpu.memory_space<vmem>>, %arg12: memref<128x128xf32, #tpu.memory_space<vmem>>, %arg13: memref<128x128xf32, #tpu.memory_space<vmem>>, %arg14: memref<128x16xf32, #tpu.memory_space<vmem>>, %arg15: memref<128x16xf32, #tpu.memory_space<vmem>>, %arg16: memref<128x16xf32, #tpu.memory_space<vmem>>, %arg17: memref<128x16xf32, #tpu.memory_space<vmem>>, %arg18: memref<!tpu.dma_semaphore, #tpu.memory_space<semaphore_mem>>, %arg19: memref<!tpu.dma_semaphore, #tpu.memory_space<semaphore_mem>>, %arg20: memref<!tpu.dma_semaphore, #tpu.memory_space<semaphore_mem>>, %arg21: memref<!tpu.dma_semaphore, #tpu.memory_space<semaphore_mem>>, %arg22: memref<!tpu.dma_semaphore, #tpu.memory_space<semaphore_mem>>) attributes {dimension_semantics = [#tpu.dimension_semantics<core_parallel>, #tpu.dimension_semantics<subcore_parallel>], iteration_bounds = array<i64: 2, 16>, scalar_prefetch = 0 : i64, scratch_operands = 13 : i64, tpu.core_type = #tpu.core_type<sc_vector_subcore>, window_params = [{transform_indices = #map}, {transform_indices = #map}, {transform_indices = #map1}, {transform_indices = #map1}, {transform_indices = #map1}, {transform_indices = #map1}, {transform_indices = #map1}, {transform_indices = #map1}]} {
    %mul3A = arith.constant 2 : i32
    %mul3A_0 = arith.muli %arg1, %mul3A : i32
    %add3A = arith.addi %mul3A_0, %arg0 : i32
    %mul3A_1 = arith.constant 1280 : i32
    %mul3A_2 = arith.muli %add3A, %mul3A_1 : i32
    %dma_start3A = arith.constant 0 : i32
    %dma_start3A_3 = arith.constant 0 : i32
    %dma_start3A_4 = tpu.memref_slice %arg2[%add3A, %dma_start3A, %dma_start3A_3] : memref<32x10x128xi32, #tpu.memory_space<hbm>> -> memref<1x10x128xi32, #tpu.memory_space<hbm>>
    %dma_start3A_5 = tpu.memref_squeeze %dma_start3A_4 : memref<1x10x128xi32, #tpu.memory_space<hbm>> -> memref<10x128xi32, #tpu.memory_space<hbm>>
    %dma_start3A_6 = arith.constant 0 : i32
    %dma_start3A_7 = arith.constant 0 : i32
    %dma_start3A_8 = tpu.memref_slice %arg2[%add3A, %dma_start3A_6, %dma_start3A_7] : memref<32x10x128xi32, #tpu.memory_space<hbm>> -> memref<1x10x128xi32, #tpu.memory_space<hbm>>
    %dma_start3A_9 = tpu.memref_squeeze %dma_start3A_8 : memref<1x10x128xi32, #tpu.memory_space<hbm>> -> memref<10x128xi32, #tpu.memory_space<hbm>>
    tpu.enqueue_dma source(%dma_start3A_9 : memref<10x128xi32, #tpu.memory_space<hbm>>) target(%arg10 : memref<10x128xi32, #tpu.memory_space<vmem>>) target_semaphore(%arg18 : memref<!tpu.dma_semaphore, #tpu.memory_space<semaphore_mem>>)
    %dma_wait3A = arith.constant 0 : i32
    %dma_wait3A_10 = arith.constant 0 : i32
    %dma_wait3A_11 = tpu.memref_slice %arg2[%add3A, %dma_wait3A, %dma_wait3A_10] : memref<32x10x128xi32, #tpu.memory_space<hbm>> -> memref<1x10x128xi32, #tpu.memory_space<hbm>>
    %dma_wait3A_12 = tpu.memref_squeeze %dma_wait3A_11 : memref<1x10x128xi32, #tpu.memory_space<hbm>> -> memref<10x128xi32, #tpu.memory_space<hbm>>
    %dma_wait3A_13 = arith.constant 0 : i32
    %dma_wait3A_14 = arith.constant 0 : i32
    %dma_wait3A_15 = tpu.memref_slice %arg2[%add3A, %dma_wait3A_13, %dma_wait3A_14] : memref<32x10x128xi32, #tpu.memory_space<hbm>> -> memref<1x10x128xi32, #tpu.memory_space<hbm>>
    %dma_wait3A_16 = tpu.memref_squeeze %dma_wait3A_15 : memref<1x10x128xi32, #tpu.memory_space<hbm>> -> memref<10x128xi32, #tpu.memory_space<hbm>>
    tpu.wait_dma2 semaphore(%arg18 : memref<!tpu.dma_semaphore, #tpu.memory_space<semaphore_mem>>) src(%dma_wait3A_16 : memref<10x128xi32, #tpu.memory_space<hbm>>) dst(%arg10 : memref<10x128xi32, #tpu.memory_space<vmem>>)
    %dma_start3A_17 = arith.constant 0 : i32
    %dma_start3A_18 = arith.constant 0 : i32
    %dma_start3A_19 = tpu.memref_slice %arg3[%add3A, %dma_start3A_17, %dma_start3A_18] : memref<32x10x128xi32, #tpu.memory_space<hbm>> -> memref<1x10x128xi32, #tpu.memory_space<hbm>>
    %dma_start3A_20 = tpu.memref_squeeze %dma_start3A_19 : memref<1x10x128xi32, #tpu.memory_space<hbm>> -> memref<10x128xi32, #tpu.memory_space<hbm>>
    %dma_start3A_21 = arith.constant 0 : i32
    %dma_start3A_22 = arith.constant 0 : i32
    %dma_start3A_23 = tpu.memref_slice %arg3[%add3A, %dma_start3A_21, %dma_start3A_22] : memref<32x10x128xi32, #tpu.memory_space<hbm>> -> memref<1x10x128xi32, #tpu.memory_space<hbm>>
    %dma_start3A_24 = tpu.memref_squeeze %dma_start3A_23 : memref<1x10x128xi32, #tpu.memory_space<hbm>> -> memref<10x128xi32, #tpu.memory_space<hbm>>
    tpu.enqueue_dma source(%dma_start3A_24 : memref<10x128xi32, #tpu.memory_space<hbm>>) target(%arg11 : memref<10x128xi32, #tpu.memory_space<vmem>>) target_semaphore(%arg18 : memref<!tpu.dma_semaphore, #tpu.memory_space<semaphore_mem>>)
    %dma_wait3A_25 = arith.constant 0 : i32
    %dma_wait3A_26 = arith.constant 0 : i32
    %dma_wait3A_27 = tpu.memref_slice %arg3[%add3A, %dma_wait3A_25, %dma_wait3A_26] : memref<32x10x128xi32, #tpu.memory_space<hbm>> -> memref<1x10x128xi32, #tpu.memory_space<hbm>>
    %dma_wait3A_28 = tpu.memref_squeeze %dma_wait3A_27 : memref<1x10x128xi32, #tpu.memory_space<hbm>> -> memref<10x128xi32, #tpu.memory_space<hbm>>
    %dma_wait3A_29 = arith.constant 0 : i32
    %dma_wait3A_30 = arith.constant 0 : i32
    %dma_wait3A_31 = tpu.memref_slice %arg3[%add3A, %dma_wait3A_29, %dma_wait3A_30] : memref<32x10x128xi32, #tpu.memory_space<hbm>> -> memref<1x10x128xi32, #tpu.memory_space<hbm>>
    %dma_wait3A_32 = tpu.memref_squeeze %dma_wait3A_31 : memref<1x10x128xi32, #tpu.memory_space<hbm>> -> memref<10x128xi32, #tpu.memory_space<hbm>>
    tpu.wait_dma2 semaphore(%arg18 : memref<!tpu.dma_semaphore, #tpu.memory_space<semaphore_mem>>) src(%dma_wait3A_32 : memref<10x128xi32, #tpu.memory_space<hbm>>) dst(%arg11 : memref<10x128xi32, #tpu.memory_space<vmem>>)
    %scan3A = arith.constant 0 : i32
    %scan3A_33 = arith.constant 0 : i32
    %scan3A_34 = arith.constant 5 : i32
    %scan3A_35 = arith.addi %scan3A_33, %scan3A_34 : i32
    %scan3A_36 = arith.constant 1 : i32
    %scan3A_37 = scf.for %scan3A_63 = %scan3A_33 to %scan3A_35 step %scan3A_36 iter_args(%scan3A_64 = %scan3A) -> (i32)  : i32 {
      %mul3A_65 = arith.constant 2 : i32
      %mul3A_66 = arith.muli %mul3A_65, %scan3A_63 : i32
      %add3A_67 = arith.constant 1 : i32
      %add3A_68 = arith.addi %mul3A_66, %add3A_67 : i32
      %gt3A = arith.constant 0 : i32
      %gt3A_69 = arith.cmpi sgt, %scan3A_63, %gt3A : i32
      %convert_element_type3A = arith.extui %gt3A_69 : i1 to i32
      %cond3A = arith.constant 0 : i32
      %cond3A_70 = arith.cmpi ne, %convert_element_type3A, %cond3A : i32
      scf.if %cond3A_70 {
        %dma_wait3A_174 = arith.constant 0 : i32
        %dma_wait3A_175 = tpu.memref_slice %arg7[%mul3A_2, %dma_wait3A_174] : memref<40960x128xf32, #tpu.memory_space<hbm>> -> memref<128x128xf32, #tpu.memory_space<hbm>>
        %dma_wait3A_176 = arith.constant 0 : i32
        %dma_wait3A_177 = tpu.memref_slice %arg7[%mul3A_2, %dma_wait3A_176] : memref<40960x128xf32, #tpu.memory_space<hbm>> -> memref<128x128xf32, #tpu.memory_space<hbm>>
        tpu.wait_dma2 semaphore(%arg21 : memref<!tpu.dma_semaphore, #tpu.memory_space<semaphore_mem>>) src(%arg12 : memref<128x128xf32, #tpu.memory_space<vmem>>) dst(%dma_wait3A_177 : memref<128x128xf32, #tpu.memory_space<hbm>>)
        %dma_wait3A_178 = arith.constant 0 : i32
        %dma_wait3A_179 = tpu.memref_slice %arg8[%mul3A_2, %dma_wait3A_178] : memref<40960x16xf32, #tpu.memory_space<hbm>> -> memref<128x16xf32, #tpu.memory_space<hbm>>
        %dma_wait3A_180 = arith.constant 0 : i32
        %dma_wait3A_181 = tpu.memref_slice %arg8[%mul3A_2, %dma_wait3A_180] : memref<40960x16xf32, #tpu.memory_space<hbm>> -> memref<128x16xf32, #tpu.memory_space<hbm>>
        tpu.wait_dma2 semaphore(%arg21 : memref<!tpu.dma_semaphore, #tpu.memory_space<semaphore_mem>>) src(%arg14 : memref<128x16xf32, #tpu.memory_space<vmem>>) dst(%dma_wait3A_181 : memref<128x16xf32, #tpu.memory_space<hbm>>)
        %dma_wait3A_182 = arith.constant 0 : i32
        %dma_wait3A_183 = tpu.memref_slice %arg9[%mul3A_2, %dma_wait3A_182] : memref<40960x16xf32, #tpu.memory_space<hbm>> -> memref<128x16xf32, #tpu.memory_space<hbm>>
        %dma_wait3A_184 = arith.constant 0 : i32
        %dma_wait3A_185 = tpu.memref_slice %arg9[%mul3A_2, %dma_wait3A_184] : memref<40960x16xf32, #tpu.memory_space<hbm>> -> memref<128x16xf32, #tpu.memory_space<hbm>>
        tpu.wait_dma2 semaphore(%arg21 : memref<!tpu.dma_semaphore, #tpu.memory_space<semaphore_mem>>) src(%arg16 : memref<128x16xf32, #tpu.memory_space<vmem>>) dst(%dma_wait3A_185 : memref<128x16xf32, #tpu.memory_space<hbm>>)
        %dma_wait3A_186 = arith.constant 0 : i32
        %dma_wait3A_187 = tpu.memref_slice %arg7[%mul3A_2, %dma_wait3A_186] : memref<40960x128xf32, #tpu.memory_space<hbm>> -> memref<128x128xf32, #tpu.memory_space<hbm>>
        %dma_wait3A_188 = arith.constant 0 : i32
        %dma_wait3A_189 = tpu.memref_slice %arg7[%mul3A_2, %dma_wait3A_188] : memref<40960x128xf32, #tpu.memory_space<hbm>> -> memref<128x128xf32, #tpu.memory_space<hbm>>
        tpu.wait_dma2 semaphore(%arg22 : memref<!tpu.dma_semaphore, #tpu.memory_space<semaphore_mem>>) src(%arg13 : memref<128x128xf32, #tpu.memory_space<vmem>>) dst(%dma_wait3A_189 : memref<128x128xf32, #tpu.memory_space<hbm>>)
        %dma_wait3A_190 = arith.constant 0 : i32
        %dma_wait3A_191 = tpu.memref_slice %arg8[%mul3A_2, %dma_wait3A_190] : memref<40960x16xf32, #tpu.memory_space<hbm>> -> memref<128x16xf32, #tpu.memory_space<hbm>>
        %dma_wait3A_192 = arith.constant 0 : i32
        %dma_wait3A_193 = tpu.memref_slice %arg8[%mul3A_2, %dma_wait3A_192] : memref<40960x16xf32, #tpu.memory_space<hbm>> -> memref<128x16xf32, #tpu.memory_space<hbm>>
        tpu.wait_dma2 semaphore(%arg22 : memref<!tpu.dma_semaphore, #tpu.memory_space<semaphore_mem>>) src(%arg15 : memref<128x16xf32, #tpu.memory_space<vmem>>) dst(%dma_wait3A_193 : memref<128x16xf32, #tpu.memory_space<hbm>>)
        %dma_wait3A_194 = arith.constant 0 : i32
        %dma_wait3A_195 = tpu.memref_slice %arg9[%mul3A_2, %dma_wait3A_194] : memref<40960x16xf32, #tpu.memory_space<hbm>> -> memref<128x16xf32, #tpu.memory_space<hbm>>
        %dma_wait3A_196 = arith.constant 0 : i32
        %dma_wait3A_197 = tpu.memref_slice %arg9[%mul3A_2, %dma_wait3A_196] : memref<40960x16xf32, #tpu.memory_space<hbm>> -> memref<128x16xf32, #tpu.memory_space<hbm>>
        tpu.wait_dma2 semaphore(%arg22 : memref<!tpu.dma_semaphore, #tpu.memory_space<semaphore_mem>>) src(%arg17 : memref<128x16xf32, #tpu.memory_space<vmem>>) dst(%dma_wait3A_197 : memref<128x16xf32, #tpu.memory_space<hbm>>)
      } else {
      }
      %dma_start3A_71 = arith.constant 0 : i32
      %dma_start3A_72 = tpu.memref_slice %arg10[%mul3A_66, %dma_start3A_71] : memref<10x128xi32, #tpu.memory_space<vmem>> -> memref<1x128xi32, #tpu.memory_space<vmem>>
      %dma_start3A_73 = tpu.memref_squeeze %dma_start3A_72 : memref<1x128xi32, #tpu.memory_space<vmem>> -> memref<128xi32, #tpu.memory_space<vmem>>
      %dma_start3A_74 = arith.constant 0 : i32
      %dma_start3A_75 = arith.constant 0 : i32
      %dma_start3A_76 = tpu.memref_slice %arg4[%dma_start3A_74, %dma_start3A_75] : memref<10000x128xf32, #tpu.memory_space<hbm>> -> memref<10000x128xf32, #tpu.memory_space<hbm>>
      tpu.enqueue_indirect_dma source(%dma_start3A_76 : memref<10000x128xf32, #tpu.memory_space<hbm>>) target(%arg12 : memref<128x128xf32, #tpu.memory_space<vmem>>) offsets(%dma_start3A_73 : memref<128xi32, #tpu.memory_space<vmem>>) semaphore(%arg19 : memref<!tpu.dma_semaphore, #tpu.memory_space<semaphore_mem>>)
      %dma_start3A_77 = arith.constant 0 : i32
      %dma_start3A_78 = tpu.memref_slice %arg10[%mul3A_66, %dma_start3A_77] : memref<10x128xi32, #tpu.memory_space<vmem>> -> memref<1x128xi32, #tpu.memory_space<vmem>>
      %dma_start3A_79 = tpu.memref_squeeze %dma_start3A_78 : memref<1x128xi32, #tpu.memory_space<vmem>> -> memref<128xi32, #tpu.memory_space<vmem>>
      %dma_start3A_80 = arith.constant 0 : i32
      %dma_start3A_81 = arith.constant 0 : i32
      %dma_start3A_82 = tpu.memref_slice %arg5[%dma_start3A_80, %dma_start3A_81] : memref<10000x16xf32, #tpu.memory_space<hbm>> -> memref<10000x16xf32, #tpu.memory_space<hbm>>
      tpu.enqueue_indirect_dma source(%dma_start3A_82 : memref<10000x16xf32, #tpu.memory_space<hbm>>) target(%arg14 : memref<128x16xf32, #tpu.memory_space<vmem>>) offsets(%dma_start3A_79 : memref<128xi32, #tpu.memory_space<vmem>>) semaphore(%arg19 : memref<!tpu.dma_semaphore, #tpu.memory_space<semaphore_mem>>)
      %dma_start3A_83 = arith.constant 0 : i32
      %dma_start3A_84 = tpu.memref_slice %arg11[%mul3A_66, %dma_start3A_83] : memref<10x128xi32, #tpu.memory_space<vmem>> -> memref<1x128xi32, #tpu.memory_space<vmem>>
      %dma_start3A_85 = tpu.memref_squeeze %dma_start3A_84 : memref<1x128xi32, #tpu.memory_space<vmem>> -> memref<128xi32, #tpu.memory_space<vmem>>
      %dma_start3A_86 = arith.constant 0 : i32
      %dma_start3A_87 = arith.constant 0 : i32
      %dma_start3A_88 = tpu.memref_slice %arg6[%dma_start3A_86, %dma_start3A_87] : memref<10000x16xf32, #tpu.memory_space<hbm>> -> memref<10000x16xf32, #tpu.memory_space<hbm>>
      tpu.enqueue_indirect_dma source(%dma_start3A_88 : memref<10000x16xf32, #tpu.memory_space<hbm>>) target(%arg16 : memref<128x16xf32, #tpu.memory_space<vmem>>) offsets(%dma_start3A_85 : memref<128xi32, #tpu.memory_space<vmem>>) semaphore(%arg19 : memref<!tpu.dma_semaphore, #tpu.memory_space<semaphore_mem>>)
      %dma_start3A_89 = arith.constant 0 : i32
      %dma_start3A_90 = tpu.memref_slice %arg10[%add3A_68, %dma_start3A_89] : memref<10x128xi32, #tpu.memory_space<vmem>> -> memref<1x128xi32, #tpu.memory_space<vmem>>
      %dma_start3A_91 = tpu.memref_squeeze %dma_start3A_90 : memref<1x128xi32, #tpu.memory_space<vmem>> -> memref<128xi32, #tpu.memory_space<vmem>>
      %dma_start3A_92 = arith.constant 0 : i32
      %dma_start3A_93 = arith.constant 0 : i32
      %dma_start3A_94 = tpu.memref_slice %arg4[%dma_start3A_92, %dma_start3A_93] : memref<10000x128xf32, #tpu.memory_space<hbm>> -> memref<10000x128xf32, #tpu.memory_space<hbm>>
      tpu.enqueue_indirect_dma source(%dma_start3A_94 : memref<10000x128xf32, #tpu.memory_space<hbm>>) target(%arg13 : memref<128x128xf32, #tpu.memory_space<vmem>>) offsets(%dma_start3A_91 : memref<128xi32, #tpu.memory_space<vmem>>) semaphore(%arg20 : memref<!tpu.dma_semaphore, #tpu.memory_space<semaphore_mem>>)
      %dma_start3A_95 = arith.constant 0 : i32
      %dma_start3A_96 = tpu.memref_slice %arg10[%add3A_68, %dma_start3A_95] : memref<10x128xi32, #tpu.memory_space<vmem>> -> memref<1x128xi32, #tpu.memory_space<vmem>>
      %dma_start3A_97 = tpu.memref_squeeze %dma_start3A_96 : memref<1x128xi32, #tpu.memory_space<vmem>> -> memref<128xi32, #tpu.memory_space<vmem>>
      %dma_start3A_98 = arith.constant 0 : i32
      %dma_start3A_99 = arith.constant 0 : i32
      %dma_start3A_100 = tpu.memref_slice %arg5[%dma_start3A_98, %dma_start3A_99] : memref<10000x16xf32, #tpu.memory_space<hbm>> -> memref<10000x16xf32, #tpu.memory_space<hbm>>
      tpu.enqueue_indirect_dma source(%dma_start3A_100 : memref<10000x16xf32, #tpu.memory_space<hbm>>) target(%arg15 : memref<128x16xf32, #tpu.memory_space<vmem>>) offsets(%dma_start3A_97 : memref<128xi32, #tpu.memory_space<vmem>>) semaphore(%arg20 : memref<!tpu.dma_semaphore, #tpu.memory_space<semaphore_mem>>)
      %dma_start3A_101 = arith.constant 0 : i32
      %dma_start3A_102 = tpu.memref_slice %arg11[%add3A_68, %dma_start3A_101] : memref<10x128xi32, #tpu.memory_space<vmem>> -> memref<1x128xi32, #tpu.memory_space<vmem>>
      %dma_start3A_103 = tpu.memref_squeeze %dma_start3A_102 : memref<1x128xi32, #tpu.memory_space<vmem>> -> memref<128xi32, #tpu.memory_space<vmem>>
      %dma_start3A_104 = arith.constant 0 : i32
      %dma_start3A_105 = arith.constant 0 : i32
      %dma_start3A_106 = tpu.memref_slice %arg6[%dma_start3A_104, %dma_start3A_105] : memref<10000x16xf32, #tpu.memory_space<hbm>> -> memref<10000x16xf32, #tpu.memory_space<hbm>>
      tpu.enqueue_indirect_dma source(%dma_start3A_106 : memref<10000x16xf32, #tpu.memory_space<hbm>>) target(%arg17 : memref<128x16xf32, #tpu.memory_space<vmem>>) offsets(%dma_start3A_103 : memref<128xi32, #tpu.memory_space<vmem>>) semaphore(%arg20 : memref<!tpu.dma_semaphore, #tpu.memory_space<semaphore_mem>>)
      %dma_wait3A_107 = arith.constant 0 : i32
      %dma_wait3A_108 = tpu.memref_slice %arg10[%mul3A_66, %dma_wait3A_107] : memref<10x128xi32, #tpu.memory_space<vmem>> -> memref<1x128xi32, #tpu.memory_space<vmem>>
      %dma_wait3A_109 = tpu.memref_squeeze %dma_wait3A_108 : memref<1x128xi32, #tpu.memory_space<vmem>> -> memref<128xi32, #tpu.memory_space<vmem>>
      %dma_wait3A_110 = arith.constant 0 : i32
      %dma_wait3A_111 = arith.constant 0 : i32
      %dma_wait3A_112 = tpu.memref_slice %arg4[%dma_wait3A_110, %dma_wait3A_111] : memref<10000x128xf32, #tpu.memory_space<hbm>> -> memref<10000x128xf32, #tpu.memory_space<hbm>>
      tpu.wait_indirect_dma semaphore(%arg19 : memref<!tpu.dma_semaphore, #tpu.memory_space<semaphore_mem>>) src(%dma_wait3A_112 : memref<10000x128xf32, #tpu.memory_space<hbm>>) dst(%arg12 : memref<128x128xf32, #tpu.memory_space<vmem>>)
      %dma_wait3A_113 = arith.constant 0 : i32
      %dma_wait3A_114 = tpu.memref_slice %arg10[%mul3A_66, %dma_wait3A_113] : memref<10x128xi32, #tpu.memory_space<vmem>> -> memref<1x128xi32, #tpu.memory_space<vmem>>
      %dma_wait3A_115 = tpu.memref_squeeze %dma_wait3A_114 : memref<1x128xi32, #tpu.memory_space<vmem>> -> memref<128xi32, #tpu.memory_space<vmem>>
      %dma_wait3A_116 = arith.constant 0 : i32
      %dma_wait3A_117 = arith.constant 0 : i32
      %dma_wait3A_118 = tpu.memref_slice %arg5[%dma_wait3A_116, %dma_wait3A_117] : memref<10000x16xf32, #tpu.memory_space<hbm>> -> memref<10000x16xf32, #tpu.memory_space<hbm>>
      tpu.wait_indirect_dma semaphore(%arg19 : memref<!tpu.dma_semaphore, #tpu.memory_space<semaphore_mem>>) src(%dma_wait3A_118 : memref<10000x16xf32, #tpu.memory_space<hbm>>) dst(%arg14 : memref<128x16xf32, #tpu.memory_space<vmem>>)
      %dma_wait3A_119 = arith.constant 0 : i32
      %dma_wait3A_120 = tpu.memref_slice %arg11[%mul3A_66, %dma_wait3A_119] : memref<10x128xi32, #tpu.memory_space<vmem>> -> memref<1x128xi32, #tpu.memory_space<vmem>>
      %dma_wait3A_121 = tpu.memref_squeeze %dma_wait3A_120 : memref<1x128xi32, #tpu.memory_space<vmem>> -> memref<128xi32, #tpu.memory_space<vmem>>
      %dma_wait3A_122 = arith.constant 0 : i32
      %dma_wait3A_123 = arith.constant 0 : i32
      %dma_wait3A_124 = tpu.memref_slice %arg6[%dma_wait3A_122, %dma_wait3A_123] : memref<10000x16xf32, #tpu.memory_space<hbm>> -> memref<10000x16xf32, #tpu.memory_space<hbm>>
      tpu.wait_indirect_dma semaphore(%arg19 : memref<!tpu.dma_semaphore, #tpu.memory_space<semaphore_mem>>) src(%dma_wait3A_124 : memref<10000x16xf32, #tpu.memory_space<hbm>>) dst(%arg16 : memref<128x16xf32, #tpu.memory_space<vmem>>)
      %mul3A_125 = arith.constant 128 : i32
      %mul3A_126 = arith.muli %mul3A_66, %mul3A_125 : i32
      %add3A_127 = arith.addi %mul3A_2, %mul3A_126 : i32
      %dma_start3A_128 = arith.constant 0 : i32
      %dma_start3A_129 = tpu.memref_slice %arg7[%add3A_127, %dma_start3A_128] : memref<40960x128xf32, #tpu.memory_space<hbm>> -> memref<128x128xf32, #tpu.memory_space<hbm>>
      %dma_start3A_130 = arith.constant 0 : i32
      %dma_start3A_131 = tpu.memref_slice %arg7[%add3A_127, %dma_start3A_130] : memref<40960x128xf32, #tpu.memory_space<hbm>> -> memref<128x128xf32, #tpu.memory_space<hbm>>
      tpu.enqueue_dma source(%arg12 : memref<128x128xf32, #tpu.memory_space<vmem>>) target(%dma_start3A_131 : memref<128x128xf32, #tpu.memory_space<hbm>>) target_semaphore(%arg21 : memref<!tpu.dma_semaphore, #tpu.memory_space<semaphore_mem>>)
      %dma_start3A_132 = arith.constant 0 : i32
      %dma_start3A_133 = tpu.memref_slice %arg8[%add3A_127, %dma_start3A_132] : memref<40960x16xf32, #tpu.memory_space<hbm>> -> memref<128x16xf32, #tpu.memory_space<hbm>>
      %dma_start3A_134 = arith.constant 0 : i32
      %dma_start3A_135 = tpu.memref_slice %arg8[%add3A_127, %dma_start3A_134] : memref<40960x16xf32, #tpu.memory_space<hbm>> -> memref<128x16xf32, #tpu.memory_space<hbm>>
      tpu.enqueue_dma source(%arg14 : memref<128x16xf32, #tpu.memory_space<vmem>>) target(%dma_start3A_135 : memref<128x16xf32, #tpu.memory_space<hbm>>) target_semaphore(%arg21 : memref<!tpu.dma_semaphore, #tpu.memory_space<semaphore_mem>>)
      %dma_start3A_136 = arith.constant 0 : i32
      %dma_start3A_137 = tpu.memref_slice %arg9[%add3A_127, %dma_start3A_136] : memref<40960x16xf32, #tpu.memory_space<hbm>> -> memref<128x16xf32, #tpu.memory_space<hbm>>
      %dma_start3A_138 = arith.constant 0 : i32
      %dma_start3A_139 = tpu.memref_slice %arg9[%add3A_127, %dma_start3A_138] : memref<40960x16xf32, #tpu.memory_space<hbm>> -> memref<128x16xf32, #tpu.memory_space<hbm>>
      tpu.enqueue_dma source(%arg16 : memref<128x16xf32, #tpu.memory_space<vmem>>) target(%dma_start3A_139 : memref<128x16xf32, #tpu.memory_space<hbm>>) target_semaphore(%arg21 : memref<!tpu.dma_semaphore, #tpu.memory_space<semaphore_mem>>)
      %dma_wait3A_140 = arith.constant 0 : i32
      %dma_wait3A_141 = tpu.memref_slice %arg10[%add3A_68, %dma_wait3A_140] : memref<10x128xi32, #tpu.memory_space<vmem>> -> memref<1x128xi32, #tpu.memory_space<vmem>>
      %dma_wait3A_142 = tpu.memref_squeeze %dma_wait3A_141 : memref<1x128xi32, #tpu.memory_space<vmem>> -> memref<128xi32, #tpu.memory_space<vmem>>
      %dma_wait3A_143 = arith.constant 0 : i32
      %dma_wait3A_144 = arith.constant 0 : i32
      %dma_wait3A_145 = tpu.memref_slice %arg4[%dma_wait3A_143, %dma_wait3A_144] : memref<10000x128xf32, #tpu.memory_space<hbm>> -> memref<10000x128xf32, #tpu.memory_space<hbm>>
      tpu.wait_indirect_dma semaphore(%arg20 : memref<!tpu.dma_semaphore, #tpu.memory_space<semaphore_mem>>) src(%dma_wait3A_145 : memref<10000x128xf32, #tpu.memory_space<hbm>>) dst(%arg13 : memref<128x128xf32, #tpu.memory_space<vmem>>)
      %dma_wait3A_146 = arith.constant 0 : i32
      %dma_wait3A_147 = tpu.memref_slice %arg10[%add3A_68, %dma_wait3A_146] : memref<10x128xi32, #tpu.memory_space<vmem>> -> memref<1x128xi32, #tpu.memory_space<vmem>>
      %dma_wait3A_148 = tpu.memref_squeeze %dma_wait3A_147 : memref<1x128xi32, #tpu.memory_space<vmem>> -> memref<128xi32, #tpu.memory_space<vmem>>
      %dma_wait3A_149 = arith.constant 0 : i32
      %dma_wait3A_150 = arith.constant 0 : i32
      %dma_wait3A_151 = tpu.memref_slice %arg5[%dma_wait3A_149, %dma_wait3A_150] : memref<10000x16xf32, #tpu.memory_space<hbm>> -> memref<10000x16xf32, #tpu.memory_space<hbm>>
      tpu.wait_indirect_dma semaphore(%arg20 : memref<!tpu.dma_semaphore, #tpu.memory_space<semaphore_mem>>) src(%dma_wait3A_151 : memref<10000x16xf32, #tpu.memory_space<hbm>>) dst(%arg15 : memref<128x16xf32, #tpu.memory_space<vmem>>)
      %dma_wait3A_152 = arith.constant 0 : i32
      %dma_wait3A_153 = tpu.memref_slice %arg11[%add3A_68, %dma_wait3A_152] : memref<10x128xi32, #tpu.memory_space<vmem>> -> memref<1x128xi32, #tpu.memory_space<vmem>>
      %dma_wait3A_154 = tpu.memref_squeeze %dma_wait3A_153 : memref<1x128xi32, #tpu.memory_space<vmem>> -> memref<128xi32, #tpu.memory_space<vmem>>
      %dma_wait3A_155 = arith.constant 0 : i32
      %dma_wait3A_156 = arith.constant 0 : i32
      %dma_wait3A_157 = tpu.memref_slice %arg6[%dma_wait3A_155, %dma_wait3A_156] : memref<10000x16xf32, #tpu.memory_space<hbm>> -> memref<10000x16xf32, #tpu.memory_space<hbm>>
      tpu.wait_indirect_dma semaphore(%arg20 : memref<!tpu.dma_semaphore, #tpu.memory_space<semaphore_mem>>) src(%dma_wait3A_157 : memref<10000x16xf32, #tpu.memory_space<hbm>>) dst(%arg17 : memref<128x16xf32, #tpu.memory_space<vmem>>)
      %mul3A_158 = arith.constant 128 : i32
      %mul3A_159 = arith.muli %add3A_68, %mul3A_158 : i32
      %add3A_160 = arith.addi %mul3A_2, %mul3A_159 : i32
      %dma_start3A_161 = arith.constant 0 : i32
      %dma_start3A_162 = tpu.memref_slice %arg7[%add3A_160, %dma_start3A_161] : memref<40960x128xf32, #tpu.memory_space<hbm>> -> memref<128x128xf32, #tpu.memory_space<hbm>>
      %dma_start3A_163 = arith.constant 0 : i32
      %dma_start3A_164 = tpu.memref_slice %arg7[%add3A_160, %dma_start3A_163] : memref<40960x128xf32, #tpu.memory_space<hbm>> -> memref<128x128xf32, #tpu.memory_space<hbm>>
      tpu.enqueue_dma source(%arg13 : memref<128x128xf32, #tpu.memory_space<vmem>>) target(%dma_start3A_164 : memref<128x128xf32, #tpu.memory_space<hbm>>) target_semaphore(%arg22 : memref<!tpu.dma_semaphore, #tpu.memory_space<semaphore_mem>>)
      %dma_start3A_165 = arith.constant 0 : i32
      %dma_start3A_166 = tpu.memref_slice %arg8[%add3A_160, %dma_start3A_165] : memref<40960x16xf32, #tpu.memory_space<hbm>> -> memref<128x16xf32, #tpu.memory_space<hbm>>
      %dma_start3A_167 = arith.constant 0 : i32
      %dma_start3A_168 = tpu.memref_slice %arg8[%add3A_160, %dma_start3A_167] : memref<40960x16xf32, #tpu.memory_space<hbm>> -> memref<128x16xf32, #tpu.memory_space<hbm>>
      tpu.enqueue_dma source(%arg15 : memref<128x16xf32, #tpu.memory_space<vmem>>) target(%dma_start3A_168 : memref<128x16xf32, #tpu.memory_space<hbm>>) target_semaphore(%arg22 : memref<!tpu.dma_semaphore, #tpu.memory_space<semaphore_mem>>)
      %dma_start3A_169 = arith.constant 0 : i32
      %dma_start3A_170 = tpu.memref_slice %arg9[%add3A_160, %dma_start3A_169] : memref<40960x16xf32, #tpu.memory_space<hbm>> -> memref<128x16xf32, #tpu.memory_space<hbm>>
      %dma_start3A_171 = arith.constant 0 : i32
      %dma_start3A_172 = tpu.memref_slice %arg9[%add3A_160, %dma_start3A_171] : memref<40960x16xf32, #tpu.memory_space<hbm>> -> memref<128x16xf32, #tpu.memory_space<hbm>>
      tpu.enqueue_dma source(%arg17 : memref<128x16xf32, #tpu.memory_space<vmem>>) target(%dma_start3A_172 : memref<128x16xf32, #tpu.memory_space<hbm>>) target_semaphore(%arg22 : memref<!tpu.dma_semaphore, #tpu.memory_space<semaphore_mem>>)
      %scan3A_173 = arith.constant 0 : i32
      scf.yield %scan3A_173 : i32
    }
    %scan3A_38 = arith.constant 5 : i32
    %dma_wait3A_39 = arith.constant 0 : i32
    %dma_wait3A_40 = tpu.memref_slice %arg7[%mul3A_2, %dma_wait3A_39] : memref<40960x128xf32, #tpu.memory_space<hbm>> -> memref<128x128xf32, #tpu.memory_space<hbm>>
    %dma_wait3A_41 = arith.constant 0 : i32
    %dma_wait3A_42 = tpu.memref_slice %arg7[%mul3A_2, %dma_wait3A_41] : memref<40960x128xf32, #tpu.memory_space<hbm>> -> memref<128x128xf32, #tpu.memory_space<hbm>>
    tpu.wait_dma2 semaphore(%arg21 : memref<!tpu.dma_semaphore, #tpu.memory_space<semaphore_mem>>) src(%arg12 : memref<128x128xf32, #tpu.memory_space<vmem>>) dst(%dma_wait3A_42 : memref<128x128xf32, #tpu.memory_space<hbm>>)
    %dma_wait3A_43 = arith.constant 0 : i32
    %dma_wait3A_44 = tpu.memref_slice %arg8[%mul3A_2, %dma_wait3A_43] : memref<40960x16xf32, #tpu.memory_space<hbm>> -> memref<128x16xf32, #tpu.memory_space<hbm>>
    %dma_wait3A_45 = arith.constant 0 : i32
    %dma_wait3A_46 = tpu.memref_slice %arg8[%mul3A_2, %dma_wait3A_45] : memref<40960x16xf32, #tpu.memory_space<hbm>> -> memref<128x16xf32, #tpu.memory_space<hbm>>
    tpu.wait_dma2 semaphore(%arg21 : memref<!tpu.dma_semaphore, #tpu.memory_space<semaphore_mem>>) src(%arg14 : memref<128x16xf32, #tpu.memory_space<vmem>>) dst(%dma_wait3A_46 : memref<128x16xf32, #tpu.memory_space<hbm>>)
    %dma_wait3A_47 = arith.constant 0 : i32
    %dma_wait3A_48 = tpu.memref_slice %arg9[%mul3A_2, %dma_wait3A_47] : memref<40960x16xf32, #tpu.memory_space<hbm>> -> memref<128x16xf32, #tpu.memory_space<hbm>>
    %dma_wait3A_49 = arith.constant 0 : i32
    %dma_wait3A_50 = tpu.memref_slice %arg9[%mul3A_2, %dma_wait3A_49] : memref<40960x16xf32, #tpu.memory_space<hbm>> -> memref<128x16xf32, #tpu.memory_space<hbm>>
    tpu.wait_dma2 semaphore(%arg21 : memref<!tpu.dma_semaphore, #tpu.memory_space<semaphore_mem>>) src(%arg16 : memref<128x16xf32, #tpu.memory_space<vmem>>) dst(%dma_wait3A_50 : memref<128x16xf32, #tpu.memory_space<hbm>>)
    %dma_wait3A_51 = arith.constant 0 : i32
    %dma_wait3A_52 = tpu.memref_slice %arg7[%mul3A_2, %dma_wait3A_51] : memref<40960x128xf32, #tpu.memory_space<hbm>> -> memref<128x128xf32, #tpu.memory_space<hbm>>
    %dma_wait3A_53 = arith.constant 0 : i32
    %dma_wait3A_54 = tpu.memref_slice %arg7[%mul3A_2, %dma_wait3A_53] : memref<40960x128xf32, #tpu.memory_space<hbm>> -> memref<128x128xf32, #tpu.memory_space<hbm>>
    tpu.wait_dma2 semaphore(%arg22 : memref<!tpu.dma_semaphore, #tpu.memory_space<semaphore_mem>>) src(%arg13 : memref<128x128xf32, #tpu.memory_space<vmem>>) dst(%dma_wait3A_54 : memref<128x128xf32, #tpu.memory_space<hbm>>)
    %dma_wait3A_55 = arith.constant 0 : i32
    %dma_wait3A_56 = tpu.memref_slice %arg8[%mul3A_2, %dma_wait3A_55] : memref<40960x16xf32, #tpu.memory_space<hbm>> -> memref<128x16xf32, #tpu.memory_space<hbm>>
    %dma_wait3A_57 = arith.constant 0 : i32
    %dma_wait3A_58 = tpu.memref_slice %arg8[%mul3A_2, %dma_wait3A_57] : memref<40960x16xf32, #tpu.memory_space<hbm>> -> memref<128x16xf32, #tpu.memory_space<hbm>>
    tpu.wait_dma2 semaphore(%arg22 : memref<!tpu.dma_semaphore, #tpu.memory_space<semaphore_mem>>) src(%arg15 : memref<128x16xf32, #tpu.memory_space<vmem>>) dst(%dma_wait3A_58 : memref<128x16xf32, #tpu.memory_space<hbm>>)
    %dma_wait3A_59 = arith.constant 0 : i32
    %dma_wait3A_60 = tpu.memref_slice %arg9[%mul3A_2, %dma_wait3A_59] : memref<40960x16xf32, #tpu.memory_space<hbm>> -> memref<128x16xf32, #tpu.memory_space<hbm>>
    %dma_wait3A_61 = arith.constant 0 : i32
    %dma_wait3A_62 = tpu.memref_slice %arg9[%mul3A_2, %dma_wait3A_61] : memref<40960x16xf32, #tpu.memory_space<hbm>> -> memref<128x16xf32, #tpu.memory_space<hbm>>
    tpu.wait_dma2 semaphore(%arg22 : memref<!tpu.dma_semaphore, #tpu.memory_space<semaphore_mem>>) src(%arg17 : memref<128x16xf32, #tpu.memory_space<vmem>>) dst(%dma_wait3A_62 : memref<128x16xf32, #tpu.memory_space<hbm>>)
    return
  }
}

#map = affine_map<(d0, d1) -> (0, 0, 0)>
#map1 = affine_map<(d0, d1) -> (0, 0)>
module attributes {stable_mosaic.version = 14 : i64} {
  func.func @_gather_body(%arg0: i32, %arg1: i32, %arg2: memref<32x10x128xi32, #tpu.memory_space<hbm>>, %arg3: memref<32x10x128xi32, #tpu.memory_space<hbm>>, %arg4: memref<10000x128xf32, #tpu.memory_space<hbm>>, %arg5: memref<10000x16xf32, #tpu.memory_space<hbm>>, %arg6: memref<10000x16xf32, #tpu.memory_space<hbm>>, %arg7: memref<40960x128xf32, #tpu.memory_space<hbm>>, %arg8: memref<40960x16xf32, #tpu.memory_space<hbm>>, %arg9: memref<40960x16xf32, #tpu.memory_space<hbm>>, %arg10: memref<10x128xi32, #tpu.memory_space<vmem>>, %arg11: memref<10x128xi32, #tpu.memory_space<vmem>>, %arg12: memref<128x128xf32, #tpu.memory_space<vmem>>, %arg13: memref<128x128xf32, #tpu.memory_space<vmem>>, %arg14: memref<128x16xf32, #tpu.memory_space<vmem>>, %arg15: memref<128x16xf32, #tpu.memory_space<vmem>>, %arg16: memref<128x16xf32, #tpu.memory_space<vmem>>, %arg17: memref<128x16xf32, #tpu.memory_space<vmem>>, %arg18: memref<!tpu.dma_semaphore, #tpu.memory_space<semaphore_mem>>, %arg19: memref<!tpu.dma_semaphore, #tpu.memory_space<semaphore_mem>>, %arg20: memref<!tpu.dma_semaphore, #tpu.memory_space<semaphore_mem>>, %arg21: memref<!tpu.dma_semaphore, #tpu.memory_space<semaphore_mem>>, %arg22: memref<!tpu.dma_semaphore, #tpu.memory_space<semaphore_mem>>) attributes {dimension_semantics = [#tpu.dimension_semantics<core_parallel>, #tpu.dimension_semantics<subcore_parallel>], iteration_bounds = array<i64: 2, 16>, scalar_prefetch = 0 : i64, scratch_operands = 13 : i64, tpu.core_type = #tpu.core_type<sc_vector_subcore>, window_params = [{transform_indices = #map}, {transform_indices = #map}, {transform_indices = #map1}, {transform_indices = #map1}, {transform_indices = #map1}, {transform_indices = #map1}, {transform_indices = #map1}, {transform_indices = #map1}]} {
    %mul3A = arith.constant 2 : i32
    %mul3A_0 = arith.muli %arg1, %mul3A : i32
    %add3A = arith.addi %mul3A_0, %arg0 : i32
    %mul3A_1 = arith.constant 1280 : i32
    %mul3A_2 = arith.muli %add3A, %mul3A_1 : i32
    %dma_start3A = arith.constant 0 : i32
    %dma_start3A_3 = arith.constant 0 : i32
    %dma_start3A_4 = tpu.memref_slice %arg2[%add3A, %dma_start3A, %dma_start3A_3] : memref<32x10x128xi32, #tpu.memory_space<hbm>> -> memref<1x10x128xi32, #tpu.memory_space<hbm>>
    %dma_start3A_5 = tpu.memref_squeeze %dma_start3A_4 : memref<1x10x128xi32, #tpu.memory_space<hbm>> -> memref<10x128xi32, #tpu.memory_space<hbm>>
    %dma_start3A_6 = arith.constant 0 : i32
    %dma_start3A_7 = arith.constant 0 : i32
    %dma_start3A_8 = tpu.memref_slice %arg2[%add3A, %dma_start3A_6, %dma_start3A_7] : memref<32x10x128xi32, #tpu.memory_space<hbm>> -> memref<1x10x128xi32, #tpu.memory_space<hbm>>
    %dma_start3A_9 = tpu.memref_squeeze %dma_start3A_8 : memref<1x10x128xi32, #tpu.memory_space<hbm>> -> memref<10x128xi32, #tpu.memory_space<hbm>>
    tpu.enqueue_dma source(%dma_start3A_9 : memref<10x128xi32, #tpu.memory_space<hbm>>) target(%arg10 : memref<10x128xi32, #tpu.memory_space<vmem>>) target_semaphore(%arg18 : memref<!tpu.dma_semaphore, #tpu.memory_space<semaphore_mem>>)
    %dma_wait3A = arith.constant 0 : i32
    %dma_wait3A_10 = arith.constant 0 : i32
    %dma_wait3A_11 = tpu.memref_slice %arg2[%add3A, %dma_wait3A, %dma_wait3A_10] : memref<32x10x128xi32, #tpu.memory_space<hbm>> -> memref<1x10x128xi32, #tpu.memory_space<hbm>>
    %dma_wait3A_12 = tpu.memref_squeeze %dma_wait3A_11 : memref<1x10x128xi32, #tpu.memory_space<hbm>> -> memref<10x128xi32, #tpu.memory_space<hbm>>
    %dma_wait3A_13 = arith.constant 0 : i32
    %dma_wait3A_14 = arith.constant 0 : i32
    %dma_wait3A_15 = tpu.memref_slice %arg2[%add3A, %dma_wait3A_13, %dma_wait3A_14] : memref<32x10x128xi32, #tpu.memory_space<hbm>> -> memref<1x10x128xi32, #tpu.memory_space<hbm>>
    %dma_wait3A_16 = tpu.memref_squeeze %dma_wait3A_15 : memref<1x10x128xi32, #tpu.memory_space<hbm>> -> memref<10x128xi32, #tpu.memory_space<hbm>>
    tpu.wait_dma2 semaphore(%arg18 : memref<!tpu.dma_semaphore, #tpu.memory_space<semaphore_mem>>) src(%dma_wait3A_16 : memref<10x128xi32, #tpu.memory_space<hbm>>) dst(%arg10 : memref<10x128xi32, #tpu.memory_space<vmem>>)
    %dma_start3A_17 = arith.constant 0 : i32
    %dma_start3A_18 = arith.constant 0 : i32
    %dma_start3A_19 = tpu.memref_slice %arg3[%add3A, %dma_start3A_17, %dma_start3A_18] : memref<32x10x128xi32, #tpu.memory_space<hbm>> -> memref<1x10x128xi32, #tpu.memory_space<hbm>>
    %dma_start3A_20 = tpu.memref_squeeze %dma_start3A_19 : memref<1x10x128xi32, #tpu.memory_space<hbm>> -> memref<10x128xi32, #tpu.memory_space<hbm>>
    %dma_start3A_21 = arith.constant 0 : i32
    %dma_start3A_22 = arith.constant 0 : i32
    %dma_start3A_23 = tpu.memref_slice %arg3[%add3A, %dma_start3A_21, %dma_start3A_22] : memref<32x10x128xi32, #tpu.memory_space<hbm>> -> memref<1x10x128xi32, #tpu.memory_space<hbm>>
    %dma_start3A_24 = tpu.memref_squeeze %dma_start3A_23 : memref<1x10x128xi32, #tpu.memory_space<hbm>> -> memref<10x128xi32, #tpu.memory_space<hbm>>
    tpu.enqueue_dma source(%dma_start3A_24 : memref<10x128xi32, #tpu.memory_space<hbm>>) target(%arg11 : memref<10x128xi32, #tpu.memory_space<vmem>>) target_semaphore(%arg18 : memref<!tpu.dma_semaphore, #tpu.memory_space<semaphore_mem>>)
    %dma_wait3A_25 = arith.constant 0 : i32
    %dma_wait3A_26 = arith.constant 0 : i32
    %dma_wait3A_27 = tpu.memref_slice %arg3[%add3A, %dma_wait3A_25, %dma_wait3A_26] : memref<32x10x128xi32, #tpu.memory_space<hbm>> -> memref<1x10x128xi32, #tpu.memory_space<hbm>>
    %dma_wait3A_28 = tpu.memref_squeeze %dma_wait3A_27 : memref<1x10x128xi32, #tpu.memory_space<hbm>> -> memref<10x128xi32, #tpu.memory_space<hbm>>
    %dma_wait3A_29 = arith.constant 0 : i32
    %dma_wait3A_30 = arith.constant 0 : i32
    %dma_wait3A_31 = tpu.memref_slice %arg3[%add3A, %dma_wait3A_29, %dma_wait3A_30] : memref<32x10x128xi32, #tpu.memory_space<hbm>> -> memref<1x10x128xi32, #tpu.memory_space<hbm>>
    %dma_wait3A_32 = tpu.memref_squeeze %dma_wait3A_31 : memref<1x10x128xi32, #tpu.memory_space<hbm>> -> memref<10x128xi32, #tpu.memory_space<hbm>>
    tpu.wait_dma2 semaphore(%arg18 : memref<!tpu.dma_semaphore, #tpu.memory_space<semaphore_mem>>) src(%dma_wait3A_32 : memref<10x128xi32, #tpu.memory_space<hbm>>) dst(%arg11 : memref<10x128xi32, #tpu.memory_space<vmem>>)
    %scan3A = arith.constant 0 : i32
    %scan3A_33 = arith.constant 0 : i32
    %scan3A_34 = arith.constant 5 : i32
    %scan3A_35 = arith.addi %scan3A_33, %scan3A_34 : i32
    %scan3A_36 = arith.constant 1 : i32
    %scan3A_37 = scf.for %scan3A_63 = %scan3A_33 to %scan3A_35 step %scan3A_36 iter_args(%scan3A_64 = %scan3A) -> (i32)  : i32 {
      %mul3A_65 = arith.constant 2 : i32
      %mul3A_66 = arith.muli %mul3A_65, %scan3A_63 : i32
      %add3A_67 = arith.constant 1 : i32
      %add3A_68 = arith.addi %mul3A_66, %add3A_67 : i32
      %gt3A = arith.constant 0 : i32
      %gt3A_69 = arith.cmpi sgt, %scan3A_63, %gt3A : i32
      %convert_element_type3A = arith.extui %gt3A_69 : i1 to i32
      %cond3A = arith.constant 0 : i32
      %cond3A_70 = arith.cmpi ne, %convert_element_type3A, %cond3A : i32
      scf.if %cond3A_70 {
        %dma_wait3A_174 = arith.constant 0 : i32
        %dma_wait3A_175 = tpu.memref_slice %arg7[%mul3A_2, %dma_wait3A_174] : memref<40960x128xf32, #tpu.memory_space<hbm>> -> memref<128x128xf32, #tpu.memory_space<hbm>>
        %dma_wait3A_176 = arith.constant 0 : i32
        %dma_wait3A_177 = tpu.memref_slice %arg7[%mul3A_2, %dma_wait3A_176] : memref<40960x128xf32, #tpu.memory_space<hbm>> -> memref<128x128xf32, #tpu.memory_space<hbm>>
        tpu.wait_dma2 semaphore(%arg21 : memref<!tpu.dma_semaphore, #tpu.memory_space<semaphore_mem>>) src(%arg12 : memref<128x128xf32, #tpu.memory_space<vmem>>) dst(%dma_wait3A_177 : memref<128x128xf32, #tpu.memory_space<hbm>>)
        %dma_wait3A_178 = arith.constant 0 : i32
        %dma_wait3A_179 = tpu.memref_slice %arg8[%mul3A_2, %dma_wait3A_178] : memref<40960x16xf32, #tpu.memory_space<hbm>> -> memref<128x16xf32, #tpu.memory_space<hbm>>
        %dma_wait3A_180 = arith.constant 0 : i32
        %dma_wait3A_181 = tpu.memref_slice %arg8[%mul3A_2, %dma_wait3A_180] : memref<40960x16xf32, #tpu.memory_space<hbm>> -> memref<128x16xf32, #tpu.memory_space<hbm>>
        tpu.wait_dma2 semaphore(%arg21 : memref<!tpu.dma_semaphore, #tpu.memory_space<semaphore_mem>>) src(%arg14 : memref<128x16xf32, #tpu.memory_space<vmem>>) dst(%dma_wait3A_181 : memref<128x16xf32, #tpu.memory_space<hbm>>)
        %dma_wait3A_182 = arith.constant 0 : i32
        %dma_wait3A_183 = tpu.memref_slice %arg9[%mul3A_2, %dma_wait3A_182] : memref<40960x16xf32, #tpu.memory_space<hbm>> -> memref<128x16xf32, #tpu.memory_space<hbm>>
        %dma_wait3A_184 = arith.constant 0 : i32
        %dma_wait3A_185 = tpu.memref_slice %arg9[%mul3A_2, %dma_wait3A_184] : memref<40960x16xf32, #tpu.memory_space<hbm>> -> memref<128x16xf32, #tpu.memory_space<hbm>>
        tpu.wait_dma2 semaphore(%arg21 : memref<!tpu.dma_semaphore, #tpu.memory_space<semaphore_mem>>) src(%arg16 : memref<128x16xf32, #tpu.memory_space<vmem>>) dst(%dma_wait3A_185 : memref<128x16xf32, #tpu.memory_space<hbm>>)
        %dma_wait3A_186 = arith.constant 0 : i32
        %dma_wait3A_187 = tpu.memref_slice %arg7[%mul3A_2, %dma_wait3A_186] : memref<40960x128xf32, #tpu.memory_space<hbm>> -> memref<128x128xf32, #tpu.memory_space<hbm>>
        %dma_wait3A_188 = arith.constant 0 : i32
        %dma_wait3A_189 = tpu.memref_slice %arg7[%mul3A_2, %dma_wait3A_188] : memref<40960x128xf32, #tpu.memory_space<hbm>> -> memref<128x128xf32, #tpu.memory_space<hbm>>
        tpu.wait_dma2 semaphore(%arg22 : memref<!tpu.dma_semaphore, #tpu.memory_space<semaphore_mem>>) src(%arg13 : memref<128x128xf32, #tpu.memory_space<vmem>>) dst(%dma_wait3A_189 : memref<128x128xf32, #tpu.memory_space<hbm>>)
        %dma_wait3A_190 = arith.constant 0 : i32
        %dma_wait3A_191 = tpu.memref_slice %arg8[%mul3A_2, %dma_wait3A_190] : memref<40960x16xf32, #tpu.memory_space<hbm>> -> memref<128x16xf32, #tpu.memory_space<hbm>>
        %dma_wait3A_192 = arith.constant 0 : i32
        %dma_wait3A_193 = tpu.memref_slice %arg8[%mul3A_2, %dma_wait3A_192] : memref<40960x16xf32, #tpu.memory_space<hbm>> -> memref<128x16xf32, #tpu.memory_space<hbm>>
        tpu.wait_dma2 semaphore(%arg22 : memref<!tpu.dma_semaphore, #tpu.memory_space<semaphore_mem>>) src(%arg15 : memref<128x16xf32, #tpu.memory_space<vmem>>) dst(%dma_wait3A_193 : memref<128x16xf32, #tpu.memory_space<hbm>>)
        %dma_wait3A_194 = arith.constant 0 : i32
        %dma_wait3A_195 = tpu.memref_slice %arg9[%mul3A_2, %dma_wait3A_194] : memref<40960x16xf32, #tpu.memory_space<hbm>> -> memref<128x16xf32, #tpu.memory_space<hbm>>
        %dma_wait3A_196 = arith.constant 0 : i32
        %dma_wait3A_197 = tpu.memref_slice %arg9[%mul3A_2, %dma_wait3A_196] : memref<40960x16xf32, #tpu.memory_space<hbm>> -> memref<128x16xf32, #tpu.memory_space<hbm>>
        tpu.wait_dma2 semaphore(%arg22 : memref<!tpu.dma_semaphore, #tpu.memory_space<semaphore_mem>>) src(%arg17 : memref<128x16xf32, #tpu.memory_space<vmem>>) dst(%dma_wait3A_197 : memref<128x16xf32, #tpu.memory_space<hbm>>)
      } else {
      }
      %dma_start3A_71 = arith.constant 0 : i32
      %dma_start3A_72 = tpu.memref_slice %arg10[%mul3A_66, %dma_start3A_71] : memref<10x128xi32, #tpu.memory_space<vmem>> -> memref<1x128xi32, #tpu.memory_space<vmem>>
      %dma_start3A_73 = tpu.memref_squeeze %dma_start3A_72 : memref<1x128xi32, #tpu.memory_space<vmem>> -> memref<128xi32, #tpu.memory_space<vmem>>
      %dma_start3A_74 = arith.constant 0 : i32
      %dma_start3A_75 = arith.constant 0 : i32
      %dma_start3A_76 = tpu.memref_slice %arg4[%dma_start3A_74, %dma_start3A_75] : memref<10000x128xf32, #tpu.memory_space<hbm>> -> memref<10000x128xf32, #tpu.memory_space<hbm>>
      tpu.enqueue_indirect_dma source(%dma_start3A_76 : memref<10000x128xf32, #tpu.memory_space<hbm>>) target(%arg12 : memref<128x128xf32, #tpu.memory_space<vmem>>) offsets(%dma_start3A_73 : memref<128xi32, #tpu.memory_space<vmem>>) semaphore(%arg19 : memref<!tpu.dma_semaphore, #tpu.memory_space<semaphore_mem>>)
      %dma_start3A_77 = arith.constant 0 : i32
      %dma_start3A_78 = tpu.memref_slice %arg10[%mul3A_66, %dma_start3A_77] : memref<10x128xi32, #tpu.memory_space<vmem>> -> memref<1x128xi32, #tpu.memory_space<vmem>>
      %dma_start3A_79 = tpu.memref_squeeze %dma_start3A_78 : memref<1x128xi32, #tpu.memory_space<vmem>> -> memref<128xi32, #tpu.memory_space<vmem>>
      %dma_start3A_80 = arith.constant 0 : i32
      %dma_start3A_81 = arith.constant 0 : i32
      %dma_start3A_82 = tpu.memref_slice %arg5[%dma_start3A_80, %dma_start3A_81] : memref<10000x16xf32, #tpu.memory_space<hbm>> -> memref<10000x16xf32, #tpu.memory_space<hbm>>
      tpu.enqueue_indirect_dma source(%dma_start3A_82 : memref<10000x16xf32, #tpu.memory_space<hbm>>) target(%arg14 : memref<128x16xf32, #tpu.memory_space<vmem>>) offsets(%dma_start3A_79 : memref<128xi32, #tpu.memory_space<vmem>>) semaphore(%arg19 : memref<!tpu.dma_semaphore, #tpu.memory_space<semaphore_mem>>)
      %dma_start3A_83 = arith.constant 0 : i32
      %dma_start3A_84 = tpu.memref_slice %arg11[%mul3A_66, %dma_start3A_83] : memref<10x128xi32, #tpu.memory_space<vmem>> -> memref<1x128xi32, #tpu.memory_space<vmem>>
      %dma_start3A_85 = tpu.memref_squeeze %dma_start3A_84 : memref<1x128xi32, #tpu.memory_space<vmem>> -> memref<128xi32, #tpu.memory_space<vmem>>
      %dma_start3A_86 = arith.constant 0 : i32
      %dma_start3A_87 = arith.constant 0 : i32
      %dma_start3A_88 = tpu.memref_slice %arg6[%dma_start3A_86, %dma_start3A_87] : memref<10000x16xf32, #tpu.memory_space<hbm>> -> memref<10000x16xf32, #tpu.memory_space<hbm>>
      tpu.enqueue_indirect_dma source(%dma_start3A_88 : memref<10000x16xf32, #tpu.memory_space<hbm>>) target(%arg16 : memref<128x16xf32, #tpu.memory_space<vmem>>) offsets(%dma_start3A_85 : memref<128xi32, #tpu.memory_space<vmem>>) semaphore(%arg19 : memref<!tpu.dma_semaphore, #tpu.memory_space<semaphore_mem>>)
      %dma_start3A_89 = arith.constant 0 : i32
      %dma_start3A_90 = tpu.memref_slice %arg10[%add3A_68, %dma_start3A_89] : memref<10x128xi32, #tpu.memory_space<vmem>> -> memref<1x128xi32, #tpu.memory_space<vmem>>
      %dma_start3A_91 = tpu.memref_squeeze %dma_start3A_90 : memref<1x128xi32, #tpu.memory_space<vmem>> -> memref<128xi32, #tpu.memory_space<vmem>>
      %dma_start3A_92 = arith.constant 0 : i32
      %dma_start3A_93 = arith.constant 0 : i32
      %dma_start3A_94 = tpu.memref_slice %arg4[%dma_start3A_92, %dma_start3A_93] : memref<10000x128xf32, #tpu.memory_space<hbm>> -> memref<10000x128xf32, #tpu.memory_space<hbm>>
      tpu.enqueue_indirect_dma source(%dma_start3A_94 : memref<10000x128xf32, #tpu.memory_space<hbm>>) target(%arg13 : memref<128x128xf32, #tpu.memory_space<vmem>>) offsets(%dma_start3A_91 : memref<128xi32, #tpu.memory_space<vmem>>) semaphore(%arg20 : memref<!tpu.dma_semaphore, #tpu.memory_space<semaphore_mem>>)
      %dma_start3A_95 = arith.constant 0 : i32
      %dma_start3A_96 = tpu.memref_slice %arg10[%add3A_68, %dma_start3A_95] : memref<10x128xi32, #tpu.memory_space<vmem>> -> memref<1x128xi32, #tpu.memory_space<vmem>>
      %dma_start3A_97 = tpu.memref_squeeze %dma_start3A_96 : memref<1x128xi32, #tpu.memory_space<vmem>> -> memref<128xi32, #tpu.memory_space<vmem>>
      %dma_start3A_98 = arith.constant 0 : i32
      %dma_start3A_99 = arith.constant 0 : i32
      %dma_start3A_100 = tpu.memref_slice %arg5[%dma_start3A_98, %dma_start3A_99] : memref<10000x16xf32, #tpu.memory_space<hbm>> -> memref<10000x16xf32, #tpu.memory_space<hbm>>
      tpu.enqueue_indirect_dma source(%dma_start3A_100 : memref<10000x16xf32, #tpu.memory_space<hbm>>) target(%arg15 : memref<128x16xf32, #tpu.memory_space<vmem>>) offsets(%dma_start3A_97 : memref<128xi32, #tpu.memory_space<vmem>>) semaphore(%arg20 : memref<!tpu.dma_semaphore, #tpu.memory_space<semaphore_mem>>)
      %dma_start3A_101 = arith.constant 0 : i32
      %dma_start3A_102 = tpu.memref_slice %arg11[%add3A_68, %dma_start3A_101] : memref<10x128xi32, #tpu.memory_space<vmem>> -> memref<1x128xi32, #tpu.memory_space<vmem>>
      %dma_start3A_103 = tpu.memref_squeeze %dma_start3A_102 : memref<1x128xi32, #tpu.memory_space<vmem>> -> memref<128xi32, #tpu.memory_space<vmem>>
      %dma_start3A_104 = arith.constant 0 : i32
      %dma_start3A_105 = arith.constant 0 : i32
      %dma_start3A_106 = tpu.memref_slice %arg6[%dma_start3A_104, %dma_start3A_105] : memref<10000x16xf32, #tpu.memory_space<hbm>> -> memref<10000x16xf32, #tpu.memory_space<hbm>>
      tpu.enqueue_indirect_dma source(%dma_start3A_106 : memref<10000x16xf32, #tpu.memory_space<hbm>>) target(%arg17 : memref<128x16xf32, #tpu.memory_space<vmem>>) offsets(%dma_start3A_103 : memref<128xi32, #tpu.memory_space<vmem>>) semaphore(%arg20 : memref<!tpu.dma_semaphore, #tpu.memory_space<semaphore_mem>>)
      %dma_wait3A_107 = arith.constant 0 : i32
      %dma_wait3A_108 = tpu.memref_slice %arg10[%mul3A_66, %dma_wait3A_107] : memref<10x128xi32, #tpu.memory_space<vmem>> -> memref<1x128xi32, #tpu.memory_space<vmem>>
      %dma_wait3A_109 = tpu.memref_squeeze %dma_wait3A_108 : memref<1x128xi32, #tpu.memory_space<vmem>> -> memref<128xi32, #tpu.memory_space<vmem>>
      %dma_wait3A_110 = arith.constant 0 : i32
      %dma_wait3A_111 = arith.constant 0 : i32
      %dma_wait3A_112 = tpu.memref_slice %arg4[%dma_wait3A_110, %dma_wait3A_111] : memref<10000x128xf32, #tpu.memory_space<hbm>> -> memref<10000x128xf32, #tpu.memory_space<hbm>>
      tpu.wait_indirect_dma semaphore(%arg19 : memref<!tpu.dma_semaphore, #tpu.memory_space<semaphore_mem>>) src(%dma_wait3A_112 : memref<10000x128xf32, #tpu.memory_space<hbm>>) dst(%arg12 : memref<128x128xf32, #tpu.memory_space<vmem>>)
      %dma_wait3A_113 = arith.constant 0 : i32
      %dma_wait3A_114 = tpu.memref_slice %arg10[%mul3A_66, %dma_wait3A_113] : memref<10x128xi32, #tpu.memory_space<vmem>> -> memref<1x128xi32, #tpu.memory_space<vmem>>
      %dma_wait3A_115 = tpu.memref_squeeze %dma_wait3A_114 : memref<1x128xi32, #tpu.memory_space<vmem>> -> memref<128xi32, #tpu.memory_space<vmem>>
      %dma_wait3A_116 = arith.constant 0 : i32
      %dma_wait3A_117 = arith.constant 0 : i32
      %dma_wait3A_118 = tpu.memref_slice %arg5[%dma_wait3A_116, %dma_wait3A_117] : memref<10000x16xf32, #tpu.memory_space<hbm>> -> memref<10000x16xf32, #tpu.memory_space<hbm>>
      tpu.wait_indirect_dma semaphore(%arg19 : memref<!tpu.dma_semaphore, #tpu.memory_space<semaphore_mem>>) src(%dma_wait3A_118 : memref<10000x16xf32, #tpu.memory_space<hbm>>) dst(%arg14 : memref<128x16xf32, #tpu.memory_space<vmem>>)
      %dma_wait3A_119 = arith.constant 0 : i32
      %dma_wait3A_120 = tpu.memref_slice %arg11[%mul3A_66, %dma_wait3A_119] : memref<10x128xi32, #tpu.memory_space<vmem>> -> memref<1x128xi32, #tpu.memory_space<vmem>>
      %dma_wait3A_121 = tpu.memref_squeeze %dma_wait3A_120 : memref<1x128xi32, #tpu.memory_space<vmem>> -> memref<128xi32, #tpu.memory_space<vmem>>
      %dma_wait3A_122 = arith.constant 0 : i32
      %dma_wait3A_123 = arith.constant 0 : i32
      %dma_wait3A_124 = tpu.memref_slice %arg6[%dma_wait3A_122, %dma_wait3A_123] : memref<10000x16xf32, #tpu.memory_space<hbm>> -> memref<10000x16xf32, #tpu.memory_space<hbm>>
      tpu.wait_indirect_dma semaphore(%arg19 : memref<!tpu.dma_semaphore, #tpu.memory_space<semaphore_mem>>) src(%dma_wait3A_124 : memref<10000x16xf32, #tpu.memory_space<hbm>>) dst(%arg16 : memref<128x16xf32, #tpu.memory_space<vmem>>)
      %mul3A_125 = arith.constant 128 : i32
      %mul3A_126 = arith.muli %mul3A_66, %mul3A_125 : i32
      %add3A_127 = arith.addi %mul3A_2, %mul3A_126 : i32
      %dma_start3A_128 = arith.constant 0 : i32
      %dma_start3A_129 = tpu.memref_slice %arg7[%add3A_127, %dma_start3A_128] : memref<40960x128xf32, #tpu.memory_space<hbm>> -> memref<128x128xf32, #tpu.memory_space<hbm>>
      %dma_start3A_130 = arith.constant 0 : i32
      %dma_start3A_131 = tpu.memref_slice %arg7[%add3A_127, %dma_start3A_130] : memref<40960x128xf32, #tpu.memory_space<hbm>> -> memref<128x128xf32, #tpu.memory_space<hbm>>
      tpu.enqueue_dma source(%arg12 : memref<128x128xf32, #tpu.memory_space<vmem>>) target(%dma_start3A_131 : memref<128x128xf32, #tpu.memory_space<hbm>>) target_semaphore(%arg21 : memref<!tpu.dma_semaphore, #tpu.memory_space<semaphore_mem>>)
      %dma_start3A_132 = arith.constant 0 : i32
      %dma_start3A_133 = tpu.memref_slice %arg8[%add3A_127, %dma_start3A_132] : memref<40960x16xf32, #tpu.memory_space<hbm>> -> memref<128x16xf32, #tpu.memory_space<hbm>>
      %dma_start3A_134 = arith.constant 0 : i32
      %dma_start3A_135 = tpu.memref_slice %arg8[%add3A_127, %dma_start3A_134] : memref<40960x16xf32, #tpu.memory_space<hbm>> -> memref<128x16xf32, #tpu.memory_space<hbm>>
      tpu.enqueue_dma source(%arg14 : memref<128x16xf32, #tpu.memory_space<vmem>>) target(%dma_start3A_135 : memref<128x16xf32, #tpu.memory_space<hbm>>) target_semaphore(%arg21 : memref<!tpu.dma_semaphore, #tpu.memory_space<semaphore_mem>>)
      %dma_start3A_136 = arith.constant 0 : i32
      %dma_start3A_137 = tpu.memref_slice %arg9[%add3A_127, %dma_start3A_136] : memref<40960x16xf32, #tpu.memory_space<hbm>> -> memref<128x16xf32, #tpu.memory_space<hbm>>
      %dma_start3A_138 = arith.constant 0 : i32
      %dma_start3A_139 = tpu.memref_slice %arg9[%add3A_127, %dma_start3A_138] : memref<40960x16xf32, #tpu.memory_space<hbm>> -> memref<128x16xf32, #tpu.memory_space<hbm>>
      tpu.enqueue_dma source(%arg16 : memref<128x16xf32, #tpu.memory_space<vmem>>) target(%dma_start3A_139 : memref<128x16xf32, #tpu.memory_space<hbm>>) target_semaphore(%arg21 : memref<!tpu.dma_semaphore, #tpu.memory_space<semaphore_mem>>)
      %dma_wait3A_140 = arith.constant 0 : i32
      %dma_wait3A_141 = tpu.memref_slice %arg10[%add3A_68, %dma_wait3A_140] : memref<10x128xi32, #tpu.memory_space<vmem>> -> memref<1x128xi32, #tpu.memory_space<vmem>>
      %dma_wait3A_142 = tpu.memref_squeeze %dma_wait3A_141 : memref<1x128xi32, #tpu.memory_space<vmem>> -> memref<128xi32, #tpu.memory_space<vmem>>
      %dma_wait3A_143 = arith.constant 0 : i32
      %dma_wait3A_144 = arith.constant 0 : i32
      %dma_wait3A_145 = tpu.memref_slice %arg4[%dma_wait3A_143, %dma_wait3A_144] : memref<10000x128xf32, #tpu.memory_space<hbm>> -> memref<10000x128xf32, #tpu.memory_space<hbm>>
      tpu.wait_indirect_dma semaphore(%arg20 : memref<!tpu.dma_semaphore, #tpu.memory_space<semaphore_mem>>) src(%dma_wait3A_145 : memref<10000x128xf32, #tpu.memory_space<hbm>>) dst(%arg13 : memref<128x128xf32, #tpu.memory_space<vmem>>)
      %dma_wait3A_146 = arith.constant 0 : i32
      %dma_wait3A_147 = tpu.memref_slice %arg10[%add3A_68, %dma_wait3A_146] : memref<10x128xi32, #tpu.memory_space<vmem>> -> memref<1x128xi32, #tpu.memory_space<vmem>>
      %dma_wait3A_148 = tpu.memref_squeeze %dma_wait3A_147 : memref<1x128xi32, #tpu.memory_space<vmem>> -> memref<128xi32, #tpu.memory_space<vmem>>
      %dma_wait3A_149 = arith.constant 0 : i32
      %dma_wait3A_150 = arith.constant 0 : i32
      %dma_wait3A_151 = tpu.memref_slice %arg5[%dma_wait3A_149, %dma_wait3A_150] : memref<10000x16xf32, #tpu.memory_space<hbm>> -> memref<10000x16xf32, #tpu.memory_space<hbm>>
      tpu.wait_indirect_dma semaphore(%arg20 : memref<!tpu.dma_semaphore, #tpu.memory_space<semaphore_mem>>) src(%dma_wait3A_151 : memref<10000x16xf32, #tpu.memory_space<hbm>>) dst(%arg15 : memref<128x16xf32, #tpu.memory_space<vmem>>)
      %dma_wait3A_152 = arith.constant 0 : i32
      %dma_wait3A_153 = tpu.memref_slice %arg11[%add3A_68, %dma_wait3A_152] : memref<10x128xi32, #tpu.memory_space<vmem>> -> memref<1x128xi32, #tpu.memory_space<vmem>>
      %dma_wait3A_154 = tpu.memref_squeeze %dma_wait3A_153 : memref<1x128xi32, #tpu.memory_space<vmem>> -> memref<128xi32, #tpu.memory_space<vmem>>
      %dma_wait3A_155 = arith.constant 0 : i32
      %dma_wait3A_156 = arith.constant 0 : i32
      %dma_wait3A_157 = tpu.memref_slice %arg6[%dma_wait3A_155, %dma_wait3A_156] : memref<10000x16xf32, #tpu.memory_space<hbm>> -> memref<10000x16xf32, #tpu.memory_space<hbm>>
      tpu.wait_indirect_dma semaphore(%arg20 : memref<!tpu.dma_semaphore, #tpu.memory_space<semaphore_mem>>) src(%dma_wait3A_157 : memref<10000x16xf32, #tpu.memory_space<hbm>>) dst(%arg17 : memref<128x16xf32, #tpu.memory_space<vmem>>)
      %mul3A_158 = arith.constant 128 : i32
      %mul3A_159 = arith.muli %add3A_68, %mul3A_158 : i32
      %add3A_160 = arith.addi %mul3A_2, %mul3A_159 : i32
      %dma_start3A_161 = arith.constant 0 : i32
      %dma_start3A_162 = tpu.memref_slice %arg7[%add3A_160, %dma_start3A_161] : memref<40960x128xf32, #tpu.memory_space<hbm>> -> memref<128x128xf32, #tpu.memory_space<hbm>>
      %dma_start3A_163 = arith.constant 0 : i32
      %dma_start3A_164 = tpu.memref_slice %arg7[%add3A_160, %dma_start3A_163] : memref<40960x128xf32, #tpu.memory_space<hbm>> -> memref<128x128xf32, #tpu.memory_space<hbm>>
      tpu.enqueue_dma source(%arg13 : memref<128x128xf32, #tpu.memory_space<vmem>>) target(%dma_start3A_164 : memref<128x128xf32, #tpu.memory_space<hbm>>) target_semaphore(%arg22 : memref<!tpu.dma_semaphore, #tpu.memory_space<semaphore_mem>>)
      %dma_start3A_165 = arith.constant 0 : i32
      %dma_start3A_166 = tpu.memref_slice %arg8[%add3A_160, %dma_start3A_165] : memref<40960x16xf32, #tpu.memory_space<hbm>> -> memref<128x16xf32, #tpu.memory_space<hbm>>
      %dma_start3A_167 = arith.constant 0 : i32
      %dma_start3A_168 = tpu.memref_slice %arg8[%add3A_160, %dma_start3A_167] : memref<40960x16xf32, #tpu.memory_space<hbm>> -> memref<128x16xf32, #tpu.memory_space<hbm>>
      tpu.enqueue_dma source(%arg15 : memref<128x16xf32, #tpu.memory_space<vmem>>) target(%dma_start3A_168 : memref<128x16xf32, #tpu.memory_space<hbm>>) target_semaphore(%arg22 : memref<!tpu.dma_semaphore, #tpu.memory_space<semaphore_mem>>)
      %dma_start3A_169 = arith.constant 0 : i32
      %dma_start3A_170 = tpu.memref_slice %arg9[%add3A_160, %dma_start3A_169] : memref<40960x16xf32, #tpu.memory_space<hbm>> -> memref<128x16xf32, #tpu.memory_space<hbm>>
      %dma_start3A_171 = arith.constant 0 : i32
      %dma_start3A_172 = tpu.memref_slice %arg9[%add3A_160, %dma_start3A_171] : memref<40960x16xf32, #tpu.memory_space<hbm>> -> memref<128x16xf32, #tpu.memory_space<hbm>>
      tpu.enqueue_dma source(%arg17 : memref<128x16xf32, #tpu.memory_space<vmem>>) target(%dma_start3A_172 : memref<128x16xf32, #tpu.memory_space<hbm>>) target_semaphore(%arg22 : memref<!tpu.dma_semaphore, #tpu.memory_space<semaphore_mem>>)
      %scan3A_173 = arith.constant 0 : i32
      scf.yield %scan3A_173 : i32
    }
    %scan3A_38 = arith.constant 5 : i32
    %dma_wait3A_39 = arith.constant 0 : i32
    %dma_wait3A_40 = tpu.memref_slice %arg7[%mul3A_2, %dma_wait3A_39] : memref<40960x128xf32, #tpu.memory_space<hbm>> -> memref<128x128xf32, #tpu.memory_space<hbm>>
    %dma_wait3A_41 = arith.constant 0 : i32
    %dma_wait3A_42 = tpu.memref_slice %arg7[%mul3A_2, %dma_wait3A_41] : memref<40960x128xf32, #tpu.memory_space<hbm>> -> memref<128x128xf32, #tpu.memory_space<hbm>>
    tpu.wait_dma2 semaphore(%arg21 : memref<!tpu.dma_semaphore, #tpu.memory_space<semaphore_mem>>) src(%arg12 : memref<128x128xf32, #tpu.memory_space<vmem>>) dst(%dma_wait3A_42 : memref<128x128xf32, #tpu.memory_space<hbm>>)
    %dma_wait3A_43 = arith.constant 0 : i32
    %dma_wait3A_44 = tpu.memref_slice %arg8[%mul3A_2, %dma_wait3A_43] : memref<40960x16xf32, #tpu.memory_space<hbm>> -> memref<128x16xf32, #tpu.memory_space<hbm>>
    %dma_wait3A_45 = arith.constant 0 : i32
    %dma_wait3A_46 = tpu.memref_slice %arg8[%mul3A_2, %dma_wait3A_45] : memref<40960x16xf32, #tpu.memory_space<hbm>> -> memref<128x16xf32, #tpu.memory_space<hbm>>
    tpu.wait_dma2 semaphore(%arg21 : memref<!tpu.dma_semaphore, #tpu.memory_space<semaphore_mem>>) src(%arg14 : memref<128x16xf32, #tpu.memory_space<vmem>>) dst(%dma_wait3A_46 : memref<128x16xf32, #tpu.memory_space<hbm>>)
    %dma_wait3A_47 = arith.constant 0 : i32
    %dma_wait3A_48 = tpu.memref_slice %arg9[%mul3A_2, %dma_wait3A_47] : memref<40960x16xf32, #tpu.memory_space<hbm>> -> memref<128x16xf32, #tpu.memory_space<hbm>>
    %dma_wait3A_49 = arith.constant 0 : i32
    %dma_wait3A_50 = tpu.memref_slice %arg9[%mul3A_2, %dma_wait3A_49] : memref<40960x16xf32, #tpu.memory_space<hbm>> -> memref<128x16xf32, #tpu.memory_space<hbm>>
    tpu.wait_dma2 semaphore(%arg21 : memref<!tpu.dma_semaphore, #tpu.memory_space<semaphore_mem>>) src(%arg16 : memref<128x16xf32, #tpu.memory_space<vmem>>) dst(%dma_wait3A_50 : memref<128x16xf32, #tpu.memory_space<hbm>>)
    %dma_wait3A_51 = arith.constant 0 : i32
    %dma_wait3A_52 = tpu.memref_slice %arg7[%mul3A_2, %dma_wait3A_51] : memref<40960x128xf32, #tpu.memory_space<hbm>> -> memref<128x128xf32, #tpu.memory_space<hbm>>
    %dma_wait3A_53 = arith.constant 0 : i32
    %dma_wait3A_54 = tpu.memref_slice %arg7[%mul3A_2, %dma_wait3A_53] : memref<40960x128xf32, #tpu.memory_space<hbm>> -> memref<128x128xf32, #tpu.memory_space<hbm>>
    tpu.wait_dma2 semaphore(%arg22 : memref<!tpu.dma_semaphore, #tpu.memory_space<semaphore_mem>>) src(%arg13 : memref<128x128xf32, #tpu.memory_space<vmem>>) dst(%dma_wait3A_54 : memref<128x128xf32, #tpu.memory_space<hbm>>)
    %dma_wait3A_55 = arith.constant 0 : i32
    %dma_wait3A_56 = tpu.memref_slice %arg8[%mul3A_2, %dma_wait3A_55] : memref<40960x16xf32, #tpu.memory_space<hbm>> -> memref<128x16xf32, #tpu.memory_space<hbm>>
    %dma_wait3A_57 = arith.constant 0 : i32
    %dma_wait3A_58 = tpu.memref_slice %arg8[%mul3A_2, %dma_wait3A_57] : memref<40960x16xf32, #tpu.memory_space<hbm>> -> memref<128x16xf32, #tpu.memory_space<hbm>>
    tpu.wait_dma2 semaphore(%arg22 : memref<!tpu.dma_semaphore, #tpu.memory_space<semaphore_mem>>) src(%arg15 : memref<128x16xf32, #tpu.memory_space<vmem>>) dst(%dma_wait3A_58 : memref<128x16xf32, #tpu.memory_space<hbm>>)
    %dma_wait3A_59 = arith.constant 0 : i32
    %dma_wait3A_60 = tpu.memref_slice %arg9[%mul3A_2, %dma_wait3A_59] : memref<40960x16xf32, #tpu.memory_space<hbm>> -> memref<128x16xf32, #tpu.memory_space<hbm>>
    %dma_wait3A_61 = arith.constant 0 : i32
    %dma_wait3A_62 = tpu.memref_slice %arg9[%mul3A_2, %dma_wait3A_61] : memref<40960x16xf32, #tpu.memory_space<hbm>> -> memref<128x16xf32, #tpu.memory_space<hbm>>
    tpu.wait_dma2 semaphore(%arg22 : memref<!tpu.dma_semaphore, #tpu.memory_space<semaphore_mem>>) src(%arg17 : memref<128x16xf32, #tpu.memory_space<vmem>>) dst(%dma_wait3A_62 : memref<128x16xf32, #tpu.memory_space<hbm>>)
    return
  }
}

module attributes {stable_mosaic.version = 14 : i64} {
  func.func @_lin1_body(%arg0: i32, %arg1: memref<1000x128xf32, #tpu.memory_space<vmem>>, %arg2: memref<128x128xf32, #tpu.memory_space<vmem>>, %arg3: memref<1000x128xf32, #tpu.memory_space<vmem>>) attributes {dimension_semantics = [#tpu.dimension_semantics<arbitrary>], iteration_bounds = array<i64: 10>, scalar_prefetch = 0 : i64, scratch_operands = 0 : i64, tpu.core_type = #tpu.core_type<tc>, window_params = [{transform_indices = @transform_0, window_bounds = array<i64: 1000, 128>}, {pipeline_mode = #tpu.pipeline_mode<synchronous>, transform_indices = @transform_1, window_bounds = array<i64: 128, 128>}, {transform_indices = @transform_2, window_bounds = array<i64: 1000, 128>}]} {
    %get3A = arith.constant 0 : index
    %get3A_0 = arith.constant 0 : index
    %get3A_1 = vector.load %arg1[%get3A, %get3A_0] : memref<1000x128xf32, #tpu.memory_space<vmem>>, vector<1000x128xf32>
    %get3A_2 = arith.constant 0 : index
    %get3A_3 = arith.constant 0 : index
    %get3A_4 = vector.load %arg2[%get3A_2, %get3A_3] : memref<128x128xf32, #tpu.memory_space<vmem>>, vector<128x128xf32>
    %dot_general3A = arith.constant dense<0.000000e+00> : vector<1000x128xf32>
    %dot_general3A_5 = tpu.matmul %get3A_1, %get3A_4, %dot_general3A {dimension_numbers = #tpu.dot_dimension_numbers<[1], [0], [0], [1], [0, 0, 1, 1], [], []>, transpose_lhs_hint = false} : vector<1000x128xf32>, vector<128x128xf32>, vector<1000x128xf32> -> vector<1000x128xf32>
    %swap3A = arith.constant 0 : index
    %swap3A_6 = arith.constant 0 : index
    %swap3A_7 = vector.load %arg3[%swap3A, %swap3A_6] : memref<1000x128xf32, #tpu.memory_space<vmem>>, vector<1000x128xf32>
    tpu.vector_store %arg3[%swap3A, %swap3A_6], %dot_general3A_5 {strides = array<i32>} : memref<1000x128xf32, #tpu.memory_space<vmem>>, vector<1000x128xf32>,
    return
  }
  func.func @transform_0(%arg0: i32) -> (i32, i32) {
    %c0_i32 = arith.constant 0 : i32
    %c0_i32_0 = arith.constant 0 : i32
    return %arg0, %c0_i32 : i32, i32
  }
  func.func @transform_1(%arg0: i32) -> (i32, i32) {
    %c0_i32 = arith.constant 0 : i32
    %c0_i32_0 = arith.constant 0 : i32
    %c0_i32_1 = arith.constant 0 : i32
    return %c0_i32, %c0_i32_0 : i32, i32
  }
  func.func @transform_2(%arg0: i32) -> (i32, i32) {
    %c0_i32 = arith.constant 0 : i32
    %c0_i32_0 = arith.constant 0 : i32
    return %arg0, %c0_i32 : i32, i32
  }
}

</mosaic_0001>

<sc_bundles>
// kernel: kernel.10.cloned.1.call-start
scs
__scs_entry_jumppad:
0x0: {  	(pc) =	sbr.rel $0x88, $3  }
0x1: {  	(tag) =	ssettag $0x0;
	lr =	simm.s32 $0x1  }
0x2: {  	[smem:$0x3F9C] =	sst lr;
	_ =	strace $0xD0000000  }
0x3: {  	_ = 	snop  }
0x4: {  	_ = 	snop  }
0x5: {  	_ = 	snop  }
0x6: {  	_ = 	snop  }
0x7: {  	_ = 	snop  }
__scs_overlays_trampoline_lowered:
0x8: {  	[smem:$0x3FAB] =	sst s0  }
0x9: {  	[smem:$0x3FAC] =	sst s1  }
0xa: {  	[smem:$0x3FAD] =	sst s2  }
0xb: {  	[smem:$0x3FAE] =	sst s3  }
0xc: {  	[smem:$0x3FAF] =	sst s4  }
0xd: {  	[smem:$0x3FB0] =	sst s5  }
0xe: {  	[smem:$0x3FB1] =	sst s6  }
0xf: {  	[smem:$0x3FB2] =	sst s7  }
0x10: {  	[smem:$0x3FB3] =	sst s8  }
0x11: {  	[smem:$0x3FB4] =	sst s9;
	s0 =	simm.s32 @!p0 $0x0  }
0x12: {  	s1 =	sld [smem:$0x3F9A];
	s0 =	simm.s32 @p0 $0x1  }
0x13: {  	[smem:$0x3FB5] =	sst s0;
	s0 =	simm.s32 @!p1 $0x0  }
0x14: {  	s2 =	sld [smem:$0x3F99];
	s0 =	simm.s32 @p1 $0x1  }
0x15: {  	[smem:$0x3FB6] =	sst s0;
	s0 =	simm.s32 @!p2 $0x0  }
0x16: {  	s3 =	sld [smem:$0x3FDB];
	s0 =	simm.s32 @p2 $0x1  }
0x17: {  	s4 =	simm.s32 $0x1BF5;
	[smem:$0x3FB8] =	sst s0  }
0x18: {  	s0 =	sld [smem:$0x3F9B];
	_ =	swait.ge [sflag:s4], $0x0  }
0x19: {  	s7 =	sld [smem:$0x3F9C]  }
0x1a: {  	s8 =	sadd.s32 $0xFFFFE003, lr  }
0x1b: {  	s9 =	sadd.s32 $0xFFFFFEF7, lr;
	s5 =	simm.s32 $0xFFFFFFFF;
	p2 =	slt.u32 s8, $0xFFFFF086  }
0x1c: {  	p1 =	slt.u32 s9, $0xF7A;
	s5 =	simm.s32 @!p2 $0x0  }
0x1d: {  	s5 =	simm.s32 @p1 $0x1;
	p0 =	seq.s32 s7, s2  }
0x1e: {  	s7 =	smul.u32 @!p0 $0xF7A, s2;
	p2 =	seq.s32 @!p0 s5, $0x0  }
0x1f: {  	s9 =	smul.u32 $0xF7A, s1;
	s8 =	simm.s32 @!p0 $0x1BF5;
	p2 =	por !p2, p0  }
0x20: {  	[sflag:s8] =	ssyncset.s32 @!p0 $0xFFFFF086;
	s6 =	sadd.s32 @!p0 s3, s7;
	s7 =	simm.s32 @!p0 $0x108  }
0x21: {  	s3 =	sadd.s32 s3, s9;
	s6 =	sadd.s32 @!p0 $0x88, s6;
	s7 =	simm.s32 @p2 $0x1082  }
0x22: {  	[simem:s7], [sflag:s8] =	dma.local @!p0 [hbm:s6], $0xF7A  }
0x23: {  	s9 =	sor.u32 $0xD0000000, s2;
	s6 =	simm.s32 $0x108;
	_ =	swait.ge @!p0 [sflag:s8], $0x0  }
0x24: {  	s3 =	sadd.s32 $0x88, s3;
	s6 =	simm.s32 @!p1 $0x1082;
	[sflag:s4] =	ssyncset.s32 $0xFFFFF086  }
0x25: {  	[simem:s6], [sflag:s4] =	dma.local [hbm:s3], $0xF7A  }
0x26: {  	[smem:$0x3F9C] =	sst s1;
	(tag) =	ssettag s2;
	_ =	strace s9  }
0x27: {  	s1 =	sld [smem:$0x3FAC]  }
0x28: {  	s2 =	sld [smem:$0x3FAD]  }
0x29: {  	s4 =	sld [smem:$0x3FAF]  }
0x2a: {  	p0 =	seq.s32 s5, $0x0;
	s5 =	sld [smem:$0x3FB0]  }
0x2b: {  	s6 =	sld [smem:$0x3FB1]  }
0x2c: {  	s7 =	sld [smem:$0x3FB2]  }
0x2d: {  	s3 =	simm.s32 $0x108;
	s8 =	sld [smem:$0x3FB3]  }
0x2e: {  	s3 =	simm.s32 @!p0 $0x1082;
	s9 =	sld [smem:$0x3FB4]  }
0x2f: {  	lr =	sadd.s32 s0, s3;
	s0 =	sld [smem:$0x3FAB]  }
0x30: {  	s3 =	sld [smem:$0x3FAE]  }
0x31: {  	[smem:$0x3FB7] =	sst s10  }
0x32: {  	s10 =	sld [smem:$0x3FB5];
	_ =	sdelay $0x3  }
0x33: {  	p0 =	seq.s32 s10, $0x1;
	s10 =	sld [smem:$0x3FB7];
	_ =	sdelay $0x3  }
0x34: {  	[smem:$0x3FB7] =	sst s10  }
0x35: {  	s10 =	sld [smem:$0x3FB6];
	_ =	sdelay $0x3  }
0x36: {  	p1 =	seq.s32 s10, $0x1;
	s10 =	sld [smem:$0x3FB7];
	_ =	sdelay $0x3  }
0x37: {  	[smem:$0x3FB7] =	sst s10  }
0x38: {  	s10 =	sld [smem:$0x3FB8]  }
0x39: {  	_ = 	snop;
	(pc) =	sbr.ind lr, $3  }
0x3a: {  	_ = 	snop  }
0x3b: {  	_ = 	snop  }
0x3c: {  	p2 =	seq.s32 s10, $0x1;
	s10 =	sld [smem:$0x3FB7]  }
0x3d: {  	_ =	shalt  }
0x3e: {  	_ =	shalt  }
0x3f: {  	_ =	shalt  }
0x40: {  	_ =	shalt  }
0x41: {  	_ =	shalt  }
0x42: {  	_ =	shalt  }
0x43: {  	_ =	shalt  }
0x44: {  	_ =	shalt  }
0x45: {  	_ =	shalt  }
0x46: {  	_ =	shalt  }
0x47: {  	_ =	shalt  }
0x48: {  	_ =	shalt  }
0x49: {  	_ =	shalt  }
0x4a: {  	_ =	shalt  }
0x4b: {  	_ =	shalt  }
0x4c: {  	_ =	shalt  }
0x4d: {  	_ =	shalt  }
0x4e: {  	_ =	shalt  }
0x4f: {  	_ =	shalt  }
0x50: {  	_ =	shalt  }
0x51: {  	_ =	shalt  }
0x52: {  	_ =	shalt  }
0x53: {  	_ =	shalt  }
0x54: {  	_ =	shalt  }
0x55: {  	_ =	shalt  }
0x56: {  	_ =	shalt  }
0x57: {  	_ =	shalt  }
0x58: {  	_ =	shalt  }
0x59: {  	_ =	shalt  }
0x5a: {  	_ =	shalt  }
0x5b: {  	_ =	shalt  }
0x5c: {  	_ =	shalt  }
0x5d: {  	_ =	shalt  }
0x5e: {  	_ =	shalt  }
0x5f: {  	_ =	shalt  }
0x60: {  	_ =	shalt  }
0x61: {  	_ =	shalt  }
0x62: {  	_ =	shalt  }
0x63: {  	_ =	shalt  }
0x64: {  	_ =	shalt  }
0x65: {  	_ =	shalt  }
0x66: {  	_ =	shalt  }
0x67: {  	_ =	shalt  }
0x68: {  	_ =	shalt  }
0x69: {  	_ =	shalt  }
0x6a: {  	_ =	shalt  }
0x6b: {  	_ =	shalt  }
0x6c: {  	_ =	shalt  }
0x6d: {  	_ =	shalt  }
0x6e: {  	_ =	shalt  }
0x6f: {  	_ =	shalt  }
0x70: {  	_ =	shalt  }
0x71: {  	_ =	shalt  }
0x72: {  	_ =	shalt  }
0x73: {  	_ =	shalt  }
0x74: {  	_ =	shalt  }
0x75: {  	_ =	shalt  }
0x76: {  	_ =	shalt  }
0x77: {  	_ =	shalt  }
0x78: {  	_ =	shalt  }
0x79: {  	_ =	shalt  }
0x7a: {  	_ =	shalt  }
0x7b: {  	_ =	shalt  }
0x7c: {  	_ =	shalt  }
0x7d: {  	_ =	shalt  }
0x7e: {  	_ =	shalt  }
0x7f: {  	_ =	shalt  }
0x80: {  	_ =	shalt  }
0x81: {  	_ =	shalt  }
0x82: {  	_ =	shalt  }
0x83: {  	_ =	shalt  }
0x84: {  	_ =	shalt  }
0x85: {  	_ =	shalt  }
0x86: {  	_ =	shalt  }
0x87: {  	_ =	shalt  }
.Lfunc_end0:
.L_simem_size_0:
called_computation.1_lowered:
.L_overlay_start_0:
0x88: {  	s2 =	sld [smem:$0x3FD9]  }
0x89: {  	s3 =	sld [smem:$0x3FFE];
	_ =	sdelay $0x1  }
0x8a: {  	s1 =	srdreg.scid  }
0x8b: {  	s0 =	sand.u32 $0x1, s1  }
0x8c: {  	s15 =	sshll.u32 s0, $0xA;
	s2 =	sadd.s32 s3, s2  }
0x8d: {  	s2 =	sadd.s32 s2, s15  }
0x8e: {  	[smem:$0x3FC3] =	sst s2  }
0x8f: {  	_ = 	snop  }
0x90: {  	s2 =	sld [smem:$0x3FD0];
	_ =	sdelay $0x2  }
0x91: {  	s4 =	simm.s32 $0xD;
	s16 =	simm.s32 $0x10  }
0x92: {  	[smem:s16], [sflag:s4] =	dma.local [hbm:s2], $0x1  }
0x93: {  	_ =	swait.eq [sflag:s4], $0x1  }
0x94: {  	[sflag:s4] =	ssyncset.done $0x0  }
0x95: {  	s17 =	sld [smem:$0x11];
	[sflag:s4] =	ssyncadd.s32 $0xFFFFFFFF  }
0x96: {  	s18 =	sld [smem:$0x15];
	(tm) =	ssettm $0x1  }
0x97: {  	s19 =	sld [smem:$0x3FFB];
	_ =	sdelay $0x3  }
0x98: {  	_ =	strace s19  }
0x99: {  	s2 =	sld [smem:$0x3FFC];
	_ =	sdelay $0x3  }
0x9a: {  	_ =	strace s2  }
0x9b: {  	s2 =	sld [smem:$0x3FFD];
	_ =	sdelay $0x3  }
0x9c: {  	_ =	strace s2  }
0x9d: {  	_ =	strace $0x8FFFFFFF  }
0x9e: {  	s20 =	sld [smem:$0x3FDB];
	_ =	sdelay $0x1  }
0x9f: {  	s5 =	simm.s32 $_scs_section_size  }
0xa0: {  	s6 =	simm.s32 $_size__tile_overlayer_lowered;
	s7 =	simm.s32 $_tile_overlayer_lowered  }
0xa1: {  	s8 =	simm.s32 $0x1BFF;
	s21 =	sshll.u32 s7, $0x1;
	s5 =	sadd.s32 s5, s20  }
0xa2: {  	s22 =	simm.s32 $0x0;
	s6 =	sshll.u32 s6, $0x1;
	s7 =	sadd.s32 s21, s5  }
0xa3: {  	[timem:s22], [sflag:s8] =	dma.local [hbm:s7], s6  }
0xa4: {  	_ =	swait.ge [sflag:s8], s6  }
0xa5: {  	s6 =	ssub.s32 $0x0, s6;
	[sflag:s8] =	ssyncset.done $0x0  }
0xa6: {  	[sflag:s8] =	ssyncadd.s32 s6;
	_ =	sdelay $0x1  }
0xa7: {  	s23 =	simm.s32 $0x1B8B  }
0xa8: {  	_ =	swait.ge [sflag:s23], $0x1  }
0xa9: {  	[sflag:s23] =	ssyncset.done $0x0  }
0xaa: {  	[sflag:s23] =	ssyncadd.s32 $0xFFFFFFFF  }
0xab: {  	s6 =	sld [smem:$0x0]  }
0xac: {  	s7 =	sand.u32 $0xFFFFFFFE, s1  }
0xad: {  	p0 =	sne.s32 s1, s7  }
0xae: {  	s7 =	sshll.u32 @p0 s7, $0xE  }
0xaf: {  	s7 =	sadd.s32 @p0 $0x11B8D, s7;
	s8 =	sshll.u32 @p0 s6, $0x11  }
0xb0: {  	s7 =	sor.u32 @p0 s8, s7  }
0xb1: {  	[sflag:s7] =	ssyncadd.remote.s32 @p0 $0x1;
	_ =	sdelay $0x1  }
0xb2: {  	s7 =	simm.s32 @p0 $0x1B8D  }
0xb3: {  	_ =	swait.eq @p0 [sflag:s7], $0x1  }
0xb4: {  	[sflag:s7] =	ssyncadd.s32 @p0 $0xFFFFFFFF  }
0xb5: {  	s8 =	sshll.u32 @!p0 s1, $0xE  }
0xb6: {  	s8 =	sor.u32 @!p0 $0x4000, s8;
	s7 =	simm.s32 @!p0 $0x1B8D  }
0xb7: {  	s6 =	sshll.u32 @!p0 s6, $0x11;
	s8 =	sadd.s32 @!p0 $0x11B8D, s8;
	_ =	swait.eq @!p0 [sflag:s7], $0x1  }
0xb8: {  	s6 =	sor.u32 @!p0 s6, s8;
	[sflag:s7] =	ssyncadd.s32 @!p0 $0xFFFFFFFF  }
0xb9: {  	s25 =	simm.s32 $0x1B8E;
	s24 =	sld [smem:$0x3FFE];
	[sflag:s6] =	ssyncadd.remote.s32 @!p0 $0x1  }
0xba: {  	s26 =	simm.s32 $execute0_lowered;
	[smem:$0x3FD2] =	sst s25  }
0xbb: {  	s7 =	sshll.u32 s26, $0x1;
	_ =	strace $0x8000004C;
	[dreg:$0x1] =	wrdreg $0xFFFFFFFF  }
0xbc: {  	s28 =	simm.s32 $_size_execute0_lowered;
	s5 =	sadd.s32 s5, s7;
	[dreg:$0x0] =	wrdreg $0x0  }
0xbd: {  	s7 =	sshll.u32 s28, $0x1;
	[dreg:$0x2] =	wrdreg s5  }
0xbe: {  	[dreg:$0x3] =	wrdreg s7  }
0xbf: {  	[dreg:$0x4] =	wrdreg $0xC0  }
0xc0: {  	_ =	task [dreg:s22], $0x5FFFF  }
0xc1: {  	[dreg:$0x1] =	wrdreg $0xFFFFFFFF  }
0xc2: {  	[dreg:$0x0] =	wrdreg $0x60  }
0xc3: {  	[dreg:$0x2] =	wrdreg s24  }
0xc4: {  	[dreg:$0x3] =	wrdreg s17  }
0xc5: {  	[dreg:$0x4] =	wrdreg s18  }
0xc6: {  	[dreg:$0x5] =	wrdreg $0xA  }
0xc7: {  	_ =	task.clear_ibuf [dreg:s22], $0x6FFFF;
	_ =	strace $0x9000004C  }
0xc8: {  	s29 =	simm.s32 $0xA;
	_ =	strace $0x8000004E  }
0xc9: {  	_ =	swait.ge [sflag:s29], $0x1  }
0xca: {  	[sflag:s29] =	ssyncadd.s32 $0xFFFFFFFF  }
0xcb: {  	_ =	strace $0x9000004E  }
0xcc: {  	_ =	sfence  }
0xcd: {  	s30 =	sld [smem:$0x0];
	_ =	sdelay $0x2  }
0xce: {  	s31 =	sshll.u32 s1, $0xD;
	s1 =	sshrl.u32 s1, $0x2  }
0xcf: {  	s4 =	sand.u32 $0x4000, s31;
	s1 =	sadd.s32 s1, s30  }
0xd0: {  	s0 =	sor.u32 s4, s0;
	s1 =	sshll.u32 s1, $0x11  }
0xd1: {  	s0 =	sor.u32 s1, s0  }
0xd2: {  	s0 =	sadd.s32 $0x8F2B, s0  }
0xd3: {  	[sflag:s0] =	ssyncadd.remote.s32 $0x1  }
0xd4: {  	_ =	sfence.sel $0xFFFF  }
0xd5: {  	[dreg:$0x0] =	wrdreg $0xFFFFFFFF;
	(pc) =	sbr.abs _section_cstart, $3  }
0xd6: {  	[dreg:$0x1] =	wrdreg $0xFFFFFFFF  }
0xd7: {  	_ =	task.clear_ibuf [dreg:s22], $0x2FFFF;
	_ =	strace $0x9FFFFFFF  }
0xd8: {  	(tm) =	ssettm $0x7FFFFFFF  }
0xd9: {  	_ =	shalt  }
tec
execute0_lowered:
.L_overlay_start_1:
0x0: {  	(tag) =	ssettag $0x1  }
0x1: {  	s1 =	rddreg [dreg:$0x0]  }
0x2: {  	s0 =	srdreg.scid;
	s6 =	rddreg [dreg:$0x1]  }
0x3: {  	s15 =	stileid.u32;
	s7 =	rddreg [dreg:$0x2]  }
0x4: {  	s17 =	simm.s32 $0x9A00;
	s18 =	simm.s32 $0x4A00;
	s9 =	smul.u32 $0x1400, s15  }
0x5: {  	s19 =	simm.s32 $0x9200;
	s20 =	simm.s32 $0xA200;
	s13 =	smul.u32 $0xA00, s15  }
0x6: {  	s21 =	simm.s32 $0x2;
	s0 =	sand.u32 $0x1, s0;
	s26 =	smul.u32 $0xA000, s15  }
0x7: {  	s22 =	simm.s32 $0x3;
	s2 =	sshll.u32 s15, $0x1;
	s11 =	smul.u32 $0xA00, s0  }
0x8: {  	s4 =	sadd.s32 $0x5600, s1;
	s5 =	sadd.s32 $0xA600, s1;
	s14 =	smul.u32 $0x500, s0  }
0x9: {  	s2 =	sor.u32 s0, s2;
	s10 =	ssub.s32 $0x2, s0;
	s0 =	smul.u32 $0x5000, s0  }
0xa: {  	s15 =	simm.s32 $0xA00;
	s3 =	smul.u32 $0x500, s2;
	s2 =	simm.s32 $0x0  }
0xb: {  	s12 =	sshrl.u32 s10, $0x1;
	s29 =	sadd.s32 s26, s6;
	[smem:$0x7FF] =	sst s2  }
0xc: {  	s10 =	ssub.s32 s10, s12;
	s25 =	sadd.s32 s14, s13;
	s13 =	simm.s32 $0x1  }
0xd: {  	s14 =	simm.s32 $0x80;
	s3 =	sshrl.u32 s3, $0x3;
	_ =	strace $0x8000004D  }
0xe: {  	s24 =	smax.u32 s10, $0x1;
	s10 =	sor.u32 $0x80, s25;
	s25 =	simm.s32 $0x0  }
0xf: {  	s8 =	sadd.s32 s3, s1;
	s3 =	sadd.s32 $0xF600, s1;
	s1 =	sadd.s32 $0x63800, s1  }
0x10: {  	[dreg:$0x8] =	wrdreg s24;
	s28 =	sshrl.u32 s10, $0x7;
	s24 =	simm.s32 $0x5  }
0x11: {  	s23 =	sadd.s32 s9, s1;
	s16 =	sadd.s32 $0x61000, s8;
	s8 =	sadd.s32 $0x62400, s8  }
0x12: {  	s9 =	sadd.s32 s9, s7;
	s30 =	sshll.u32 s28, $0x8;
	[dreg:$0x6] =	wrdreg s16  }
0x13: {  	s31 =	sshll.u32 s28, $0xB;
	[dreg:$0x7] =	wrdreg s8;
	s12 =	sadd.s32 s11, s23  }
0x14: {  	s9 =	sadd.s32 s11, s9;
	s10 =	sadd.s32 s30, s7;
	s11 =	sadd.s32 s30, s1  }
0x15: {  	s16 =	simm.s32 $0x8A00;
	s23 =	simm.s32 $0x4;
	[dreg:$0x4] =	wrdreg s12  }
0x16: {  	[dreg:$0x5] =	wrdreg s9;
	s9 =	sadd.s32 s0, s29;
	s12 =	sadd.s32 s31, s6  }
.LBB2_1:
0x17: {  	s0 =	rddreg [dreg:$0x6]  }
0x18: {  	[tilespmem:s2], [sflag:$0x1] =	stream.linear.gather [hbm4b:s0+s2], $0x500, $0x38;
	[tilespmem:$0xAA00] =	vst v63  }
0x19: {  	_ =	swait.ge [sflag:s13], $0x500  }
0x1a: {  	[sflag:s13] =	ssyncset.done $0x0  }
0x1b: {  	s7 =	simm.s32 $0x500;
	s1 =	rddreg [dreg:$0x7];
	[sflag:s13] =	ssyncadd.s32 $0xFFFFFB00  }
0x1c: {  	[tilespmem:s7], [sflag:$0x1] =	stream.linear.gather [hbm4b:s1+s2], $0x500, $0x38;
	[tilespmem:$0xAA00] =	vst v63  }
0x1d: {  	_ =	swait.ge [sflag:s13], $0x500  }
0x1e: {  	p0 =	por $0x1, $0x1;
	[sflag:s13] =	ssyncset.done $0x0  }
0x1f: {  	s1 =	simm.s32 @!p0 $0x4;
	[sflag:s13] =	ssyncadd.s32 $0xFFFFFB00  }
0x20: {  	_ =	swait.ge @!p0 [sflag:s1], $0x4000  }
0x21: {  	[sflag:s1] =	ssyncset.done @!p0 $0x0  }
0x22: {  	[sflag:s1] =	ssyncadd.s32 @!p0 $0xFFFFC000  }
0x23: {  	_ =	swait.ge @!p0 [sflag:s1], $0x800  }
0x24: {  	[sflag:s1] =	ssyncset.done @!p0 $0x0  }
0x25: {  	[sflag:s1] =	ssyncadd.s32 @!p0 $0xFFFFF800  }
0x26: {  	_ =	swait.ge @!p0 [sflag:s1], $0x800  }
0x27: {  	[sflag:s1] =	ssyncset.done @!p0 $0x0  }
0x28: {  	[sflag:s1] =	ssyncadd.s32 @!p0 $0xFFFFF800;
	s1 =	simm.s32 @!p0 $0x5  }
0x29: {  	_ =	swait.ge @!p0 [sflag:s1], $0x4000  }
0x2a: {  	[sflag:s1] =	ssyncset.done @!p0 $0x0  }
0x2b: {  	[sflag:s1] =	ssyncadd.s32 @!p0 $0xFFFFC000  }
0x2c: {  	_ =	swait.ge @!p0 [sflag:s1], $0x800  }
0x2d: {  	[sflag:s1] =	ssyncset.done @!p0 $0x0  }
0x2e: {  	[sflag:s1] =	ssyncadd.s32 @!p0 $0xFFFFF800  }
0x2f: {  	_ =	swait.ge @!p0 [sflag:s1], $0x800  }
0x30: {  	[sflag:s1] =	ssyncset.done @!p0 $0x0  }
0x31: {  	[sflag:s1] =	ssyncadd.s32 @!p0 $0xFFFFF800  }
0x32: {  	[tilespmem:s15], [sflag:$0x2] =	stream.indirect.gather [hbm4b:s3+s14], $0x80, s2, s14, $0xb8;
	[tilespmem:$0xAA00] =	vst v63  }
0x33: {  	_ = 	snop  }
0x34: {  	[tilespmem:s16], [sflag:$0x2] =	stream.indirect.gather [hbm4b:s4+s14], $0x10, s2, s14, $0xb8;
	[tilespmem:$0xAA00] =	vst v63  }
0x35: {  	_ = 	snop  }
0x36: {  	[tilespmem:s17], [sflag:$0x2] =	stream.indirect.gather [hbm4b:s5+s14], $0x10, s7, s14, $0xb8;
	[tilespmem:$0xAA00] =	vst v63  }
0x37: {  	s8 =	simm.s32 $0x80  }
0x38: {  	[tilespmem:s18], [sflag:$0x3] =	stream.indirect.gather [hbm4b:s3+s14], $0x80, s8, s14, $0xb8;
	[tilespmem:$0xAA00] =	vst v63  }
0x39: {  	_ = 	snop  }
0x3a: {  	[tilespmem:s19], [sflag:$0x3] =	stream.indirect.gather [hbm4b:s4+s14], $0x10, s8, s14, $0xb8;
	[tilespmem:$0xAA00] =	vst v63  }
0x3b: {  	s26 =	simm.s32 $0x580  }
0x3c: {  	[tilespmem:s20], [sflag:$0x3] =	stream.indirect.gather [hbm4b:s5+s14], $0x10, s26, s14, $0xb8;
	[tilespmem:$0xAA00] =	vst v63  }
0x3d: {  	_ =	swait.ge [sflag:s21], $0x4000  }
0x3e: {  	[sflag:s21] =	ssyncset.done $0x0  }
0x3f: {  	[sflag:s21] =	ssyncadd.s32 $0xFFFFC000  }
0x40: {  	_ =	swait.ge [sflag:s21], $0x800  }
0x41: {  	[sflag:s21] =	ssyncset.done $0x0  }
0x42: {  	[sflag:s21] =	ssyncadd.s32 $0xFFFFF800  }
0x43: {  	_ =	swait.ge [sflag:s21], $0x800  }
0x44: {  	[sflag:s21] =	ssyncset.done $0x0  }
0x45: {  	s1 =	rddreg [dreg:$0x5];
	[sflag:s21] =	ssyncadd.s32 $0xFFFFF800  }
0x46: {  	[hbm4b:s9+s2] =	stream.linear.scatter [tilespmem:s15], [sflag:$0x4], $0x4000, $0x38;
	[tilespmem:$0xAA00] =	vst v63  }
0x47: {  	s6 =	rddreg [dreg:$0x4];
	s0 =	sadd.s32 $0x0, s1  }
0x48: {  	[hbm4b:s0+s2] =	stream.linear.scatter [tilespmem:s16], [sflag:$0x4], $0x800, $0x38;
	[tilespmem:$0xAA00] =	vst v63  }
0x49: {  	s7 =	sadd.s32 $0x0, s6  }
0x4a: {  	[hbm4b:s7+s2] =	stream.linear.scatter [tilespmem:s17], [sflag:$0x4], $0x800, $0x38;
	[tilespmem:$0xAA00] =	vst v63  }
0x4b: {  	_ =	swait.ge [sflag:s22], $0x4000  }
0x4c: {  	[sflag:s22] =	ssyncset.done $0x0  }
0x4d: {  	[sflag:s22] =	ssyncadd.s32 $0xFFFFC000  }
0x4e: {  	_ =	swait.ge [sflag:s22], $0x800  }
0x4f: {  	[sflag:s22] =	ssyncset.done $0x0  }
0x50: {  	[sflag:s22] =	ssyncadd.s32 $0xFFFFF800  }
0x51: {  	s28 =	sadd.s32 $0x1000, s12;
	s31 =	simm.s32 $0x100;
	_ =	swait.ge [sflag:s22], $0x800  }
0x52: {  	s30 =	simm.s32 $0x600;
	p1 =	por $0x0, $0x0;
	[sflag:s22] =	ssyncset.done $0x0  }
0x53: {  	s29 =	smov.u32 s9;
	s8 =	sadd.s32 $0x0, s10;
	[sflag:s22] =	ssyncadd.s32 $0xFFFFF800  }
0x54: {  	[hbm4b:s12+s2] =	stream.linear.scatter [tilespmem:s18], [sflag:$0x5], $0x4000, $0x38;
	[tilespmem:$0xAA00] =	vst v63  }
0x55: {  	s26 =	simm.s32 $0x200;
	s1 =	simm.s32 $0x400;
	s7 =	sadd.s32 $0x0, s11  }
0x56: {  	[hbm4b:s8+s2] =	stream.linear.scatter [tilespmem:s19], [sflag:$0x5], $0x800, $0x38;
	[tilespmem:$0xAA00] =	vst v63  }
.LBB2_2:
0x57: {  	s8 =	simm.s32 @!p1 $0x4  }
0x58: {  	[hbm4b:s7+s2] =	stream.linear.scatter [tilespmem:s20], [sflag:$0x5], $0x800, $0x38;
	[tilespmem:$0xAA00] =	vst v63  }
0x59: {  	_ =	swait.ge @!p1 [sflag:s8], $0x4000  }
0x5a: {  	[sflag:s8] =	ssyncset.done @!p1 $0x0  }
0x5b: {  	[sflag:s8] =	ssyncadd.s32 @!p1 $0xFFFFC000  }
0x5c: {  	_ =	swait.ge @!p1 [sflag:s8], $0x800  }
0x5d: {  	[sflag:s8] =	ssyncset.done @!p1 $0x0  }
0x5e: {  	[sflag:s8] =	ssyncadd.s32 @!p1 $0xFFFFF800  }
0x5f: {  	_ =	swait.ge @!p1 [sflag:s8], $0x800  }
0x60: {  	[sflag:s8] =	ssyncset.done @!p1 $0x0  }
0x61: {  	s7 =	simm.s32 @!p1 $0x5;
	[sflag:s8] =	ssyncadd.s32 @!p1 $0xFFFFF800  }
0x62: {  	_ =	swait.ge @!p1 [sflag:s7], $0x4000  }
0x63: {  	[sflag:s7] =	ssyncset.done @!p1 $0x0  }
0x64: {  	[sflag:s7] =	ssyncadd.s32 @!p1 $0xFFFFC000  }
0x65: {  	_ =	swait.ge @!p1 [sflag:s7], $0x800  }
0x66: {  	[sflag:s7] =	ssyncset.done @!p1 $0x0  }
0x67: {  	[sflag:s7] =	ssyncadd.s32 @!p1 $0xFFFFF800  }
0x68: {  	_ =	swait.ge @!p1 [sflag:s7], $0x800  }
0x69: {  	[sflag:s7] =	ssyncset.done @!p1 $0x0  }
0x6a: {  	[sflag:s7] =	ssyncadd.s32 @!p1 $0xFFFFF800  }
0x6b: {  	[tilespmem:s15], [sflag:$0x2] =	stream.indirect.gather [hbm4b:s3+s14], $0x80, s31, s14, $0xb8;
	[tilespmem:$0xAA00] =	vst v63  }
0x6c: {  	_ = 	snop  }
0x6d: {  	[tilespmem:s16], [sflag:$0x2] =	stream.indirect.gather [hbm4b:s4+s14], $0x10, s31, s14, $0xb8;
	[tilespmem:$0xAA00] =	vst v63  }
0x6e: {  	_ = 	snop  }
0x6f: {  	[tilespmem:s17], [sflag:$0x2] =	stream.indirect.gather [hbm4b:s5+s14], $0x10, s30, s14, $0xb8;
	[tilespmem:$0xAA00] =	vst v63  }
0x70: {  	s8 =	sadd.s32 $0x80, s31  }
0x71: {  	[tilespmem:s18], [sflag:$0x3] =	stream.indirect.gather [hbm4b:s3+s14], $0x80, s8, s14, $0xb8;
	[tilespmem:$0xAA00] =	vst v63  }
0x72: {  	_ = 	snop  }
0x73: {  	[tilespmem:s19], [sflag:$0x3] =	stream.indirect.gather [hbm4b:s4+s14], $0x10, s8, s14, $0xb8;
	[tilespmem:$0xAA00] =	vst v63  }
0x74: {  	s8 =	sadd.s32 $0x80, s30  }
0x75: {  	[tilespmem:s20], [sflag:$0x3] =	stream.indirect.gather [hbm4b:s5+s14], $0x10, s8, s14, $0xb8;
	[tilespmem:$0xAA00] =	vst v63  }
0x76: {  	_ =	swait.ge [sflag:s21], $0x4000  }
0x77: {  	[sflag:s21] =	ssyncset.done $0x0  }
0x78: {  	[sflag:s21] =	ssyncadd.s32 $0xFFFFC000  }
0x79: {  	_ =	swait.ge [sflag:s21], $0x800  }
0x7a: {  	[sflag:s21] =	ssyncset.done $0x0  }
0x7b: {  	[sflag:s21] =	ssyncadd.s32 $0xFFFFF800  }
0x7c: {  	_ =	swait.ge [sflag:s21], $0x800  }
0x7d: {  	s29 =	sadd.s32 $0x1000, s29;
	[sflag:s21] =	ssyncset.done $0x0  }
0x7e: {  	s0 =	smov.u32 s26;
	s7 =	rddreg [dreg:$0x5];
	[sflag:s21] =	ssyncadd.s32 $0xFFFFF800  }
0x7f: {  	[hbm4b:s29+s2] =	stream.linear.scatter [tilespmem:s15], [sflag:$0x4], $0x4000, $0x38;
	[tilespmem:$0xAA00] =	vst v63  }
0x80: {  	s8 =	rddreg [dreg:$0x4];
	s7 =	sadd.s32 s0, s7  }
0x81: {  	[hbm4b:s7+s2] =	stream.linear.scatter [tilespmem:s16], [sflag:$0x4], $0x800, $0x38;
	[tilespmem:$0xAA00] =	vst v63  }
0x82: {  	s8 =	sadd.s32 s0, s8  }
0x83: {  	[hbm4b:s8+s2] =	stream.linear.scatter [tilespmem:s17], [sflag:$0x4], $0x800, $0x38;
	[tilespmem:$0xAA00] =	vst v63  }
0x84: {  	_ =	swait.ge [sflag:s22], $0x4000  }
0x85: {  	[sflag:s22] =	ssyncset.done $0x0  }
0x86: {  	[sflag:s22] =	ssyncadd.s32 $0xFFFFC000  }
0x87: {  	_ =	swait.ge [sflag:s22], $0x800  }
0x88: {  	[sflag:s22] =	ssyncset.done $0x0  }
0x89: {  	s26 =	smov.u32 s1;
	s1 =	sadd.s32 $0x200, s1;
	[sflag:s22] =	ssyncadd.s32 $0xFFFFF800  }
0x8a: {  	s6 =	smov.u32 s28;
	p0 =	sne.s32 s1, $0xA00;
	_ =	swait.ge [sflag:s22], $0x800  }
.Ltmp0:
0x8b: {  	s28 =	sadd.s32 $0x1000, s28;
	[sflag:s22] =	ssyncset.done $0x0;
	(pc) =	sbr.rel @p0 .LBB2_2-.Ltmp0, $4  }
0x8c: {  	p1 =	seq.s32 s26, $0x0;
	s31 =	sadd.s32 $0x100, s31;
	[sflag:s22] =	ssyncadd.s32 $0xFFFFF800  }
0x8d: {  	[hbm4b:s6+s2] =	stream.linear.scatter [tilespmem:s18], [sflag:$0x5], $0x4000, $0x38;
	[tilespmem:$0xAA00] =	vst v63  }
0x8e: {  	s30 =	sadd.s32 $0x100, s30;
	s7 =	sadd.s32 s0, s11;
	s8 =	sadd.s32 s0, s10  }
0x8f: {  	[hbm4b:s8+s2] =	stream.linear.scatter [tilespmem:s19], [sflag:$0x5], $0x800, $0x38;
	[tilespmem:$0xAA00] =	vst v63  }
0x90: {  	s0 =	simm.s32 @!p1 $0x4  }
0x91: {  	[hbm4b:s7+s2] =	stream.linear.scatter [tilespmem:s20], [sflag:$0x5], $0x800, $0x38;
	[tilespmem:$0xAA00] =	vst v63  }
0x92: {  	_ =	swait.ge @!p1 [sflag:s0], $0x4000  }
0x93: {  	[sflag:s0] =	ssyncset.done @!p1 $0x0  }
0x94: {  	[sflag:s0] =	ssyncadd.s32 @!p1 $0xFFFFC000  }
0x95: {  	_ =	swait.ge @!p1 [sflag:s0], $0x800  }
0x96: {  	[sflag:s0] =	ssyncset.done @!p1 $0x0  }
0x97: {  	[sflag:s0] =	ssyncadd.s32 @!p1 $0xFFFFF800  }
0x98: {  	_ =	swait.ge @!p1 [sflag:s0], $0x800  }
0x99: {  	[sflag:s0] =	ssyncset.done @!p1 $0x0  }
0x9a: {  	[sflag:s0] =	ssyncadd.s32 @!p1 $0xFFFFF800;
	s0 =	simm.s32 @!p1 $0x5  }
0x9b: {  	_ =	swait.ge @!p1 [sflag:s0], $0x4000  }
0x9c: {  	[sflag:s0] =	ssyncset.done @!p1 $0x0  }
0x9d: {  	[sflag:s0] =	ssyncadd.s32 @!p1 $0xFFFFC000  }
0x9e: {  	_ =	swait.ge @!p1 [sflag:s0], $0x800  }
0x9f: {  	[sflag:s0] =	ssyncset.done @!p1 $0x0  }
0xa0: {  	[sflag:s0] =	ssyncadd.s32 @!p1 $0xFFFFF800  }
0xa1: {  	_ =	swait.ge @!p1 [sflag:s0], $0x800  }
0xa2: {  	[sflag:s0] =	ssyncset.done @!p1 $0x0  }
0xa3: {  	[sflag:s0] =	ssyncadd.s32 @!p1 $0xFFFFF800  }
0xa4: {  	[tilespmem:s15], [sflag:$0x2] =	stream.indirect.gather [hbm4b:s3+s14], $0x80, s31, s14, $0xb8;
	[tilespmem:$0xAA00] =	vst v63  }
0xa5: {  	_ = 	snop  }
0xa6: {  	[tilespmem:s16], [sflag:$0x2] =	stream.indirect.gather [hbm4b:s4+s14], $0x10, s31, s14, $0xb8;
	[tilespmem:$0xAA00] =	vst v63  }
0xa7: {  	_ = 	snop  }
0xa8: {  	[tilespmem:s17], [sflag:$0x2] =	stream.indirect.gather [hbm4b:s5+s14], $0x10, s30, s14, $0xb8;
	[tilespmem:$0xAA00] =	vst v63  }
0xa9: {  	s1 =	sadd.s32 $0x80, s31  }
0xaa: {  	[tilespmem:s18], [sflag:$0x3] =	stream.indirect.gather [hbm4b:s3+s14], $0x80, s1, s14, $0xb8;
	[tilespmem:$0xAA00] =	vst v63  }
0xab: {  	_ = 	snop  }
0xac: {  	[tilespmem:s19], [sflag:$0x3] =	stream.indirect.gather [hbm4b:s4+s14], $0x10, s1, s14, $0xb8;
	[tilespmem:$0xAA00] =	vst v63  }
0xad: {  	s6 =	sadd.s32 $0x80, s30  }
0xae: {  	[tilespmem:s20], [sflag:$0x3] =	stream.indirect.gather [hbm4b:s5+s14], $0x10, s6, s14, $0xb8;
	[tilespmem:$0xAA00] =	vst v63  }
0xaf: {  	_ =	swait.ge [sflag:s21], $0x4000  }
0xb0: {  	[sflag:s21] =	ssyncset.done $0x0  }
0xb1: {  	[sflag:s21] =	ssyncadd.s32 $0xFFFFC000  }
0xb2: {  	_ =	swait.ge [sflag:s21], $0x800  }
0xb3: {  	[sflag:s21] =	ssyncset.done $0x0  }
0xb4: {  	[sflag:s21] =	ssyncadd.s32 $0xFFFFF800  }
0xb5: {  	_ =	swait.ge [sflag:s21], $0x800  }
0xb6: {  	[sflag:s21] =	ssyncset.done $0x0  }
0xb7: {  	s1 =	sadd.s32 $0x1000, s29;
	s7 =	rddreg [dreg:$0x5];
	[sflag:s21] =	ssyncadd.s32 $0xFFFFF800  }
0xb8: {  	[hbm4b:s1+s2] =	stream.linear.scatter [tilespmem:s15], [sflag:$0x4], $0x4000, $0x38;
	[tilespmem:$0xAA00] =	vst v63  }
0xb9: {  	s6 =	rddreg [dreg:$0x4];
	s0 =	sadd.s32 s26, s7  }
0xba: {  	[hbm4b:s0+s2] =	stream.linear.scatter [tilespmem:s16], [sflag:$0x4], $0x800, $0x38;
	[tilespmem:$0xAA00] =	vst v63  }
0xbb: {  	s8 =	sadd.s32 s26, s6  }
0xbc: {  	[hbm4b:s8+s2] =	stream.linear.scatter [tilespmem:s17], [sflag:$0x4], $0x800, $0x38;
	[tilespmem:$0xAA00] =	vst v63  }
0xbd: {  	_ =	swait.ge [sflag:s22], $0x4000  }
0xbe: {  	[sflag:s22] =	ssyncset.done $0x0  }
0xbf: {  	[sflag:s22] =	ssyncadd.s32 $0xFFFFC000  }
0xc0: {  	_ =	swait.ge [sflag:s22], $0x800  }
0xc1: {  	[sflag:s22] =	ssyncset.done $0x0  }
0xc2: {  	[sflag:s22] =	ssyncadd.s32 $0xFFFFF800  }
0xc3: {  	_ =	swait.ge [sflag:s22], $0x800  }
0xc4: {  	[sflag:s22] =	ssyncset.done $0x0  }
0xc5: {  	[sflag:s22] =	ssyncadd.s32 $0xFFFFF800  }
0xc6: {  	[hbm4b:s28+s2] =	stream.linear.scatter [tilespmem:s18], [sflag:$0x5], $0x4000, $0x38;
	[tilespmem:$0xAA00] =	vst v63  }
0xc7: {  	s29 =	sadd.s32 s26, s10  }
0xc8: {  	[hbm4b:s29+s2] =	stream.linear.scatter [tilespmem:s19], [sflag:$0x5], $0x800, $0x38;
	[tilespmem:$0xAA00] =	vst v63  }
0xc9: {  	s30 =	sadd.s32 s26, s11  }
0xca: {  	[hbm4b:s30+s2] =	stream.linear.scatter [tilespmem:s20], [sflag:$0x5], $0x800, $0x38;
	[tilespmem:$0xAA00] =	vst v63  }
0xcb: {  	_ =	swait.ge [sflag:s23], $0x4000  }
0xcc: {  	[sflag:s23] =	ssyncset.done $0x0  }
0xcd: {  	[sflag:s23] =	ssyncadd.s32 $0xFFFFC000  }
0xce: {  	_ =	swait.ge [sflag:s23], $0x800  }
0xcf: {  	[sflag:s23] =	ssyncset.done $0x0  }
0xd0: {  	[sflag:s23] =	ssyncadd.s32 $0xFFFFF800  }
0xd1: {  	_ =	swait.ge [sflag:s23], $0x800  }
0xd2: {  	[sflag:s23] =	ssyncset.done $0x0  }
0xd3: {  	[sflag:s23] =	ssyncadd.s32 $0xFFFFF800  }
0xd4: {  	_ =	swait.ge [sflag:s24], $0x4000  }
0xd5: {  	[sflag:s24] =	ssyncset.done $0x0  }
0xd6: {  	[sflag:s24] =	ssyncadd.s32 $0xFFFFC000  }
0xd7: {  	_ =	swait.ge [sflag:s24], $0x800  }
0xd8: {  	[sflag:s24] =	ssyncset.done $0x0  }
0xd9: {  	[sflag:s24] =	ssyncadd.s32 $0xFFFFF800  }
0xda: {  	_ =	swait.ge [sflag:s24], $0x800  }
0xdb: {  	s25 =	sadd.s32 $0x1, s25;
	s31 =	rddreg [dreg:$0x8]  }
0xdc: {  	p0 =	sne.s32 s25, s31  }
.Ltmp1:
0xdd: {  	_ = 	snop;
	(pc) =	sbr.rel @p0 .LBB2_1-.Ltmp1, $3  }
0xde: {  	_ =	sdelay $0x1  }
0xdf: {  	[sflag:s24] =	ssyncset.done $0x0  }
0xe0: {  	[sflag:s24] =	ssyncadd.s32 $0xFFFFF800  }
0xe1: {  	_ =	sfence.sel $0x180000  }
0xe2: {  	[bflag:$0x0] =	sbarrier.arrive $0xFFFF  }
0xe3: {  	_ =	strace $0x9000004D  }
0xe4: {  	s0 =	stileid.u32;
	[bflag:$0x2] =	sbarrier.arrive $0xFFFF  }
0xe5: {  	p0 =	sne.s32 s0, $0x0;
	s0 =	rddreg [dreg:$0x3]  }
0xe6: {  	s0 =	sadd.s32 @!p0 $0x100000, s0  }
0xe7: {  	[sflag:s0] =	ssyncadd.tile.s32 @!p0 $0x1;
	_ =	shalt  }
.Lfunc_end2:
_tile_overlayer_lowered:
.L_overlay_start_2:
0xe8: {  	(tag) =	ssettag $0x2  }
0xe9: {  	s0 =	rddreg [dreg:$0x0];
	s2 =	stileid.u32  }
0xea: {  	s1 =	rddreg [dreg:$0x1];
	p0 =	sne.s32 s2, $0x0  }
0xeb: {  	s3 =	rddreg [dreg:$0x2];
	[bflag:$0x3] =	sbarrier.arrive $0xFFFF;
	s2 =	simm.s32 @!p0 $0x1C06  }
0xec: {  	[timem:s3], [sflag:s2] =	dma.local @!p0 [hbm:s0], s1  }
0xed: {  	s0 =	simm.s32 @!p0 $0x6  }
0xee: {  	_ =	swait.ge @!p0 [sflag:s0], s1  }
0xef: {  	s1 =	ssub.s32 @!p0 $0x0, s1;
	[sflag:s0] =	ssyncset.done @!p0 $0x0  }
0xf0: {  	[sflag:s0] =	ssyncadd.s32 @!p0 s1  }
0xf1: {  	[bflag:$0x3] =	sbarrier.arrive $0xFFFF  }
0xf2: {  	_ =	shalt  }

// kernel: kernel.13.cloned.1.call-start
scs
__scs_entry_jumppad:
0x0: {  	(pc) =	sbr.rel $0x88, $3  }
0x1: {  	(tag) =	ssettag $0x0;
	lr =	simm.s32 $0x1  }
0x2: {  	[smem:$0x3F9C] =	sst lr;
	_ =	strace $0xD0000000  }
0x3: {  	_ = 	snop  }
0x4: {  	_ = 	snop  }
0x5: {  	_ = 	snop  }
0x6: {  	_ = 	snop  }
0x7: {  	_ = 	snop  }
__scs_overlays_trampoline_lowered:
0x8: {  	[smem:$0x3FAB] =	sst s0  }
0x9: {  	[smem:$0x3FAC] =	sst s1  }
0xa: {  	[smem:$0x3FAD] =	sst s2  }
0xb: {  	[smem:$0x3FAE] =	sst s3  }
0xc: {  	[smem:$0x3FAF] =	sst s4  }
0xd: {  	[smem:$0x3FB0] =	sst s5  }
0xe: {  	[smem:$0x3FB1] =	sst s6  }
0xf: {  	[smem:$0x3FB2] =	sst s7  }
0x10: {  	[smem:$0x3FB3] =	sst s8  }
0x11: {  	[smem:$0x3FB4] =	sst s9;
	s0 =	simm.s32 @!p0 $0x0  }
0x12: {  	s1 =	sld [smem:$0x3F9A];
	s0 =	simm.s32 @p0 $0x1  }
0x13: {  	[smem:$0x3FB5] =	sst s0;
	s0 =	simm.s32 @!p1 $0x0  }
0x14: {  	s2 =	sld [smem:$0x3F99];
	s0 =	simm.s32 @p1 $0x1  }
0x15: {  	[smem:$0x3FB6] =	sst s0;
	s0 =	simm.s32 @!p2 $0x0  }
0x16: {  	s3 =	sld [smem:$0x3FDB];
	s0 =	simm.s32 @p2 $0x1  }
0x17: {  	s4 =	simm.s32 $0x1BF5;
	[smem:$0x3FB8] =	sst s0  }
0x18: {  	s0 =	sld [smem:$0x3F9B];
	_ =	swait.ge [sflag:s4], $0x0  }
0x19: {  	s7 =	sld [smem:$0x3F9C]  }
0x1a: {  	s8 =	sadd.s32 $0xFFFFE003, lr  }
0x1b: {  	s9 =	sadd.s32 $0xFFFFFEF7, lr;
	s5 =	simm.s32 $0xFFFFFFFF;
	p2 =	slt.u32 s8, $0xFFFFF086  }
0x1c: {  	p1 =	slt.u32 s9, $0xF7A;
	s5 =	simm.s32 @!p2 $0x0  }
0x1d: {  	s5 =	simm.s32 @p1 $0x1;
	p0 =	seq.s32 s7, s2  }
0x1e: {  	s7 =	smul.u32 @!p0 $0xF7A, s2;
	p2 =	seq.s32 @!p0 s5, $0x0  }
0x1f: {  	s9 =	smul.u32 $0xF7A, s1;
	s8 =	simm.s32 @!p0 $0x1BF5;
	p2 =	por !p2, p0  }
0x20: {  	[sflag:s8] =	ssyncset.s32 @!p0 $0xFFFFF086;
	s6 =	sadd.s32 @!p0 s3, s7;
	s7 =	simm.s32 @!p0 $0x108  }
0x21: {  	s3 =	sadd.s32 s3, s9;
	s6 =	sadd.s32 @!p0 $0x88, s6;
	s7 =	simm.s32 @p2 $0x1082  }
0x22: {  	[simem:s7], [sflag:s8] =	dma.local @!p0 [hbm:s6], $0xF7A  }
0x23: {  	s9 =	sor.u32 $0xD0000000, s2;
	s6 =	simm.s32 $0x108;
	_ =	swait.ge @!p0 [sflag:s8], $0x0  }
0x24: {  	s3 =	sadd.s32 $0x88, s3;
	s6 =	simm.s32 @!p1 $0x1082;
	[sflag:s4] =	ssyncset.s32 $0xFFFFF086  }
0x25: {  	[simem:s6], [sflag:s4] =	dma.local [hbm:s3], $0xF7A  }
0x26: {  	[smem:$0x3F9C] =	sst s1;
	(tag) =	ssettag s2;
	_ =	strace s9  }
0x27: {  	s1 =	sld [smem:$0x3FAC]  }
0x28: {  	s2 =	sld [smem:$0x3FAD]  }
0x29: {  	s4 =	sld [smem:$0x3FAF]  }
0x2a: {  	p0 =	seq.s32 s5, $0x0;
	s5 =	sld [smem:$0x3FB0]  }
0x2b: {  	s6 =	sld [smem:$0x3FB1]  }
0x2c: {  	s7 =	sld [smem:$0x3FB2]  }
0x2d: {  	s3 =	simm.s32 $0x108;
	s8 =	sld [smem:$0x3FB3]  }
0x2e: {  	s3 =	simm.s32 @!p0 $0x1082;
	s9 =	sld [smem:$0x3FB4]  }
0x2f: {  	lr =	sadd.s32 s0, s3;
	s0 =	sld [smem:$0x3FAB]  }
0x30: {  	s3 =	sld [smem:$0x3FAE]  }
0x31: {  	[smem:$0x3FB7] =	sst s10  }
0x32: {  	s10 =	sld [smem:$0x3FB5];
	_ =	sdelay $0x3  }
0x33: {  	p0 =	seq.s32 s10, $0x1;
	s10 =	sld [smem:$0x3FB7];
	_ =	sdelay $0x3  }
0x34: {  	[smem:$0x3FB7] =	sst s10  }
0x35: {  	s10 =	sld [smem:$0x3FB6];
	_ =	sdelay $0x3  }
0x36: {  	p1 =	seq.s32 s10, $0x1;
	s10 =	sld [smem:$0x3FB7];
	_ =	sdelay $0x3  }
0x37: {  	[smem:$0x3FB7] =	sst s10  }
0x38: {  	s10 =	sld [smem:$0x3FB8]  }
0x39: {  	_ = 	snop;
	(pc) =	sbr.ind lr, $3  }
0x3a: {  	_ = 	snop  }
0x3b: {  	_ = 	snop  }
0x3c: {  	p2 =	seq.s32 s10, $0x1;
	s10 =	sld [smem:$0x3FB7]  }
0x3d: {  	_ =	shalt  }
0x3e: {  	_ =	shalt  }
0x3f: {  	_ =	shalt  }
0x40: {  	_ =	shalt  }
0x41: {  	_ =	shalt  }
0x42: {  	_ =	shalt  }
0x43: {  	_ =	shalt  }
0x44: {  	_ =	shalt  }
0x45: {  	_ =	shalt  }
0x46: {  	_ =	shalt  }
0x47: {  	_ =	shalt  }
0x48: {  	_ =	shalt  }
0x49: {  	_ =	shalt  }
0x4a: {  	_ =	shalt  }
0x4b: {  	_ =	shalt  }
0x4c: {  	_ =	shalt  }
0x4d: {  	_ =	shalt  }
0x4e: {  	_ =	shalt  }
0x4f: {  	_ =	shalt  }
0x50: {  	_ =	shalt  }
0x51: {  	_ =	shalt  }
0x52: {  	_ =	shalt  }
0x53: {  	_ =	shalt  }
0x54: {  	_ =	shalt  }
0x55: {  	_ =	shalt  }
0x56: {  	_ =	shalt  }
0x57: {  	_ =	shalt  }
0x58: {  	_ =	shalt  }
0x59: {  	_ =	shalt  }
0x5a: {  	_ =	shalt  }
0x5b: {  	_ =	shalt  }
0x5c: {  	_ =	shalt  }
0x5d: {  	_ =	shalt  }
0x5e: {  	_ =	shalt  }
0x5f: {  	_ =	shalt  }
0x60: {  	_ =	shalt  }
0x61: {  	_ =	shalt  }
0x62: {  	_ =	shalt  }
0x63: {  	_ =	shalt  }
0x64: {  	_ =	shalt  }
0x65: {  	_ =	shalt  }
0x66: {  	_ =	shalt  }
0x67: {  	_ =	shalt  }
0x68: {  	_ =	shalt  }
0x69: {  	_ =	shalt  }
0x6a: {  	_ =	shalt  }
0x6b: {  	_ =	shalt  }
0x6c: {  	_ =	shalt  }
0x6d: {  	_ =	shalt  }
0x6e: {  	_ =	shalt  }
0x6f: {  	_ =	shalt  }
0x70: {  	_ =	shalt  }
0x71: {  	_ =	shalt  }
0x72: {  	_ =	shalt  }
0x73: {  	_ =	shalt  }
0x74: {  	_ =	shalt  }
0x75: {  	_ =	shalt  }
0x76: {  	_ =	shalt  }
0x77: {  	_ =	shalt  }
0x78: {  	_ =	shalt  }
0x79: {  	_ =	shalt  }
0x7a: {  	_ =	shalt  }
0x7b: {  	_ =	shalt  }
0x7c: {  	_ =	shalt  }
0x7d: {  	_ =	shalt  }
0x7e: {  	_ =	shalt  }
0x7f: {  	_ =	shalt  }
0x80: {  	_ =	shalt  }
0x81: {  	_ =	shalt  }
0x82: {  	_ =	shalt  }
0x83: {  	_ =	shalt  }
0x84: {  	_ =	shalt  }
0x85: {  	_ =	shalt  }
0x86: {  	_ =	shalt  }
0x87: {  	_ =	shalt  }
.Lfunc_end0:
.L_simem_size_0:
called_computation.2_lowered:
.L_overlay_start_0:
0x88: {  	s2 =	sld [smem:$0x3FD9]  }
0x89: {  	s3 =	sld [smem:$0x3FFE];
	_ =	sdelay $0x1  }
0x8a: {  	s1 =	srdreg.scid  }
0x8b: {  	s0 =	sand.u32 $0x1, s1  }
0x8c: {  	s15 =	sshll.u32 s0, $0xA;
	s2 =	sadd.s32 s3, s2  }
0x8d: {  	s2 =	sadd.s32 s2, s15  }
0x8e: {  	[smem:$0x3FC3] =	sst s2  }
0x8f: {  	_ = 	snop  }
0x90: {  	s2 =	sld [smem:$0x3FD0];
	_ =	sdelay $0x2  }
0x91: {  	s4 =	simm.s32 $0xD;
	s16 =	simm.s32 $0x10  }
0x92: {  	[smem:s16], [sflag:s4] =	dma.local [hbm:s2], $0x1  }
0x93: {  	_ =	swait.eq [sflag:s4], $0x1  }
0x94: {  	[sflag:s4] =	ssyncset.done $0x0  }
0x95: {  	s17 =	sld [smem:$0x12];
	[sflag:s4] =	ssyncadd.s32 $0xFFFFFFFF  }
0x96: {  	s18 =	sld [smem:$0x16];
	(tm) =	ssettm $0x1  }
0x97: {  	s19 =	sld [smem:$0x3FFB];
	_ =	sdelay $0x3  }
0x98: {  	_ =	strace s19  }
0x99: {  	s2 =	sld [smem:$0x3FFC];
	_ =	sdelay $0x3  }
0x9a: {  	_ =	strace s2  }
0x9b: {  	s2 =	sld [smem:$0x3FFD];
	_ =	sdelay $0x3  }
0x9c: {  	_ =	strace s2  }
0x9d: {  	_ =	strace $0x8FFFFFFF  }
0x9e: {  	s20 =	sld [smem:$0x3FDB];
	_ =	sdelay $0x1  }
0x9f: {  	s5 =	simm.s32 $_scs_section_size  }
0xa0: {  	s6 =	simm.s32 $_size__tile_overlayer_lowered;
	s7 =	simm.s32 $_tile_overlayer_lowered  }
0xa1: {  	s8 =	simm.s32 $0x1BFF;
	s21 =	sshll.u32 s7, $0x1;
	s5 =	sadd.s32 s5, s20  }
0xa2: {  	s22 =	simm.s32 $0x0;
	s6 =	sshll.u32 s6, $0x1;
	s7 =	sadd.s32 s21, s5  }
0xa3: {  	[timem:s22], [sflag:s8] =	dma.local [hbm:s7], s6  }
0xa4: {  	_ =	swait.ge [sflag:s8], s6  }
0xa5: {  	s6 =	ssub.s32 $0x0, s6;
	[sflag:s8] =	ssyncset.done $0x0  }
0xa6: {  	[sflag:s8] =	ssyncadd.s32 s6;
	_ =	sdelay $0x1  }
0xa7: {  	s23 =	simm.s32 $0x1B8B  }
0xa8: {  	_ =	swait.ge [sflag:s23], $0x1  }
0xa9: {  	[sflag:s23] =	ssyncset.done $0x0  }
0xaa: {  	[sflag:s23] =	ssyncadd.s32 $0xFFFFFFFF  }
0xab: {  	s6 =	sld [smem:$0x0]  }
0xac: {  	s7 =	sand.u32 $0xFFFFFFFE, s1  }
0xad: {  	p0 =	sne.s32 s1, s7  }
0xae: {  	s7 =	sshll.u32 @p0 s7, $0xE  }
0xaf: {  	s7 =	sadd.s32 @p0 $0x11B8D, s7;
	s8 =	sshll.u32 @p0 s6, $0x11  }
0xb0: {  	s7 =	sor.u32 @p0 s8, s7  }
0xb1: {  	[sflag:s7] =	ssyncadd.remote.s32 @p0 $0x1;
	_ =	sdelay $0x1  }
0xb2: {  	s7 =	simm.s32 @p0 $0x1B8D  }
0xb3: {  	_ =	swait.eq @p0 [sflag:s7], $0x1  }
0xb4: {  	[sflag:s7] =	ssyncadd.s32 @p0 $0xFFFFFFFF  }
0xb5: {  	s8 =	sshll.u32 @!p0 s1, $0xE  }
0xb6: {  	s8 =	sor.u32 @!p0 $0x4000, s8;
	s7 =	simm.s32 @!p0 $0x1B8D  }
0xb7: {  	s6 =	sshll.u32 @!p0 s6, $0x11;
	s8 =	sadd.s32 @!p0 $0x11B8D, s8;
	_ =	swait.eq @!p0 [sflag:s7], $0x1  }
0xb8: {  	s6 =	sor.u32 @!p0 s6, s8;
	[sflag:s7] =	ssyncadd.s32 @!p0 $0xFFFFFFFF  }
0xb9: {  	s25 =	simm.s32 $0x1B8E;
	s24 =	sld [smem:$0x3FFE];
	[sflag:s6] =	ssyncadd.remote.s32 @!p0 $0x1  }
0xba: {  	s26 =	simm.s32 $execute0_lowered;
	[smem:$0x3FD2] =	sst s25  }
0xbb: {  	s7 =	sshll.u32 s26, $0x1;
	_ =	strace $0x80000049;
	[dreg:$0x1] =	wrdreg $0xFFFFFFFF  }
0xbc: {  	s28 =	simm.s32 $_size_execute0_lowered;
	s5 =	sadd.s32 s5, s7;
	[dreg:$0x0] =	wrdreg $0x0  }
0xbd: {  	s7 =	sshll.u32 s28, $0x1;
	[dreg:$0x2] =	wrdreg s5  }
0xbe: {  	[dreg:$0x3] =	wrdreg s7  }
0xbf: {  	[dreg:$0x4] =	wrdreg $0xC0  }
0xc0: {  	_ =	task [dreg:s22], $0x5FFFF  }
0xc1: {  	[dreg:$0x1] =	wrdreg $0xFFFFFFFF  }
0xc2: {  	[dreg:$0x0] =	wrdreg $0x60  }
0xc3: {  	[dreg:$0x2] =	wrdreg s24  }
0xc4: {  	[dreg:$0x3] =	wrdreg s17  }
0xc5: {  	[dreg:$0x4] =	wrdreg s18  }
0xc6: {  	[dreg:$0x5] =	wrdreg $0xB  }
0xc7: {  	_ =	task.clear_ibuf [dreg:s22], $0x6FFFF;
	_ =	strace $0x90000049  }
0xc8: {  	s29 =	simm.s32 $0xB;
	_ =	strace $0x8000004B  }
0xc9: {  	_ =	swait.ge [sflag:s29], $0x1  }
0xca: {  	[sflag:s29] =	ssyncadd.s32 $0xFFFFFFFF  }
0xcb: {  	_ =	strace $0x9000004B  }
0xcc: {  	_ =	sfence  }
0xcd: {  	s30 =	sld [smem:$0x0];
	_ =	sdelay $0x2  }
0xce: {  	s31 =	sshll.u32 s1, $0xD;
	s1 =	sshrl.u32 s1, $0x2  }
0xcf: {  	s4 =	sand.u32 $0x4000, s31;
	s1 =	sadd.s32 s1, s30  }
0xd0: {  	s0 =	sor.u32 s4, s0;
	s1 =	sshll.u32 s1, $0x11  }
0xd1: {  	s0 =	sor.u32 s1, s0  }
0xd2: {  	s0 =	sadd.s32 $0x8F2B, s0  }
0xd3: {  	[sflag:s0] =	ssyncadd.remote.s32 $0x1  }
0xd4: {  	_ =	sfence.sel $0xFFFF  }
0xd5: {  	[dreg:$0x0] =	wrdreg $0xFFFFFFFF;
	(pc) =	sbr.abs _section_cstart, $3  }
0xd6: {  	[dreg:$0x1] =	wrdreg $0xFFFFFFFF  }
0xd7: {  	_ =	task.clear_ibuf [dreg:s22], $0x2FFFF;
	_ =	strace $0x9FFFFFFF  }
0xd8: {  	(tm) =	ssettm $0x7FFFFFFF  }
0xd9: {  	_ =	shalt  }
tec
execute0_lowered:
.L_overlay_start_1:
0x0: {  	(tag) =	ssettag $0x1  }
0x1: {  	s1 =	rddreg [dreg:$0x0]  }
0x2: {  	s0 =	srdreg.scid;
	s6 =	rddreg [dreg:$0x1]  }
0x3: {  	s15 =	stileid.u32;
	s7 =	rddreg [dreg:$0x2]  }
0x4: {  	s17 =	simm.s32 $0x9A00;
	s18 =	simm.s32 $0x4A00;
	s9 =	smul.u32 $0x1400, s15  }
0x5: {  	s19 =	simm.s32 $0x9200;
	s20 =	simm.s32 $0xA200;
	s13 =	smul.u32 $0xA00, s15  }
0x6: {  	s21 =	simm.s32 $0x2;
	s0 =	sand.u32 $0x1, s0;
	s26 =	smul.u32 $0xA000, s15  }
0x7: {  	s22 =	simm.s32 $0x3;
	s2 =	sshll.u32 s15, $0x1;
	s11 =	smul.u32 $0xA00, s0  }
0x8: {  	s4 =	sadd.s32 $0x5600, s1;
	s5 =	sadd.s32 $0xA600, s1;
	s14 =	smul.u32 $0x500, s0  }
0x9: {  	s2 =	sor.u32 s0, s2;
	s10 =	ssub.s32 $0x2, s0;
	s0 =	smul.u32 $0x5000, s0  }
0xa: {  	s15 =	simm.s32 $0xA00;
	s3 =	smul.u32 $0x500, s2;
	s2 =	simm.s32 $0x0  }
0xb: {  	s12 =	sshrl.u32 s10, $0x1;
	s29 =	sadd.s32 s26, s6;
	[smem:$0x7FF] =	sst s2  }
0xc: {  	s10 =	ssub.s32 s10, s12;
	s25 =	sadd.s32 s14, s13;
	s13 =	simm.s32 $0x1  }
0xd: {  	s14 =	simm.s32 $0x80;
	s3 =	sshrl.u32 s3, $0x3;
	_ =	strace $0x8000004A  }
0xe: {  	s24 =	smax.u32 s10, $0x1;
	s10 =	sor.u32 $0x80, s25;
	s25 =	simm.s32 $0x0  }
0xf: {  	s8 =	sadd.s32 s3, s1;
	s3 =	sadd.s32 $0xF600, s1;
	s1 =	sadd.s32 $0x4D000, s1  }
0x10: {  	[dreg:$0x8] =	wrdreg s24;
	s28 =	sshrl.u32 s10, $0x7;
	s24 =	simm.s32 $0x5  }
0x11: {  	s23 =	sadd.s32 s9, s1;
	s16 =	sadd.s32 $0x4A800, s8;
	s8 =	sadd.s32 $0x4BC00, s8  }
0x12: {  	s9 =	sadd.s32 s9, s7;
	s30 =	sshll.u32 s28, $0x8;
	[dreg:$0x6] =	wrdreg s16  }
0x13: {  	s31 =	sshll.u32 s28, $0xB;
	[dreg:$0x7] =	wrdreg s8;
	s12 =	sadd.s32 s11, s23  }
0x14: {  	s9 =	sadd.s32 s11, s9;
	s10 =	sadd.s32 s30, s7;
	s11 =	sadd.s32 s30, s1  }
0x15: {  	s16 =	simm.s32 $0x8A00;
	s23 =	simm.s32 $0x4;
	[dreg:$0x4] =	wrdreg s12  }
0x16: {  	[dreg:$0x5] =	wrdreg s9;
	s9 =	sadd.s32 s0, s29;
	s12 =	sadd.s32 s31, s6  }
.LBB2_1:
0x17: {  	s0 =	rddreg [dreg:$0x6]  }
0x18: {  	[tilespmem:s2], [sflag:$0x1] =	stream.linear.gather [hbm4b:s0+s2], $0x500, $0x38;
	[tilespmem:$0xAA00] =	vst v63  }
0x19: {  	_ =	swait.ge [sflag:s13], $0x500  }
0x1a: {  	[sflag:s13] =	ssyncset.done $0x0  }
0x1b: {  	s7 =	simm.s32 $0x500;
	s1 =	rddreg [dreg:$0x7];
	[sflag:s13] =	ssyncadd.s32 $0xFFFFFB00  }
0x1c: {  	[tilespmem:s7], [sflag:$0x1] =	stream.linear.gather [hbm4b:s1+s2], $0x500, $0x38;
	[tilespmem:$0xAA00] =	vst v63  }
0x1d: {  	_ =	swait.ge [sflag:s13], $0x500  }
0x1e: {  	p0 =	por $0x1, $0x1;
	[sflag:s13] =	ssyncset.done $0x0  }
0x1f: {  	s1 =	simm.s32 @!p0 $0x4;
	[sflag:s13] =	ssyncadd.s32 $0xFFFFFB00  }
0x20: {  	_ =	swait.ge @!p0 [sflag:s1], $0x4000  }
0x21: {  	[sflag:s1] =	ssyncset.done @!p0 $0x0  }
0x22: {  	[sflag:s1] =	ssyncadd.s32 @!p0 $0xFFFFC000  }
0x23: {  	_ =	swait.ge @!p0 [sflag:s1], $0x800  }
0x24: {  	[sflag:s1] =	ssyncset.done @!p0 $0x0  }
0x25: {  	[sflag:s1] =	ssyncadd.s32 @!p0 $0xFFFFF800  }
0x26: {  	_ =	swait.ge @!p0 [sflag:s1], $0x800  }
0x27: {  	[sflag:s1] =	ssyncset.done @!p0 $0x0  }
0x28: {  	[sflag:s1] =	ssyncadd.s32 @!p0 $0xFFFFF800;
	s1 =	simm.s32 @!p0 $0x5  }
0x29: {  	_ =	swait.ge @!p0 [sflag:s1], $0x4000  }
0x2a: {  	[sflag:s1] =	ssyncset.done @!p0 $0x0  }
0x2b: {  	[sflag:s1] =	ssyncadd.s32 @!p0 $0xFFFFC000  }
0x2c: {  	_ =	swait.ge @!p0 [sflag:s1], $0x800  }
0x2d: {  	[sflag:s1] =	ssyncset.done @!p0 $0x0  }
0x2e: {  	[sflag:s1] =	ssyncadd.s32 @!p0 $0xFFFFF800  }
0x2f: {  	_ =	swait.ge @!p0 [sflag:s1], $0x800  }
0x30: {  	[sflag:s1] =	ssyncset.done @!p0 $0x0  }
0x31: {  	[sflag:s1] =	ssyncadd.s32 @!p0 $0xFFFFF800  }
0x32: {  	[tilespmem:s15], [sflag:$0x2] =	stream.indirect.gather [hbm4b:s3+s14], $0x80, s2, s14, $0xb8;
	[tilespmem:$0xAA00] =	vst v63  }
0x33: {  	_ = 	snop  }
0x34: {  	[tilespmem:s16], [sflag:$0x2] =	stream.indirect.gather [hbm4b:s4+s14], $0x10, s2, s14, $0xb8;
	[tilespmem:$0xAA00] =	vst v63  }
0x35: {  	_ = 	snop  }
0x36: {  	[tilespmem:s17], [sflag:$0x2] =	stream.indirect.gather [hbm4b:s5+s14], $0x10, s7, s14, $0xb8;
	[tilespmem:$0xAA00] =	vst v63  }
0x37: {  	s8 =	simm.s32 $0x80  }
0x38: {  	[tilespmem:s18], [sflag:$0x3] =	stream.indirect.gather [hbm4b:s3+s14], $0x80, s8, s14, $0xb8;
	[tilespmem:$0xAA00] =	vst v63  }
0x39: {  	_ = 	snop  }
0x3a: {  	[tilespmem:s19], [sflag:$0x3] =	stream.indirect.gather [hbm4b:s4+s14], $0x10, s8, s14, $0xb8;
	[tilespmem:$0xAA00] =	vst v63  }
0x3b: {  	s26 =	simm.s32 $0x580  }
0x3c: {  	[tilespmem:s20], [sflag:$0x3] =	stream.indirect.gather [hbm4b:s5+s14], $0x10, s26, s14, $0xb8;
	[tilespmem:$0xAA00] =	vst v63  }
0x3d: {  	_ =	swait.ge [sflag:s21], $0x4000  }
0x3e: {  	[sflag:s21] =	ssyncset.done $0x0  }
0x3f: {  	[sflag:s21] =	ssyncadd.s32 $0xFFFFC000  }
0x40: {  	_ =	swait.ge [sflag:s21], $0x800  }
0x41: {  	[sflag:s21] =	ssyncset.done $0x0  }
0x42: {  	[sflag:s21] =	ssyncadd.s32 $0xFFFFF800  }
0x43: {  	_ =	swait.ge [sflag:s21], $0x800  }
0x44: {  	[sflag:s21] =	ssyncset.done $0x0  }
0x45: {  	s1 =	rddreg [dreg:$0x5];
	[sflag:s21] =	ssyncadd.s32 $0xFFFFF800  }
0x46: {  	[hbm4b:s9+s2] =	stream.linear.scatter [tilespmem:s15], [sflag:$0x4], $0x4000, $0x38;
	[tilespmem:$0xAA00] =	vst v63  }
0x47: {  	s6 =	rddreg [dreg:$0x4];
	s0 =	sadd.s32 $0x0, s1  }
0x48: {  	[hbm4b:s0+s2] =	stream.linear.scatter [tilespmem:s16], [sflag:$0x4], $0x800, $0x38;
	[tilespmem:$0xAA00] =	vst v63  }
0x49: {  	s7 =	sadd.s32 $0x0, s6  }
0x4a: {  	[hbm4b:s7+s2] =	stream.linear.scatter [tilespmem:s17], [sflag:$0x4], $0x800, $0x38;
	[tilespmem:$0xAA00] =	vst v63  }
0x4b: {  	_ =	swait.ge [sflag:s22], $0x4000  }
0x4c: {  	[sflag:s22] =	ssyncset.done $0x0  }
0x4d: {  	[sflag:s22] =	ssyncadd.s32 $0xFFFFC000  }
0x4e: {  	_ =	swait.ge [sflag:s22], $0x800  }
0x4f: {  	[sflag:s22] =	ssyncset.done $0x0  }
0x50: {  	[sflag:s22] =	ssyncadd.s32 $0xFFFFF800  }
0x51: {  	s28 =	sadd.s32 $0x1000, s12;
	s31 =	simm.s32 $0x100;
	_ =	swait.ge [sflag:s22], $0x800  }
0x52: {  	s30 =	simm.s32 $0x600;
	p1 =	por $0x0, $0x0;
	[sflag:s22] =	ssyncset.done $0x0  }
0x53: {  	s29 =	smov.u32 s9;
	s8 =	sadd.s32 $0x0, s10;
	[sflag:s22] =	ssyncadd.s32 $0xFFFFF800  }
0x54: {  	[hbm4b:s12+s2] =	stream.linear.scatter [tilespmem:s18], [sflag:$0x5], $0x4000, $0x38;
	[tilespmem:$0xAA00] =	vst v63  }
0x55: {  	s26 =	simm.s32 $0x200;
	s1 =	simm.s32 $0x400;
	s7 =	sadd.s32 $0x0, s11  }
0x56: {  	[hbm4b:s8+s2] =	stream.linear.scatter [tilespmem:s19], [sflag:$0x5], $0x800, $0x38;
	[tilespmem:$0xAA00] =	vst v63  }
.LBB2_2:
0x57: {  	s8 =	simm.s32 @!p1 $0x4  }
0x58: {  	[hbm4b:s7+s2] =	stream.linear.scatter [tilespmem:s20], [sflag:$0x5], $0x800, $0x38;
	[tilespmem:$0xAA00] =	vst v63  }
0x59: {  	_ =	swait.ge @!p1 [sflag:s8], $0x4000  }
0x5a: {  	[sflag:s8] =	ssyncset.done @!p1 $0x0  }
0x5b: {  	[sflag:s8] =	ssyncadd.s32 @!p1 $0xFFFFC000  }
0x5c: {  	_ =	swait.ge @!p1 [sflag:s8], $0x800  }
0x5d: {  	[sflag:s8] =	ssyncset.done @!p1 $0x0  }
0x5e: {  	[sflag:s8] =	ssyncadd.s32 @!p1 $0xFFFFF800  }
0x5f: {  	_ =	swait.ge @!p1 [sflag:s8], $0x800  }
0x60: {  	[sflag:s8] =	ssyncset.done @!p1 $0x0  }
0x61: {  	s7 =	simm.s32 @!p1 $0x5;
	[sflag:s8] =	ssyncadd.s32 @!p1 $0xFFFFF800  }
0x62: {  	_ =	swait.ge @!p1 [sflag:s7], $0x4000  }
0x63: {  	[sflag:s7] =	ssyncset.done @!p1 $0x0  }
0x64: {  	[sflag:s7] =	ssyncadd.s32 @!p1 $0xFFFFC000  }
0x65: {  	_ =	swait.ge @!p1 [sflag:s7], $0x800  }
0x66: {  	[sflag:s7] =	ssyncset.done @!p1 $0x0  }
0x67: {  	[sflag:s7] =	ssyncadd.s32 @!p1 $0xFFFFF800  }
0x68: {  	_ =	swait.ge @!p1 [sflag:s7], $0x800  }
0x69: {  	[sflag:s7] =	ssyncset.done @!p1 $0x0  }
0x6a: {  	[sflag:s7] =	ssyncadd.s32 @!p1 $0xFFFFF800  }
0x6b: {  	[tilespmem:s15], [sflag:$0x2] =	stream.indirect.gather [hbm4b:s3+s14], $0x80, s31, s14, $0xb8;
	[tilespmem:$0xAA00] =	vst v63  }
0x6c: {  	_ = 	snop  }
0x6d: {  	[tilespmem:s16], [sflag:$0x2] =	stream.indirect.gather [hbm4b:s4+s14], $0x10, s31, s14, $0xb8;
	[tilespmem:$0xAA00] =	vst v63  }
0x6e: {  	_ = 	snop  }
0x6f: {  	[tilespmem:s17], [sflag:$0x2] =	stream.indirect.gather [hbm4b:s5+s14], $0x10, s30, s14, $0xb8;
	[tilespmem:$0xAA00] =	vst v63  }
0x70: {  	s8 =	sadd.s32 $0x80, s31  }
0x71: {  	[tilespmem:s18], [sflag:$0x3] =	stream.indirect.gather [hbm4b:s3+s14], $0x80, s8, s14, $0xb8;
	[tilespmem:$0xAA00] =	vst v63  }
0x72: {  	_ = 	snop  }
0x73: {  	[tilespmem:s19], [sflag:$0x3] =	stream.indirect.gather [hbm4b:s4+s14], $0x10, s8, s14, $0xb8;
	[tilespmem:$0xAA00] =	vst v63  }
0x74: {  	s8 =	sadd.s32 $0x80, s30  }
0x75: {  	[tilespmem:s20], [sflag:$0x3] =	stream.indirect.gather [hbm4b:s5+s14], $0x10, s8, s14, $0xb8;
	[tilespmem:$0xAA00] =	vst v63  }
0x76: {  	_ =	swait.ge [sflag:s21], $0x4000  }
0x77: {  	[sflag:s21] =	ssyncset.done $0x0  }
0x78: {  	[sflag:s21] =	ssyncadd.s32 $0xFFFFC000  }
0x79: {  	_ =	swait.ge [sflag:s21], $0x800  }
0x7a: {  	[sflag:s21] =	ssyncset.done $0x0  }
0x7b: {  	[sflag:s21] =	ssyncadd.s32 $0xFFFFF800  }
0x7c: {  	_ =	swait.ge [sflag:s21], $0x800  }
0x7d: {  	s29 =	sadd.s32 $0x1000, s29;
	[sflag:s21] =	ssyncset.done $0x0  }
0x7e: {  	s0 =	smov.u32 s26;
	s7 =	rddreg [dreg:$0x5];
	[sflag:s21] =	ssyncadd.s32 $0xFFFFF800  }
0x7f: {  	[hbm4b:s29+s2] =	stream.linear.scatter [tilespmem:s15], [sflag:$0x4], $0x4000, $0x38;
	[tilespmem:$0xAA00] =	vst v63  }
0x80: {  	s8 =	rddreg [dreg:$0x4];
	s7 =	sadd.s32 s0, s7  }
0x81: {  	[hbm4b:s7+s2] =	stream.linear.scatter [tilespmem:s16], [sflag:$0x4], $0x800, $0x38;
	[tilespmem:$0xAA00] =	vst v63  }
0x82: {  	s8 =	sadd.s32 s0, s8  }
0x83: {  	[hbm4b:s8+s2] =	stream.linear.scatter [tilespmem:s17], [sflag:$0x4], $0x800, $0x38;
	[tilespmem:$0xAA00] =	vst v63  }
0x84: {  	_ =	swait.ge [sflag:s22], $0x4000  }
0x85: {  	[sflag:s22] =	ssyncset.done $0x0  }
0x86: {  	[sflag:s22] =	ssyncadd.s32 $0xFFFFC000  }
0x87: {  	_ =	swait.ge [sflag:s22], $0x800  }
0x88: {  	[sflag:s22] =	ssyncset.done $0x0  }
0x89: {  	s26 =	smov.u32 s1;
	s1 =	sadd.s32 $0x200, s1;
	[sflag:s22] =	ssyncadd.s32 $0xFFFFF800  }
0x8a: {  	s6 =	smov.u32 s28;
	p0 =	sne.s32 s1, $0xA00;
	_ =	swait.ge [sflag:s22], $0x800  }
.Ltmp0:
0x8b: {  	s28 =	sadd.s32 $0x1000, s28;
	[sflag:s22] =	ssyncset.done $0x0;
	(pc) =	sbr.rel @p0 .LBB2_2-.Ltmp0, $4  }
0x8c: {  	p1 =	seq.s32 s26, $0x0;
	s31 =	sadd.s32 $0x100, s31;
	[sflag:s22] =	ssyncadd.s32 $0xFFFFF800  }
0x8d: {  	[hbm4b:s6+s2] =	stream.linear.scatter [tilespmem:s18], [sflag:$0x5], $0x4000, $0x38;
	[tilespmem:$0xAA00] =	vst v63  }
0x8e: {  	s30 =	sadd.s32 $0x100, s30;
	s7 =	sadd.s32 s0, s11;
	s8 =	sadd.s32 s0, s10  }
0x8f: {  	[hbm4b:s8+s2] =	stream.linear.scatter [tilespmem:s19], [sflag:$0x5], $0x800, $0x38;
	[tilespmem:$0xAA00] =	vst v63  }
0x90: {  	s0 =	simm.s32 @!p1 $0x4  }
0x91: {  	[hbm4b:s7+s2] =	stream.linear.scatter [tilespmem:s20], [sflag:$0x5], $0x800, $0x38;
	[tilespmem:$0xAA00] =	vst v63  }
0x92: {  	_ =	swait.ge @!p1 [sflag:s0], $0x4000  }
0x93: {  	[sflag:s0] =	ssyncset.done @!p1 $0x0  }
0x94: {  	[sflag:s0] =	ssyncadd.s32 @!p1 $0xFFFFC000  }
0x95: {  	_ =	swait.ge @!p1 [sflag:s0], $0x800  }
0x96: {  	[sflag:s0] =	ssyncset.done @!p1 $0x0  }
0x97: {  	[sflag:s0] =	ssyncadd.s32 @!p1 $0xFFFFF800  }
0x98: {  	_ =	swait.ge @!p1 [sflag:s0], $0x800  }
0x99: {  	[sflag:s0] =	ssyncset.done @!p1 $0x0  }
0x9a: {  	[sflag:s0] =	ssyncadd.s32 @!p1 $0xFFFFF800;
	s0 =	simm.s32 @!p1 $0x5  }
0x9b: {  	_ =	swait.ge @!p1 [sflag:s0], $0x4000  }
0x9c: {  	[sflag:s0] =	ssyncset.done @!p1 $0x0  }
0x9d: {  	[sflag:s0] =	ssyncadd.s32 @!p1 $0xFFFFC000  }
0x9e: {  	_ =	swait.ge @!p1 [sflag:s0], $0x800  }
0x9f: {  	[sflag:s0] =	ssyncset.done @!p1 $0x0  }
0xa0: {  	[sflag:s0] =	ssyncadd.s32 @!p1 $0xFFFFF800  }
0xa1: {  	_ =	swait.ge @!p1 [sflag:s0], $0x800  }
0xa2: {  	[sflag:s0] =	ssyncset.done @!p1 $0x0  }
0xa3: {  	[sflag:s0] =	ssyncadd.s32 @!p1 $0xFFFFF800  }
0xa4: {  	[tilespmem:s15], [sflag:$0x2] =	stream.indirect.gather [hbm4b:s3+s14], $0x80, s31, s14, $0xb8;
	[tilespmem:$0xAA00] =	vst v63  }
0xa5: {  	_ = 	snop  }
0xa6: {  	[tilespmem:s16], [sflag:$0x2] =	stream.indirect.gather [hbm4b:s4+s14], $0x10, s31, s14, $0xb8;
	[tilespmem:$0xAA00] =	vst v63  }
0xa7: {  	_ = 	snop  }
0xa8: {  	[tilespmem:s17], [sflag:$0x2] =	stream.indirect.gather [hbm4b:s5+s14], $0x10, s30, s14, $0xb8;
	[tilespmem:$0xAA00] =	vst v63  }
0xa9: {  	s1 =	sadd.s32 $0x80, s31  }
0xaa: {  	[tilespmem:s18], [sflag:$0x3] =	stream.indirect.gather [hbm4b:s3+s14], $0x80, s1, s14, $0xb8;
	[tilespmem:$0xAA00] =	vst v63  }
0xab: {  	_ = 	snop  }
0xac: {  	[tilespmem:s19], [sflag:$0x3] =	stream.indirect.gather [hbm4b:s4+s14], $0x10, s1, s14, $0xb8;
	[tilespmem:$0xAA00] =	vst v63  }
0xad: {  	s6 =	sadd.s32 $0x80, s30  }
0xae: {  	[tilespmem:s20], [sflag:$0x3] =	stream.indirect.gather [hbm4b:s5+s14], $0x10, s6, s14, $0xb8;
	[tilespmem:$0xAA00] =	vst v63  }
0xaf: {  	_ =	swait.ge [sflag:s21], $0x4000  }
0xb0: {  	[sflag:s21] =	ssyncset.done $0x0  }
0xb1: {  	[sflag:s21] =	ssyncadd.s32 $0xFFFFC000  }
0xb2: {  	_ =	swait.ge [sflag:s21], $0x800  }
0xb3: {  	[sflag:s21] =	ssyncset.done $0x0  }
0xb4: {  	[sflag:s21] =	ssyncadd.s32 $0xFFFFF800  }
0xb5: {  	_ =	swait.ge [sflag:s21], $0x800  }
0xb6: {  	[sflag:s21] =	ssyncset.done $0x0  }
0xb7: {  	s1 =	sadd.s32 $0x1000, s29;
	s7 =	rddreg [dreg:$0x5];
	[sflag:s21] =	ssyncadd.s32 $0xFFFFF800  }
0xb8: {  	[hbm4b:s1+s2] =	stream.linear.scatter [tilespmem:s15], [sflag:$0x4], $0x4000, $0x38;
	[tilespmem:$0xAA00] =	vst v63  }
0xb9: {  	s6 =	rddreg [dreg:$0x4];
	s0 =	sadd.s32 s26, s7  }
0xba: {  	[hbm4b:s0+s2] =	stream.linear.scatter [tilespmem:s16], [sflag:$0x4], $0x800, $0x38;
	[tilespmem:$0xAA00] =	vst v63  }
0xbb: {  	s8 =	sadd.s32 s26, s6  }
0xbc: {  	[hbm4b:s8+s2] =	stream.linear.scatter [tilespmem:s17], [sflag:$0x4], $0x800, $0x38;
	[tilespmem:$0xAA00] =	vst v63  }
0xbd: {  	_ =	swait.ge [sflag:s22], $0x4000  }
0xbe: {  	[sflag:s22] =	ssyncset.done $0x0  }
0xbf: {  	[sflag:s22] =	ssyncadd.s32 $0xFFFFC000  }
0xc0: {  	_ =	swait.ge [sflag:s22], $0x800  }
0xc1: {  	[sflag:s22] =	ssyncset.done $0x0  }
0xc2: {  	[sflag:s22] =	ssyncadd.s32 $0xFFFFF800  }
0xc3: {  	_ =	swait.ge [sflag:s22], $0x800  }
0xc4: {  	[sflag:s22] =	ssyncset.done $0x0  }
0xc5: {  	[sflag:s22] =	ssyncadd.s32 $0xFFFFF800  }
0xc6: {  	[hbm4b:s28+s2] =	stream.linear.scatter [tilespmem:s18], [sflag:$0x5], $0x4000, $0x38;
	[tilespmem:$0xAA00] =	vst v63  }
0xc7: {  	s29 =	sadd.s32 s26, s10  }
0xc8: {  	[hbm4b:s29+s2] =	stream.linear.scatter [tilespmem:s19], [sflag:$0x5], $0x800, $0x38;
	[tilespmem:$0xAA00] =	vst v63  }
0xc9: {  	s30 =	sadd.s32 s26, s11  }
0xca: {  	[hbm4b:s30+s2] =	stream.linear.scatter [tilespmem:s20], [sflag:$0x5], $0x800, $0x38;
	[tilespmem:$0xAA00] =	vst v63  }
0xcb: {  	_ =	swait.ge [sflag:s23], $0x4000  }
0xcc: {  	[sflag:s23] =	ssyncset.done $0x0  }
0xcd: {  	[sflag:s23] =	ssyncadd.s32 $0xFFFFC000  }
0xce: {  	_ =	swait.ge [sflag:s23], $0x800  }
0xcf: {  	[sflag:s23] =	ssyncset.done $0x0  }
0xd0: {  	[sflag:s23] =	ssyncadd.s32 $0xFFFFF800  }
0xd1: {  	_ =	swait.ge [sflag:s23], $0x800  }
0xd2: {  	[sflag:s23] =	ssyncset.done $0x0  }
0xd3: {  	[sflag:s23] =	ssyncadd.s32 $0xFFFFF800  }
0xd4: {  	_ =	swait.ge [sflag:s24], $0x4000  }
0xd5: {  	[sflag:s24] =	ssyncset.done $0x0  }
0xd6: {  	[sflag:s24] =	ssyncadd.s32 $0xFFFFC000  }
0xd7: {  	_ =	swait.ge [sflag:s24], $0x800  }
0xd8: {  	[sflag:s24] =	ssyncset.done $0x0  }
0xd9: {  	[sflag:s24] =	ssyncadd.s32 $0xFFFFF800  }
0xda: {  	_ =	swait.ge [sflag:s24], $0x800  }
0xdb: {  	s25 =	sadd.s32 $0x1, s25;
	s31 =	rddreg [dreg:$0x8]  }
0xdc: {  	p0 =	sne.s32 s25, s31  }
.Ltmp1:
0xdd: {  	_ = 	snop;
	(pc) =	sbr.rel @p0 .LBB2_1-.Ltmp1, $3  }
0xde: {  	_ =	sdelay $0x1  }
0xdf: {  	[sflag:s24] =	ssyncset.done $0x0  }
0xe0: {  	[sflag:s24] =	ssyncadd.s32 $0xFFFFF800  }
0xe1: {  	_ =	sfence.sel $0x180000  }
0xe2: {  	[bflag:$0x0] =	sbarrier.arrive $0xFFFF  }
0xe3: {  	_ =	strace $0x9000004A  }
0xe4: {  	s0 =	stileid.u32;
	[bflag:$0x2] =	sbarrier.arrive $0xFFFF  }
0xe5: {  	p0 =	sne.s32 s0, $0x0;
	s0 =	rddreg [dreg:$0x3]  }
0xe6: {  	s0 =	sadd.s32 @!p0 $0x100000, s0  }
0xe7: {  	[sflag:s0] =	ssyncadd.tile.s32 @!p0 $0x1;
	_ =	shalt  }
.Lfunc_end2:
_tile_overlayer_lowered:
.L_overlay_start_2:
0xe8: {  	(tag) =	ssettag $0x2  }
0xe9: {  	s0 =	rddreg [dreg:$0x0];
	s2 =	stileid.u32  }
0xea: {  	s1 =	rddreg [dreg:$0x1];
	p0 =	sne.s32 s2, $0x0  }
0xeb: {  	s3 =	rddreg [dreg:$0x2];
	[bflag:$0x3] =	sbarrier.arrive $0xFFFF;
	s2 =	simm.s32 @!p0 $0x1C06  }
0xec: {  	[timem:s3], [sflag:s2] =	dma.local @!p0 [hbm:s0], s1  }
0xed: {  	s0 =	simm.s32 @!p0 $0x6  }
0xee: {  	_ =	swait.ge @!p0 [sflag:s0], s1  }
0xef: {  	s1 =	ssub.s32 @!p0 $0x0, s1;
	[sflag:s0] =	ssyncset.done @!p0 $0x0  }
0xf0: {  	[sflag:s0] =	ssyncadd.s32 @!p0 s1  }
0xf1: {  	[bflag:$0x3] =	sbarrier.arrive $0xFFFF  }
0xf2: {  	_ =	shalt  }

// kernel: kernel.16.cloned.1.call-start
scs
__scs_entry_jumppad:
0x0: {  	(pc) =	sbr.rel $0x88, $3  }
0x1: {  	(tag) =	ssettag $0x0;
	lr =	simm.s32 $0x1  }
0x2: {  	[smem:$0x3F9C] =	sst lr;
	_ =	strace $0xD0000000  }
0x3: {  	_ = 	snop  }
0x4: {  	_ = 	snop  }
0x5: {  	_ = 	snop  }
0x6: {  	_ = 	snop  }
0x7: {  	_ = 	snop  }
__scs_overlays_trampoline_lowered:
0x8: {  	[smem:$0x3FAB] =	sst s0  }
0x9: {  	[smem:$0x3FAC] =	sst s1  }
0xa: {  	[smem:$0x3FAD] =	sst s2  }
0xb: {  	[smem:$0x3FAE] =	sst s3  }
0xc: {  	[smem:$0x3FAF] =	sst s4  }
0xd: {  	[smem:$0x3FB0] =	sst s5  }
0xe: {  	[smem:$0x3FB1] =	sst s6  }
0xf: {  	[smem:$0x3FB2] =	sst s7  }
0x10: {  	[smem:$0x3FB3] =	sst s8  }
0x11: {  	[smem:$0x3FB4] =	sst s9;
	s0 =	simm.s32 @!p0 $0x0  }
0x12: {  	s1 =	sld [smem:$0x3F9A];
	s0 =	simm.s32 @p0 $0x1  }
0x13: {  	[smem:$0x3FB5] =	sst s0;
	s0 =	simm.s32 @!p1 $0x0  }
0x14: {  	s2 =	sld [smem:$0x3F99];
	s0 =	simm.s32 @p1 $0x1  }
0x15: {  	[smem:$0x3FB6] =	sst s0;
	s0 =	simm.s32 @!p2 $0x0  }
0x16: {  	s3 =	sld [smem:$0x3FDB];
	s0 =	simm.s32 @p2 $0x1  }
0x17: {  	s4 =	simm.s32 $0x1BF5;
	[smem:$0x3FB8] =	sst s0  }
0x18: {  	s0 =	sld [smem:$0x3F9B];
	_ =	swait.ge [sflag:s4], $0x0  }
0x19: {  	s7 =	sld [smem:$0x3F9C]  }
0x1a: {  	s8 =	sadd.s32 $0xFFFFE003, lr  }
0x1b: {  	s9 =	sadd.s32 $0xFFFFFEF7, lr;
	s5 =	simm.s32 $0xFFFFFFFF;
	p2 =	slt.u32 s8, $0xFFFFF086  }
0x1c: {  	p1 =	slt.u32 s9, $0xF7A;
	s5 =	simm.s32 @!p2 $0x0  }
0x1d: {  	s5 =	simm.s32 @p1 $0x1;
	p0 =	seq.s32 s7, s2  }
0x1e: {  	s7 =	smul.u32 @!p0 $0xF7A, s2;
	p2 =	seq.s32 @!p0 s5, $0x0  }
0x1f: {  	s9 =	smul.u32 $0xF7A, s1;
	s8 =	simm.s32 @!p0 $0x1BF5;
	p2 =	por !p2, p0  }
0x20: {  	[sflag:s8] =	ssyncset.s32 @!p0 $0xFFFFF086;
	s6 =	sadd.s32 @!p0 s3, s7;
	s7 =	simm.s32 @!p0 $0x108  }
0x21: {  	s3 =	sadd.s32 s3, s9;
	s6 =	sadd.s32 @!p0 $0x88, s6;
	s7 =	simm.s32 @p2 $0x1082  }
0x22: {  	[simem:s7], [sflag:s8] =	dma.local @!p0 [hbm:s6], $0xF7A  }
0x23: {  	s9 =	sor.u32 $0xD0000000, s2;
	s6 =	simm.s32 $0x108;
	_ =	swait.ge @!p0 [sflag:s8], $0x0  }
0x24: {  	s3 =	sadd.s32 $0x88, s3;
	s6 =	simm.s32 @!p1 $0x1082;
	[sflag:s4] =	ssyncset.s32 $0xFFFFF086  }
0x25: {  	[simem:s6], [sflag:s4] =	dma.local [hbm:s3], $0xF7A  }
0x26: {  	[smem:$0x3F9C] =	sst s1;
	(tag) =	ssettag s2;
	_ =	strace s9  }
0x27: {  	s1 =	sld [smem:$0x3FAC]  }
0x28: {  	s2 =	sld [smem:$0x3FAD]  }
0x29: {  	s4 =	sld [smem:$0x3FAF]  }
0x2a: {  	p0 =	seq.s32 s5, $0x0;
	s5 =	sld [smem:$0x3FB0]  }
0x2b: {  	s6 =	sld [smem:$0x3FB1]  }
0x2c: {  	s7 =	sld [smem:$0x3FB2]  }
0x2d: {  	s3 =	simm.s32 $0x108;
	s8 =	sld [smem:$0x3FB3]  }
0x2e: {  	s3 =	simm.s32 @!p0 $0x1082;
	s9 =	sld [smem:$0x3FB4]  }
0x2f: {  	lr =	sadd.s32 s0, s3;
	s0 =	sld [smem:$0x3FAB]  }
0x30: {  	s3 =	sld [smem:$0x3FAE]  }
0x31: {  	[smem:$0x3FB7] =	sst s10  }
0x32: {  	s10 =	sld [smem:$0x3FB5];
	_ =	sdelay $0x3  }
0x33: {  	p0 =	seq.s32 s10, $0x1;
	s10 =	sld [smem:$0x3FB7];
	_ =	sdelay $0x3  }
0x34: {  	[smem:$0x3FB7] =	sst s10  }
0x35: {  	s10 =	sld [smem:$0x3FB6];
	_ =	sdelay $0x3  }
0x36: {  	p1 =	seq.s32 s10, $0x1;
	s10 =	sld [smem:$0x3FB7];
	_ =	sdelay $0x3  }
0x37: {  	[smem:$0x3FB7] =	sst s10  }
0x38: {  	s10 =	sld [smem:$0x3FB8]  }
0x39: {  	_ = 	snop;
	(pc) =	sbr.ind lr, $3  }
0x3a: {  	_ = 	snop  }
0x3b: {  	_ = 	snop  }
0x3c: {  	p2 =	seq.s32 s10, $0x1;
	s10 =	sld [smem:$0x3FB7]  }
0x3d: {  	_ =	shalt  }
0x3e: {  	_ =	shalt  }
0x3f: {  	_ =	shalt  }
0x40: {  	_ =	shalt  }
0x41: {  	_ =	shalt  }
0x42: {  	_ =	shalt  }
0x43: {  	_ =	shalt  }
0x44: {  	_ =	shalt  }
0x45: {  	_ =	shalt  }
0x46: {  	_ =	shalt  }
0x47: {  	_ =	shalt  }
0x48: {  	_ =	shalt  }
0x49: {  	_ =	shalt  }
0x4a: {  	_ =	shalt  }
0x4b: {  	_ =	shalt  }
0x4c: {  	_ =	shalt  }
0x4d: {  	_ =	shalt  }
0x4e: {  	_ =	shalt  }
0x4f: {  	_ =	shalt  }
0x50: {  	_ =	shalt  }
0x51: {  	_ =	shalt  }
0x52: {  	_ =	shalt  }
0x53: {  	_ =	shalt  }
0x54: {  	_ =	shalt  }
0x55: {  	_ =	shalt  }
0x56: {  	_ =	shalt  }
0x57: {  	_ =	shalt  }
0x58: {  	_ =	shalt  }
0x59: {  	_ =	shalt  }
0x5a: {  	_ =	shalt  }
0x5b: {  	_ =	shalt  }
0x5c: {  	_ =	shalt  }
0x5d: {  	_ =	shalt  }
0x5e: {  	_ =	shalt  }
0x5f: {  	_ =	shalt  }
0x60: {  	_ =	shalt  }
0x61: {  	_ =	shalt  }
0x62: {  	_ =	shalt  }
0x63: {  	_ =	shalt  }
0x64: {  	_ =	shalt  }
0x65: {  	_ =	shalt  }
0x66: {  	_ =	shalt  }
0x67: {  	_ =	shalt  }
0x68: {  	_ =	shalt  }
0x69: {  	_ =	shalt  }
0x6a: {  	_ =	shalt  }
0x6b: {  	_ =	shalt  }
0x6c: {  	_ =	shalt  }
0x6d: {  	_ =	shalt  }
0x6e: {  	_ =	shalt  }
0x6f: {  	_ =	shalt  }
0x70: {  	_ =	shalt  }
0x71: {  	_ =	shalt  }
0x72: {  	_ =	shalt  }
0x73: {  	_ =	shalt  }
0x74: {  	_ =	shalt  }
0x75: {  	_ =	shalt  }
0x76: {  	_ =	shalt  }
0x77: {  	_ =	shalt  }
0x78: {  	_ =	shalt  }
0x79: {  	_ =	shalt  }
0x7a: {  	_ =	shalt  }
0x7b: {  	_ =	shalt  }
0x7c: {  	_ =	shalt  }
0x7d: {  	_ =	shalt  }
0x7e: {  	_ =	shalt  }
0x7f: {  	_ =	shalt  }
0x80: {  	_ =	shalt  }
0x81: {  	_ =	shalt  }
0x82: {  	_ =	shalt  }
0x83: {  	_ =	shalt  }
0x84: {  	_ =	shalt  }
0x85: {  	_ =	shalt  }
0x86: {  	_ =	shalt  }
0x87: {  	_ =	shalt  }
.Lfunc_end0:
.L_simem_size_0:
called_computation.3_lowered:
.L_overlay_start_0:
0x88: {  	s2 =	sld [smem:$0x3FD9]  }
0x89: {  	s3 =	sld [smem:$0x3FFE];
	_ =	sdelay $0x1  }
0x8a: {  	s1 =	srdreg.scid  }
0x8b: {  	s0 =	sand.u32 $0x1, s1  }
0x8c: {  	s14 =	sshll.u32 s0, $0xA;
	s2 =	sadd.s32 s3, s2  }
0x8d: {  	s2 =	sadd.s32 s2, s14  }
0x8e: {  	[smem:$0x3FC3] =	sst s2  }
0x8f: {  	_ = 	snop  }
0x90: {  	s2 =	sld [smem:$0x3FD0];
	_ =	sdelay $0x2  }
0x91: {  	s15 =	simm.s32 $0xD;
	s4 =	simm.s32 $0x10  }
0x92: {  	[smem:s4], [sflag:s15] =	dma.local [hbm:s2], $0x1  }
0x93: {  	_ =	swait.eq [sflag:s15], $0x1  }
0x94: {  	[sflag:s15] =	ssyncset.done $0x0  }
0x95: {  	s16 =	sld [smem:$0x13];
	[sflag:s15] =	ssyncadd.s32 $0xFFFFFFFF  }
0x96: {  	s17 =	sld [smem:$0x17];
	(tm) =	ssettm $0x1  }
0x97: {  	s18 =	sld [smem:$0x3FFB];
	_ =	sdelay $0x3  }
0x98: {  	_ =	strace s18  }
0x99: {  	s4 =	sld [smem:$0x3FFC];
	_ =	sdelay $0x3  }
0x9a: {  	_ =	strace s4  }
0x9b: {  	s4 =	sld [smem:$0x3FFD];
	_ =	sdelay $0x3  }
0x9c: {  	_ =	strace s4  }
0x9d: {  	_ =	strace $0x8FFFFFFF  }
0x9e: {  	s19 =	sld [smem:$0x3FDB];
	_ =	sdelay $0x1  }
0x9f: {  	s5 =	simm.s32 $_scs_section_size  }
0xa0: {  	s6 =	simm.s32 $_size__tile_overlayer_lowered;
	s7 =	simm.s32 $_tile_overlayer_lowered  }
0xa1: {  	s22 =	simm.s32 $0x1BFF;
	s21 =	sshll.u32 s7, $0x1;
	s4 =	sadd.s32 s5, s19  }
0xa2: {  	s8 =	simm.s32 $0x0;
	s20 =	sshll.u32 s6, $0x1;
	s6 =	sadd.s32 s21, s4  }
0xa3: {  	[timem:s8], [sflag:s22] =	dma.local [hbm:s6], s20  }
0xa4: {  	_ =	swait.ge [sflag:s22], s20  }
0xa5: {  	s5 =	ssub.s32 $0x0, s20;
	[sflag:s22] =	ssyncset.done $0x0  }
0xa6: {  	[sflag:s22] =	ssyncadd.s32 s5;
	_ =	sdelay $0x1  }
0xa7: {  	s23 =	simm.s32 $0x1B8B  }
0xa8: {  	_ =	swait.ge [sflag:s23], $0x1  }
0xa9: {  	[sflag:s23] =	ssyncset.done $0x0  }
0xaa: {  	s25 =	simm.s32 $0x1B8E;
	s24 =	sld [smem:$0x3FFE];
	[sflag:s23] =	ssyncadd.s32 $0xFFFFFFFF  }
0xab: {  	s26 =	simm.s32 $execute0_lowered;
	[smem:$0x3FD2] =	sst s25  }
0xac: {  	s6 =	sshll.u32 s26, $0x1;
	_ =	strace $0x80000046;
	[dreg:$0x1] =	wrdreg $0xFFFFFFFF  }
0xad: {  	s28 =	simm.s32 $_size_execute0_lowered;
	s4 =	sadd.s32 s4, s6;
	[dreg:$0x0] =	wrdreg $0x0  }
0xae: {  	s6 =	sshll.u32 s28, $0x1;
	[dreg:$0x2] =	wrdreg s4  }
0xaf: {  	[dreg:$0x3] =	wrdreg s6  }
0xb0: {  	[dreg:$0x4] =	wrdreg $0xC0  }
0xb1: {  	_ =	task [dreg:s8], $0x5FFFF  }
0xb2: {  	[dreg:$0x1] =	wrdreg $0xFFFFFFFF  }
0xb3: {  	[dreg:$0x0] =	wrdreg $0x60  }
0xb4: {  	[dreg:$0x2] =	wrdreg s24  }
0xb5: {  	[dreg:$0x3] =	wrdreg s16  }
0xb6: {  	[dreg:$0x4] =	wrdreg s17  }
0xb7: {  	[dreg:$0x5] =	wrdreg $0xC  }
0xb8: {  	_ =	task.clear_ibuf [dreg:s8], $0x6FFFF;
	_ =	strace $0x90000046  }
0xb9: {  	s29 =	simm.s32 $0xC;
	_ =	strace $0x80000048  }
0xba: {  	_ =	swait.ge [sflag:s29], $0x1  }
0xbb: {  	[sflag:s29] =	ssyncadd.s32 $0xFFFFFFFF  }
0xbc: {  	_ =	strace $0x90000048  }
0xbd: {  	_ =	sfence  }
0xbe: {  	s30 =	sld [smem:$0x0];
	_ =	sdelay $0x2  }
0xbf: {  	s31 =	sshll.u32 s1, $0xD;
	s1 =	sshrl.u32 s1, $0x2  }
0xc0: {  	s3 =	sand.u32 $0x4000, s31;
	s1 =	sadd.s32 s1, s30  }
0xc1: {  	s0 =	sor.u32 s3, s0;
	s1 =	sshll.u32 s1, $0x11  }
0xc2: {  	s0 =	sor.u32 s1, s0  }
0xc3: {  	s0 =	sadd.s32 $0x8F2B, s0  }
0xc4: {  	[sflag:s0] =	ssyncadd.remote.s32 $0x1  }
0xc5: {  	_ =	sfence.sel $0xFFFF  }
0xc6: {  	[dreg:$0x0] =	wrdreg $0xFFFFFFFF;
	(pc) =	sbr.abs _section_cstart, $3  }
0xc7: {  	[dreg:$0x1] =	wrdreg $0xFFFFFFFF  }
0xc8: {  	_ =	task.clear_ibuf [dreg:s8], $0x2FFFF;
	_ =	strace $0x9FFFFFFF  }
0xc9: {  	(tm) =	ssettm $0x7FFFFFFF  }
tec
execute0_lowered:
.L_overlay_start_1:
0x0: {  	(tag) =	ssettag $0x1  }
0x1: {  	s1 =	rddreg [dreg:$0x0]  }
0x2: {  	s0 =	srdreg.scid;
	s6 =	rddreg [dreg:$0x1]  }
0x3: {  	s15 =	stileid.u32;
	s7 =	rddreg [dreg:$0x2]  }
0x4: {  	s17 =	simm.s32 $0x9A00;
	s18 =	simm.s32 $0x4A00;
	s9 =	smul.u32 $0x1400, s15  }
0x5: {  	s19 =	simm.s32 $0x9200;
	s20 =	simm.s32 $0xA200;
	s13 =	smul.u32 $0xA00, s15  }
0x6: {  	s21 =	simm.s32 $0x2;
	s0 =	sand.u32 $0x1, s0;
	s26 =	smul.u32 $0xA000, s15  }
0x7: {  	s22 =	simm.s32 $0x3;
	s2 =	sshll.u32 s15, $0x1;
	s11 =	smul.u32 $0xA00, s0  }
0x8: {  	s4 =	sadd.s32 $0x5600, s1;
	s5 =	sadd.s32 $0xA600, s1;
	s14 =	smul.u32 $0x500, s0  }
0x9: {  	s2 =	sor.u32 s0, s2;
	s10 =	ssub.s32 $0x2, s0;
	s0 =	smul.u32 $0x5000, s0  }
0xa: {  	s15 =	simm.s32 $0xA00;
	s3 =	smul.u32 $0x500, s2;
	s2 =	simm.s32 $0x0  }
0xb: {  	s12 =	sshrl.u32 s10, $0x1;
	s29 =	sadd.s32 s26, s6;
	[smem:$0x7FF] =	sst s2  }
0xc: {  	s10 =	ssub.s32 s10, s12;
	s25 =	sadd.s32 s14, s13;
	s13 =	simm.s32 $0x1  }
0xd: {  	s14 =	simm.s32 $0x80;
	s3 =	sshrl.u32 s3, $0x3;
	_ =	strace $0x80000047  }
0xe: {  	s24 =	smax.u32 s10, $0x1;
	s10 =	sor.u32 $0x80, s25;
	s25 =	simm.s32 $0x0  }
0xf: {  	s8 =	sadd.s32 s3, s1;
	s3 =	sadd.s32 $0xF600, s1;
	s1 =	sadd.s32 $0x36800, s1  }
0x10: {  	[dreg:$0x8] =	wrdreg s24;
	s28 =	sshrl.u32 s10, $0x7;
	s24 =	simm.s32 $0x5  }
0x11: {  	s23 =	sadd.s32 s9, s1;
	s16 =	sadd.s32 $0x2E00, s8;
	s8 =	sadd.s32 $0x4200, s8  }
0x12: {  	s9 =	sadd.s32 s9, s7;
	s30 =	sshll.u32 s28, $0x8;
	[dreg:$0x6] =	wrdreg s16  }
0x13: {  	s31 =	sshll.u32 s28, $0xB;
	[dreg:$0x7] =	wrdreg s8;
	s12 =	sadd.s32 s11, s23  }
0x14: {  	s9 =	sadd.s32 s11, s9;
	s10 =	sadd.s32 s30, s7;
	s11 =	sadd.s32 s30, s1  }
0x15: {  	s16 =	simm.s32 $0x8A00;
	s23 =	simm.s32 $0x4;
	[dreg:$0x4] =	wrdreg s12  }
0x16: {  	[dreg:$0x5] =	wrdreg s9;
	s9 =	sadd.s32 s0, s29;
	s12 =	sadd.s32 s31, s6  }
.LBB2_1:
0x17: {  	s0 =	rddreg [dreg:$0x6]  }
0x18: {  	[tilespmem:s2], [sflag:$0x1] =	stream.linear.gather [hbm4b:s0+s2], $0x500, $0x38;
	[tilespmem:$0xAA00] =	vst v63  }
0x19: {  	_ =	swait.ge [sflag:s13], $0x500  }
0x1a: {  	[sflag:s13] =	ssyncset.done $0x0  }
0x1b: {  	s7 =	simm.s32 $0x500;
	s1 =	rddreg [dreg:$0x7];
	[sflag:s13] =	ssyncadd.s32 $0xFFFFFB00  }
0x1c: {  	[tilespmem:s7], [sflag:$0x1] =	stream.linear.gather [hbm4b:s1+s2], $0x500, $0x38;
	[tilespmem:$0xAA00] =	vst v63  }
0x1d: {  	_ =	swait.ge [sflag:s13], $0x500  }
0x1e: {  	p0 =	por $0x1, $0x1;
	[sflag:s13] =	ssyncset.done $0x0  }
0x1f: {  	s1 =	simm.s32 @!p0 $0x4;
	[sflag:s13] =	ssyncadd.s32 $0xFFFFFB00  }
0x20: {  	_ =	swait.ge @!p0 [sflag:s1], $0x4000  }
0x21: {  	[sflag:s1] =	ssyncset.done @!p0 $0x0  }
0x22: {  	[sflag:s1] =	ssyncadd.s32 @!p0 $0xFFFFC000  }
0x23: {  	_ =	swait.ge @!p0 [sflag:s1], $0x800  }
0x24: {  	[sflag:s1] =	ssyncset.done @!p0 $0x0  }
0x25: {  	[sflag:s1] =	ssyncadd.s32 @!p0 $0xFFFFF800  }
0x26: {  	_ =	swait.ge @!p0 [sflag:s1], $0x800  }
0x27: {  	[sflag:s1] =	ssyncset.done @!p0 $0x0  }
0x28: {  	[sflag:s1] =	ssyncadd.s32 @!p0 $0xFFFFF800;
	s1 =	simm.s32 @!p0 $0x5  }
0x29: {  	_ =	swait.ge @!p0 [sflag:s1], $0x4000  }
0x2a: {  	[sflag:s1] =	ssyncset.done @!p0 $0x0  }
0x2b: {  	[sflag:s1] =	ssyncadd.s32 @!p0 $0xFFFFC000  }
0x2c: {  	_ =	swait.ge @!p0 [sflag:s1], $0x800  }
0x2d: {  	[sflag:s1] =	ssyncset.done @!p0 $0x0  }
0x2e: {  	[sflag:s1] =	ssyncadd.s32 @!p0 $0xFFFFF800  }
0x2f: {  	_ =	swait.ge @!p0 [sflag:s1], $0x800  }
0x30: {  	[sflag:s1] =	ssyncset.done @!p0 $0x0  }
0x31: {  	[sflag:s1] =	ssyncadd.s32 @!p0 $0xFFFFF800  }
0x32: {  	[tilespmem:s15], [sflag:$0x2] =	stream.indirect.gather [hbm4b:s3+s14], $0x80, s2, s14, $0xb8;
	[tilespmem:$0xAA00] =	vst v63  }
0x33: {  	_ = 	snop  }
0x34: {  	[tilespmem:s16], [sflag:$0x2] =	stream.indirect.gather [hbm4b:s4+s14], $0x10, s2, s14, $0xb8;
	[tilespmem:$0xAA00] =	vst v63  }
0x35: {  	_ = 	snop  }
0x36: {  	[tilespmem:s17], [sflag:$0x2] =	stream.indirect.gather [hbm4b:s5+s14], $0x10, s7, s14, $0xb8;
	[tilespmem:$0xAA00] =	vst v63  }
0x37: {  	s8 =	simm.s32 $0x80  }
0x38: {  	[tilespmem:s18], [sflag:$0x3] =	stream.indirect.gather [hbm4b:s3+s14], $0x80, s8, s14, $0xb8;
	[tilespmem:$0xAA00] =	vst v63  }
0x39: {  	_ = 	snop  }
0x3a: {  	[tilespmem:s19], [sflag:$0x3] =	stream.indirect.gather [hbm4b:s4+s14], $0x10, s8, s14, $0xb8;
	[tilespmem:$0xAA00] =	vst v63  }
0x3b: {  	s26 =	simm.s32 $0x580  }
0x3c: {  	[tilespmem:s20], [sflag:$0x3] =	stream.indirect.gather [hbm4b:s5+s14], $0x10, s26, s14, $0xb8;
	[tilespmem:$0xAA00] =	vst v63  }
0x3d: {  	_ =	swait.ge [sflag:s21], $0x4000  }
0x3e: {  	[sflag:s21] =	ssyncset.done $0x0  }
0x3f: {  	[sflag:s21] =	ssyncadd.s32 $0xFFFFC000  }
0x40: {  	_ =	swait.ge [sflag:s21], $0x800  }
0x41: {  	[sflag:s21] =	ssyncset.done $0x0  }
0x42: {  	[sflag:s21] =	ssyncadd.s32 $0xFFFFF800  }
0x43: {  	_ =	swait.ge [sflag:s21], $0x800  }
0x44: {  	[sflag:s21] =	ssyncset.done $0x0  }
0x45: {  	s1 =	rddreg [dreg:$0x5];
	[sflag:s21] =	ssyncadd.s32 $0xFFFFF800  }
0x46: {  	[hbm4b:s9+s2] =	stream.linear.scatter [tilespmem:s15], [sflag:$0x4], $0x4000, $0x38;
	[tilespmem:$0xAA00] =	vst v63  }
0x47: {  	s6 =	rddreg [dreg:$0x4];
	s0 =	sadd.s32 $0x0, s1  }
0x48: {  	[hbm4b:s0+s2] =	stream.linear.scatter [tilespmem:s16], [sflag:$0x4], $0x800, $0x38;
	[tilespmem:$0xAA00] =	vst v63  }
0x49: {  	s7 =	sadd.s32 $0x0, s6  }
0x4a: {  	[hbm4b:s7+s2] =	stream.linear.scatter [tilespmem:s17], [sflag:$0x4], $0x800, $0x38;
	[tilespmem:$0xAA00] =	vst v63  }
0x4b: {  	_ =	swait.ge [sflag:s22], $0x4000  }
0x4c: {  	[sflag:s22] =	ssyncset.done $0x0  }
0x4d: {  	[sflag:s22] =	ssyncadd.s32 $0xFFFFC000  }
0x4e: {  	_ =	swait.ge [sflag:s22], $0x800  }
0x4f: {  	[sflag:s22] =	ssyncset.done $0x0  }
0x50: {  	[sflag:s22] =	ssyncadd.s32 $0xFFFFF800  }
0x51: {  	s28 =	sadd.s32 $0x1000, s12;
	s31 =	simm.s32 $0x100;
	_ =	swait.ge [sflag:s22], $0x800  }
0x52: {  	s30 =	simm.s32 $0x600;
	p1 =	por $0x0, $0x0;
	[sflag:s22] =	ssyncset.done $0x0  }
0x53: {  	s29 =	smov.u32 s9;
	s8 =	sadd.s32 $0x0, s10;
	[sflag:s22] =	ssyncadd.s32 $0xFFFFF800  }
0x54: {  	[hbm4b:s12+s2] =	stream.linear.scatter [tilespmem:s18], [sflag:$0x5], $0x4000, $0x38;
	[tilespmem:$0xAA00] =	vst v63  }
0x55: {  	s26 =	simm.s32 $0x200;
	s1 =	simm.s32 $0x400;
	s7 =	sadd.s32 $0x0, s11  }
0x56: {  	[hbm4b:s8+s2] =	stream.linear.scatter [tilespmem:s19], [sflag:$0x5], $0x800, $0x38;
	[tilespmem:$0xAA00] =	vst v63  }
.LBB2_2:
0x57: {  	s8 =	simm.s32 @!p1 $0x4  }
0x58: {  	[hbm4b:s7+s2] =	stream.linear.scatter [tilespmem:s20], [sflag:$0x5], $0x800, $0x38;
	[tilespmem:$0xAA00] =	vst v63  }
0x59: {  	_ =	swait.ge @!p1 [sflag:s8], $0x4000  }
0x5a: {  	[sflag:s8] =	ssyncset.done @!p1 $0x0  }
0x5b: {  	[sflag:s8] =	ssyncadd.s32 @!p1 $0xFFFFC000  }
0x5c: {  	_ =	swait.ge @!p1 [sflag:s8], $0x800  }
0x5d: {  	[sflag:s8] =	ssyncset.done @!p1 $0x0  }
0x5e: {  	[sflag:s8] =	ssyncadd.s32 @!p1 $0xFFFFF800  }
0x5f: {  	_ =	swait.ge @!p1 [sflag:s8], $0x800  }
0x60: {  	[sflag:s8] =	ssyncset.done @!p1 $0x0  }
0x61: {  	s7 =	simm.s32 @!p1 $0x5;
	[sflag:s8] =	ssyncadd.s32 @!p1 $0xFFFFF800  }
0x62: {  	_ =	swait.ge @!p1 [sflag:s7], $0x4000  }
0x63: {  	[sflag:s7] =	ssyncset.done @!p1 $0x0  }
0x64: {  	[sflag:s7] =	ssyncadd.s32 @!p1 $0xFFFFC000  }
0x65: {  	_ =	swait.ge @!p1 [sflag:s7], $0x800  }
0x66: {  	[sflag:s7] =	ssyncset.done @!p1 $0x0  }
0x67: {  	[sflag:s7] =	ssyncadd.s32 @!p1 $0xFFFFF800  }
0x68: {  	_ =	swait.ge @!p1 [sflag:s7], $0x800  }
0x69: {  	[sflag:s7] =	ssyncset.done @!p1 $0x0  }
0x6a: {  	[sflag:s7] =	ssyncadd.s32 @!p1 $0xFFFFF800  }
0x6b: {  	[tilespmem:s15], [sflag:$0x2] =	stream.indirect.gather [hbm4b:s3+s14], $0x80, s31, s14, $0xb8;
	[tilespmem:$0xAA00] =	vst v63  }
0x6c: {  	_ = 	snop  }
0x6d: {  	[tilespmem:s16], [sflag:$0x2] =	stream.indirect.gather [hbm4b:s4+s14], $0x10, s31, s14, $0xb8;
	[tilespmem:$0xAA00] =	vst v63  }
0x6e: {  	_ = 	snop  }
0x6f: {  	[tilespmem:s17], [sflag:$0x2] =	stream.indirect.gather [hbm4b:s5+s14], $0x10, s30, s14, $0xb8;
	[tilespmem:$0xAA00] =	vst v63  }
0x70: {  	s8 =	sadd.s32 $0x80, s31  }
0x71: {  	[tilespmem:s18], [sflag:$0x3] =	stream.indirect.gather [hbm4b:s3+s14], $0x80, s8, s14, $0xb8;
	[tilespmem:$0xAA00] =	vst v63  }
0x72: {  	_ = 	snop  }
0x73: {  	[tilespmem:s19], [sflag:$0x3] =	stream.indirect.gather [hbm4b:s4+s14], $0x10, s8, s14, $0xb8;
	[tilespmem:$0xAA00] =	vst v63  }
0x74: {  	s8 =	sadd.s32 $0x80, s30  }
0x75: {  	[tilespmem:s20], [sflag:$0x3] =	stream.indirect.gather [hbm4b:s5+s14], $0x10, s8, s14, $0xb8;
	[tilespmem:$0xAA00] =	vst v63  }
0x76: {  	_ =	swait.ge [sflag:s21], $0x4000  }
0x77: {  	[sflag:s21] =	ssyncset.done $0x0  }
0x78: {  	[sflag:s21] =	ssyncadd.s32 $0xFFFFC000  }
0x79: {  	_ =	swait.ge [sflag:s21], $0x800  }
0x7a: {  	[sflag:s21] =	ssyncset.done $0x0  }
0x7b: {  	[sflag:s21] =	ssyncadd.s32 $0xFFFFF800  }
0x7c: {  	_ =	swait.ge [sflag:s21], $0x800  }
0x7d: {  	s29 =	sadd.s32 $0x1000, s29;
	[sflag:s21] =	ssyncset.done $0x0  }
0x7e: {  	s0 =	smov.u32 s26;
	s7 =	rddreg [dreg:$0x5];
	[sflag:s21] =	ssyncadd.s32 $0xFFFFF800  }
0x7f: {  	[hbm4b:s29+s2] =	stream.linear.scatter [tilespmem:s15], [sflag:$0x4], $0x4000, $0x38;
	[tilespmem:$0xAA00] =	vst v63  }
0x80: {  	s8 =	rddreg [dreg:$0x4];
	s7 =	sadd.s32 s0, s7  }
0x81: {  	[hbm4b:s7+s2] =	stream.linear.scatter [tilespmem:s16], [sflag:$0x4], $0x800, $0x38;
	[tilespmem:$0xAA00] =	vst v63  }
0x82: {  	s8 =	sadd.s32 s0, s8  }
0x83: {  	[hbm4b:s8+s2] =	stream.linear.scatter [tilespmem:s17], [sflag:$0x4], $0x800, $0x38;
	[tilespmem:$0xAA00] =	vst v63  }
0x84: {  	_ =	swait.ge [sflag:s22], $0x4000  }
0x85: {  	[sflag:s22] =	ssyncset.done $0x0  }
0x86: {  	[sflag:s22] =	ssyncadd.s32 $0xFFFFC000  }
0x87: {  	_ =	swait.ge [sflag:s22], $0x800  }
0x88: {  	[sflag:s22] =	ssyncset.done $0x0  }
0x89: {  	s26 =	smov.u32 s1;
	s1 =	sadd.s32 $0x200, s1;
	[sflag:s22] =	ssyncadd.s32 $0xFFFFF800  }
0x8a: {  	s6 =	smov.u32 s28;
	p0 =	sne.s32 s1, $0xA00;
	_ =	swait.ge [sflag:s22], $0x800  }
.Ltmp0:
0x8b: {  	s28 =	sadd.s32 $0x1000, s28;
	[sflag:s22] =	ssyncset.done $0x0;
	(pc) =	sbr.rel @p0 .LBB2_2-.Ltmp0, $4  }
0x8c: {  	p1 =	seq.s32 s26, $0x0;
	s31 =	sadd.s32 $0x100, s31;
	[sflag:s22] =	ssyncadd.s32 $0xFFFFF800  }
0x8d: {  	[hbm4b:s6+s2] =	stream.linear.scatter [tilespmem:s18], [sflag:$0x5], $0x4000, $0x38;
	[tilespmem:$0xAA00] =	vst v63  }
0x8e: {  	s30 =	sadd.s32 $0x100, s30;
	s7 =	sadd.s32 s0, s11;
	s8 =	sadd.s32 s0, s10  }
0x8f: {  	[hbm4b:s8+s2] =	stream.linear.scatter [tilespmem:s19], [sflag:$0x5], $0x800, $0x38;
	[tilespmem:$0xAA00] =	vst v63  }
0x90: {  	s0 =	simm.s32 @!p1 $0x4  }
0x91: {  	[hbm4b:s7+s2] =	stream.linear.scatter [tilespmem:s20], [sflag:$0x5], $0x800, $0x38;
	[tilespmem:$0xAA00] =	vst v63  }
0x92: {  	_ =	swait.ge @!p1 [sflag:s0], $0x4000  }
0x93: {  	[sflag:s0] =	ssyncset.done @!p1 $0x0  }
0x94: {  	[sflag:s0] =	ssyncadd.s32 @!p1 $0xFFFFC000  }
0x95: {  	_ =	swait.ge @!p1 [sflag:s0], $0x800  }
0x96: {  	[sflag:s0] =	ssyncset.done @!p1 $0x0  }
0x97: {  	[sflag:s0] =	ssyncadd.s32 @!p1 $0xFFFFF800  }
0x98: {  	_ =	swait.ge @!p1 [sflag:s0], $0x800  }
0x99: {  	[sflag:s0] =	ssyncset.done @!p1 $0x0  }
0x9a: {  	[sflag:s0] =	ssyncadd.s32 @!p1 $0xFFFFF800;
	s0 =	simm.s32 @!p1 $0x5  }
0x9b: {  	_ =	swait.ge @!p1 [sflag:s0], $0x4000  }
0x9c: {  	[sflag:s0] =	ssyncset.done @!p1 $0x0  }
0x9d: {  	[sflag:s0] =	ssyncadd.s32 @!p1 $0xFFFFC000  }
0x9e: {  	_ =	swait.ge @!p1 [sflag:s0], $0x800  }
0x9f: {  	[sflag:s0] =	ssyncset.done @!p1 $0x0  }
0xa0: {  	[sflag:s0] =	ssyncadd.s32 @!p1 $0xFFFFF800  }
0xa1: {  	_ =	swait.ge @!p1 [sflag:s0], $0x800  }
0xa2: {  	[sflag:s0] =	ssyncset.done @!p1 $0x0  }
0xa3: {  	[sflag:s0] =	ssyncadd.s32 @!p1 $0xFFFFF800  }
0xa4: {  	[tilespmem:s15], [sflag:$0x2] =	stream.indirect.gather [hbm4b:s3+s14], $0x80, s31, s14, $0xb8;
	[tilespmem:$0xAA00] =	vst v63  }
0xa5: {  	_ = 	snop  }
0xa6: {  	[tilespmem:s16], [sflag:$0x2] =	stream.indirect.gather [hbm4b:s4+s14], $0x10, s31, s14, $0xb8;
	[tilespmem:$0xAA00] =	vst v63  }
0xa7: {  	_ = 	snop  }
0xa8: {  	[tilespmem:s17], [sflag:$0x2] =	stream.indirect.gather [hbm4b:s5+s14], $0x10, s30, s14, $0xb8;
	[tilespmem:$0xAA00] =	vst v63  }
0xa9: {  	s1 =	sadd.s32 $0x80, s31  }
0xaa: {  	[tilespmem:s18], [sflag:$0x3] =	stream.indirect.gather [hbm4b:s3+s14], $0x80, s1, s14, $0xb8;
	[tilespmem:$0xAA00] =	vst v63  }
0xab: {  	_ = 	snop  }
0xac: {  	[tilespmem:s19], [sflag:$0x3] =	stream.indirect.gather [hbm4b:s4+s14], $0x10, s1, s14, $0xb8;
	[tilespmem:$0xAA00] =	vst v63  }
0xad: {  	s6 =	sadd.s32 $0x80, s30  }
0xae: {  	[tilespmem:s20], [sflag:$0x3] =	stream.indirect.gather [hbm4b:s5+s14], $0x10, s6, s14, $0xb8;
	[tilespmem:$0xAA00] =	vst v63  }
0xaf: {  	_ =	swait.ge [sflag:s21], $0x4000  }
0xb0: {  	[sflag:s21] =	ssyncset.done $0x0  }
0xb1: {  	[sflag:s21] =	ssyncadd.s32 $0xFFFFC000  }
0xb2: {  	_ =	swait.ge [sflag:s21], $0x800  }
0xb3: {  	[sflag:s21] =	ssyncset.done $0x0  }
0xb4: {  	[sflag:s21] =	ssyncadd.s32 $0xFFFFF800  }
0xb5: {  	_ =	swait.ge [sflag:s21], $0x800  }
0xb6: {  	[sflag:s21] =	ssyncset.done $0x0  }
0xb7: {  	s1 =	sadd.s32 $0x1000, s29;
	s7 =	rddreg [dreg:$0x5];
	[sflag:s21] =	ssyncadd.s32 $0xFFFFF800  }
0xb8: {  	[hbm4b:s1+s2] =	stream.linear.scatter [tilespmem:s15], [sflag:$0x4], $0x4000, $0x38;
	[tilespmem:$0xAA00] =	vst v63  }
0xb9: {  	s6 =	rddreg [dreg:$0x4];
	s0 =	sadd.s32 s26, s7  }
0xba: {  	[hbm4b:s0+s2] =	stream.linear.scatter [tilespmem:s16], [sflag:$0x4], $0x800, $0x38;
	[tilespmem:$0xAA00] =	vst v63  }
0xbb: {  	s8 =	sadd.s32 s26, s6  }
0xbc: {  	[hbm4b:s8+s2] =	stream.linear.scatter [tilespmem:s17], [sflag:$0x4], $0x800, $0x38;
	[tilespmem:$0xAA00] =	vst v63  }
0xbd: {  	_ =	swait.ge [sflag:s22], $0x4000  }
0xbe: {  	[sflag:s22] =	ssyncset.done $0x0  }
0xbf: {  	[sflag:s22] =	ssyncadd.s32 $0xFFFFC000  }
0xc0: {  	_ =	swait.ge [sflag:s22], $0x800  }
0xc1: {  	[sflag:s22] =	ssyncset.done $0x0  }
0xc2: {  	[sflag:s22] =	ssyncadd.s32 $0xFFFFF800  }
0xc3: {  	_ =	swait.ge [sflag:s22], $0x800  }
0xc4: {  	[sflag:s22] =	ssyncset.done $0x0  }
0xc5: {  	[sflag:s22] =	ssyncadd.s32 $0xFFFFF800  }
0xc6: {  	[hbm4b:s28+s2] =	stream.linear.scatter [tilespmem:s18], [sflag:$0x5], $0x4000, $0x38;
	[tilespmem:$0xAA00] =	vst v63  }
0xc7: {  	s29 =	sadd.s32 s26, s10  }
0xc8: {  	[hbm4b:s29+s2] =	stream.linear.scatter [tilespmem:s19], [sflag:$0x5], $0x800, $0x38;
	[tilespmem:$0xAA00] =	vst v63  }
0xc9: {  	s30 =	sadd.s32 s26, s11  }
0xca: {  	[hbm4b:s30+s2] =	stream.linear.scatter [tilespmem:s20], [sflag:$0x5], $0x800, $0x38;
	[tilespmem:$0xAA00] =	vst v63  }
0xcb: {  	_ =	swait.ge [sflag:s23], $0x4000  }
0xcc: {  	[sflag:s23] =	ssyncset.done $0x0  }
0xcd: {  	[sflag:s23] =	ssyncadd.s32 $0xFFFFC000  }
0xce: {  	_ =	swait.ge [sflag:s23], $0x800  }
0xcf: {  	[sflag:s23] =	ssyncset.done $0x0  }
0xd0: {  	[sflag:s23] =	ssyncadd.s32 $0xFFFFF800  }
0xd1: {  	_ =	swait.ge [sflag:s23], $0x800  }
0xd2: {  	[sflag:s23] =	ssyncset.done $0x0  }
0xd3: {  	[sflag:s23] =	ssyncadd.s32 $0xFFFFF800  }
0xd4: {  	_ =	swait.ge [sflag:s24], $0x4000  }
0xd5: {  	[sflag:s24] =	ssyncset.done $0x0  }
0xd6: {  	[sflag:s24] =	ssyncadd.s32 $0xFFFFC000  }
0xd7: {  	_ =	swait.ge [sflag:s24], $0x800  }
0xd8: {  	[sflag:s24] =	ssyncset.done $0x0  }
0xd9: {  	[sflag:s24] =	ssyncadd.s32 $0xFFFFF800  }
0xda: {  	_ =	swait.ge [sflag:s24], $0x800  }
0xdb: {  	s25 =	sadd.s32 $0x1, s25;
	s31 =	rddreg [dreg:$0x8]  }
0xdc: {  	p0 =	sne.s32 s25, s31  }
.Ltmp1:
0xdd: {  	_ = 	snop;
	(pc) =	sbr.rel @p0 .LBB2_1-.Ltmp1, $3  }
0xde: {  	_ =	sdelay $0x1  }
0xdf: {  	[sflag:s24] =	ssyncset.done $0x0  }
0xe0: {  	[sflag:s24] =	ssyncadd.s32 $0xFFFFF800  }
0xe1: {  	_ =	sfence.sel $0x180000  }
0xe2: {  	[bflag:$0x0] =	sbarrier.arrive $0xFFFF  }
0xe3: {  	_ =	strace $0x90000047  }
0xe4: {  	s0 =	stileid.u32;
	[bflag:$0x2] =	sbarrier.arrive $0xFFFF  }
0xe5: {  	p0 =	sne.s32 s0, $0x0;
	s0 =	rddreg [dreg:$0x3]  }
0xe6: {  	s0 =	sadd.s32 @!p0 $0x100000, s0  }
0xe7: {  	[sflag:s0] =	ssyncadd.tile.s32 @!p0 $0x1;
	_ =	shalt  }
.Lfunc_end2:
_tile_overlayer_lowered:
.L_overlay_start_2:
0xe8: {  	(tag) =	ssettag $0x2  }
0xe9: {  	s0 =	rddreg [dreg:$0x0];
	s2 =	stileid.u32  }
0xea: {  	s1 =	rddreg [dreg:$0x1];
	p0 =	sne.s32 s2, $0x0  }
0xeb: {  	s3 =	rddreg [dreg:$0x2];
	[bflag:$0x3] =	sbarrier.arrive $0xFFFF;
	s2 =	simm.s32 @!p0 $0x1C06  }
0xec: {  	[timem:s3], [sflag:s2] =	dma.local @!p0 [hbm:s0], s1  }
0xed: {  	s0 =	simm.s32 @!p0 $0x6  }
0xee: {  	_ =	swait.ge @!p0 [sflag:s0], s1  }
0xef: {  	s1 =	ssub.s32 @!p0 $0x0, s1;
	[sflag:s0] =	ssyncset.done @!p0 $0x0  }
0xf0: {  	[sflag:s0] =	ssyncadd.s32 @!p0 s1  }
0xf1: {  	[bflag:$0x3] =	sbarrier.arrive $0xFFFF  }
0xf2: {  	_ =	shalt  }

// kernel: kernel.7.cloned.1.call-start
scs
__scs_entry_jumppad:
0x0: {  	(pc) =	sbr.rel $0x88, $3  }
0x1: {  	(tag) =	ssettag $0x0;
	lr =	simm.s32 $0x1  }
0x2: {  	[smem:$0x3F9C] =	sst lr;
	_ =	strace $0xD0000000  }
0x3: {  	_ = 	snop  }
0x4: {  	_ = 	snop  }
0x5: {  	_ = 	snop  }
0x6: {  	_ = 	snop  }
0x7: {  	_ = 	snop  }
__scs_overlays_trampoline_lowered:
0x8: {  	[smem:$0x3FAB] =	sst s0  }
0x9: {  	[smem:$0x3FAC] =	sst s1  }
0xa: {  	[smem:$0x3FAD] =	sst s2  }
0xb: {  	[smem:$0x3FAE] =	sst s3  }
0xc: {  	[smem:$0x3FAF] =	sst s4  }
0xd: {  	[smem:$0x3FB0] =	sst s5  }
0xe: {  	[smem:$0x3FB1] =	sst s6  }
0xf: {  	[smem:$0x3FB2] =	sst s7  }
0x10: {  	[smem:$0x3FB3] =	sst s8  }
0x11: {  	[smem:$0x3FB4] =	sst s9;
	s0 =	simm.s32 @!p0 $0x0  }
0x12: {  	s1 =	sld [smem:$0x3F9A];
	s0 =	simm.s32 @p0 $0x1  }
0x13: {  	[smem:$0x3FB5] =	sst s0;
	s0 =	simm.s32 @!p1 $0x0  }
0x14: {  	s2 =	sld [smem:$0x3F99];
	s0 =	simm.s32 @p1 $0x1  }
0x15: {  	[smem:$0x3FB6] =	sst s0;
	s0 =	simm.s32 @!p2 $0x0  }
0x16: {  	s3 =	sld [smem:$0x3FDB];
	s0 =	simm.s32 @p2 $0x1  }
0x17: {  	s4 =	simm.s32 $0x1BF5;
	[smem:$0x3FB8] =	sst s0  }
0x18: {  	s0 =	sld [smem:$0x3F9B];
	_ =	swait.ge [sflag:s4], $0x0  }
0x19: {  	s7 =	sld [smem:$0x3F9C]  }
0x1a: {  	s8 =	sadd.s32 $0xFFFFE003, lr  }
0x1b: {  	s9 =	sadd.s32 $0xFFFFFEF7, lr;
	s5 =	simm.s32 $0xFFFFFFFF;
	p2 =	slt.u32 s8, $0xFFFFF086  }
0x1c: {  	p1 =	slt.u32 s9, $0xF7A;
	s5 =	simm.s32 @!p2 $0x0  }
0x1d: {  	s5 =	simm.s32 @p1 $0x1;
	p0 =	seq.s32 s7, s2  }
0x1e: {  	s7 =	smul.u32 @!p0 $0xF7A, s2;
	p2 =	seq.s32 @!p0 s5, $0x0  }
0x1f: {  	s9 =	smul.u32 $0xF7A, s1;
	s8 =	simm.s32 @!p0 $0x1BF5;
	p2 =	por !p2, p0  }
0x20: {  	[sflag:s8] =	ssyncset.s32 @!p0 $0xFFFFF086;
	s6 =	sadd.s32 @!p0 s3, s7;
	s7 =	simm.s32 @!p0 $0x108  }
0x21: {  	s3 =	sadd.s32 s3, s9;
	s6 =	sadd.s32 @!p0 $0x88, s6;
	s7 =	simm.s32 @p2 $0x1082  }
0x22: {  	[simem:s7], [sflag:s8] =	dma.local @!p0 [hbm:s6], $0xF7A  }
0x23: {  	s9 =	sor.u32 $0xD0000000, s2;
	s6 =	simm.s32 $0x108;
	_ =	swait.ge @!p0 [sflag:s8], $0x0  }
0x24: {  	s3 =	sadd.s32 $0x88, s3;
	s6 =	simm.s32 @!p1 $0x1082;
	[sflag:s4] =	ssyncset.s32 $0xFFFFF086  }
0x25: {  	[simem:s6], [sflag:s4] =	dma.local [hbm:s3], $0xF7A  }
0x26: {  	[smem:$0x3F9C] =	sst s1;
	(tag) =	ssettag s2;
	_ =	strace s9  }
0x27: {  	s1 =	sld [smem:$0x3FAC]  }
0x28: {  	s2 =	sld [smem:$0x3FAD]  }
0x29: {  	s4 =	sld [smem:$0x3FAF]  }
0x2a: {  	p0 =	seq.s32 s5, $0x0;
	s5 =	sld [smem:$0x3FB0]  }
0x2b: {  	s6 =	sld [smem:$0x3FB1]  }
0x2c: {  	s7 =	sld [smem:$0x3FB2]  }
0x2d: {  	s3 =	simm.s32 $0x108;
	s8 =	sld [smem:$0x3FB3]  }
0x2e: {  	s3 =	simm.s32 @!p0 $0x1082;
	s9 =	sld [smem:$0x3FB4]  }
0x2f: {  	lr =	sadd.s32 s0, s3;
	s0 =	sld [smem:$0x3FAB]  }
0x30: {  	s3 =	sld [smem:$0x3FAE]  }
0x31: {  	[smem:$0x3FB7] =	sst s10  }
0x32: {  	s10 =	sld [smem:$0x3FB5];
	_ =	sdelay $0x3  }
0x33: {  	p0 =	seq.s32 s10, $0x1;
	s10 =	sld [smem:$0x3FB7];
	_ =	sdelay $0x3  }
0x34: {  	[smem:$0x3FB7] =	sst s10  }
0x35: {  	s10 =	sld [smem:$0x3FB6];
	_ =	sdelay $0x3  }
0x36: {  	p1 =	seq.s32 s10, $0x1;
	s10 =	sld [smem:$0x3FB7];
	_ =	sdelay $0x3  }
0x37: {  	[smem:$0x3FB7] =	sst s10  }
0x38: {  	s10 =	sld [smem:$0x3FB8]  }
0x39: {  	_ = 	snop;
	(pc) =	sbr.ind lr, $3  }
0x3a: {  	_ = 	snop  }
0x3b: {  	_ = 	snop  }
0x3c: {  	p2 =	seq.s32 s10, $0x1;
	s10 =	sld [smem:$0x3FB7]  }
0x3d: {  	_ =	shalt  }
0x3e: {  	_ =	shalt  }
0x3f: {  	_ =	shalt  }
0x40: {  	_ =	shalt  }
0x41: {  	_ =	shalt  }
0x42: {  	_ =	shalt  }
0x43: {  	_ =	shalt  }
0x44: {  	_ =	shalt  }
0x45: {  	_ =	shalt  }
0x46: {  	_ =	shalt  }
0x47: {  	_ =	shalt  }
0x48: {  	_ =	shalt  }
0x49: {  	_ =	shalt  }
0x4a: {  	_ =	shalt  }
0x4b: {  	_ =	shalt  }
0x4c: {  	_ =	shalt  }
0x4d: {  	_ =	shalt  }
0x4e: {  	_ =	shalt  }
0x4f: {  	_ =	shalt  }
0x50: {  	_ =	shalt  }
0x51: {  	_ =	shalt  }
0x52: {  	_ =	shalt  }
0x53: {  	_ =	shalt  }
0x54: {  	_ =	shalt  }
0x55: {  	_ =	shalt  }
0x56: {  	_ =	shalt  }
0x57: {  	_ =	shalt  }
0x58: {  	_ =	shalt  }
0x59: {  	_ =	shalt  }
0x5a: {  	_ =	shalt  }
0x5b: {  	_ =	shalt  }
0x5c: {  	_ =	shalt  }
0x5d: {  	_ =	shalt  }
0x5e: {  	_ =	shalt  }
0x5f: {  	_ =	shalt  }
0x60: {  	_ =	shalt  }
0x61: {  	_ =	shalt  }
0x62: {  	_ =	shalt  }
0x63: {  	_ =	shalt  }
0x64: {  	_ =	shalt  }
0x65: {  	_ =	shalt  }
0x66: {  	_ =	shalt  }
0x67: {  	_ =	shalt  }
0x68: {  	_ =	shalt  }
0x69: {  	_ =	shalt  }
0x6a: {  	_ =	shalt  }
0x6b: {  	_ =	shalt  }
0x6c: {  	_ =	shalt  }
0x6d: {  	_ =	shalt  }
0x6e: {  	_ =	shalt  }
0x6f: {  	_ =	shalt  }
0x70: {  	_ =	shalt  }
0x71: {  	_ =	shalt  }
0x72: {  	_ =	shalt  }
0x73: {  	_ =	shalt  }
0x74: {  	_ =	shalt  }
0x75: {  	_ =	shalt  }
0x76: {  	_ =	shalt  }
0x77: {  	_ =	shalt  }
0x78: {  	_ =	shalt  }
0x79: {  	_ =	shalt  }
0x7a: {  	_ =	shalt  }
0x7b: {  	_ =	shalt  }
0x7c: {  	_ =	shalt  }
0x7d: {  	_ =	shalt  }
0x7e: {  	_ =	shalt  }
0x7f: {  	_ =	shalt  }
0x80: {  	_ =	shalt  }
0x81: {  	_ =	shalt  }
0x82: {  	_ =	shalt  }
0x83: {  	_ =	shalt  }
0x84: {  	_ =	shalt  }
0x85: {  	_ =	shalt  }
0x86: {  	_ =	shalt  }
0x87: {  	_ =	shalt  }
.Lfunc_end0:
.L_simem_size_0:
called_computation_lowered:
.L_overlay_start_0:
0x88: {  	s2 =	sld [smem:$0x3FD9]  }
0x89: {  	s3 =	sld [smem:$0x3FFE];
	_ =	sdelay $0x1  }
0x8a: {  	s1 =	srdreg.scid  }
0x8b: {  	s0 =	sand.u32 $0x1, s1  }
0x8c: {  	s15 =	sshll.u32 s0, $0xA;
	s2 =	sadd.s32 s3, s2  }
0x8d: {  	s2 =	sadd.s32 s2, s15  }
0x8e: {  	[smem:$0x3FC3] =	sst s2  }
0x8f: {  	_ = 	snop  }
0x90: {  	s2 =	sld [smem:$0x3FD0];
	_ =	sdelay $0x2  }
0x91: {  	s4 =	simm.s32 $0xD;
	s16 =	simm.s32 $0x10  }
0x92: {  	[smem:s16], [sflag:s4] =	dma.local [hbm:s2], $0x1  }
0x93: {  	_ =	swait.eq [sflag:s4], $0x1  }
0x94: {  	[sflag:s4] =	ssyncset.done $0x0  }
0x95: {  	s17 =	sld [smem:$0x10];
	[sflag:s4] =	ssyncadd.s32 $0xFFFFFFFF  }
0x96: {  	s18 =	sld [smem:$0x14];
	(tm) =	ssettm $0x1  }
0x97: {  	s19 =	sld [smem:$0x3FFB];
	_ =	sdelay $0x3  }
0x98: {  	_ =	strace s19  }
0x99: {  	s2 =	sld [smem:$0x3FFC];
	_ =	sdelay $0x3  }
0x9a: {  	_ =	strace s2  }
0x9b: {  	s2 =	sld [smem:$0x3FFD];
	_ =	sdelay $0x3  }
0x9c: {  	_ =	strace s2  }
0x9d: {  	_ =	strace $0x8FFFFFFF  }
0x9e: {  	s20 =	sld [smem:$0x3FDB];
	_ =	sdelay $0x1  }
0x9f: {  	s5 =	simm.s32 $_scs_section_size  }
0xa0: {  	s6 =	simm.s32 $_size__tile_overlayer_lowered;
	s7 =	simm.s32 $_tile_overlayer_lowered  }
0xa1: {  	s8 =	simm.s32 $0x1BFF;
	s21 =	sshll.u32 s7, $0x1;
	s5 =	sadd.s32 s5, s20  }
0xa2: {  	s22 =	simm.s32 $0x0;
	s6 =	sshll.u32 s6, $0x1;
	s7 =	sadd.s32 s21, s5  }
0xa3: {  	[timem:s22], [sflag:s8] =	dma.local [hbm:s7], s6  }
0xa4: {  	_ =	swait.ge [sflag:s8], s6  }
0xa5: {  	s6 =	ssub.s32 $0x0, s6;
	[sflag:s8] =	ssyncset.done $0x0  }
0xa6: {  	[sflag:s8] =	ssyncadd.s32 s6;
	_ =	sdelay $0x1  }
0xa7: {  	s23 =	simm.s32 $0x1B8B  }
0xa8: {  	_ =	swait.ge [sflag:s23], $0x1  }
0xa9: {  	[sflag:s23] =	ssyncset.done $0x0  }
0xaa: {  	[sflag:s23] =	ssyncadd.s32 $0xFFFFFFFF  }
0xab: {  	s6 =	sld [smem:$0x0]  }
0xac: {  	s7 =	sand.u32 $0xFFFFFFFE, s1  }
0xad: {  	p0 =	sne.s32 s1, s7  }
0xae: {  	s7 =	sshll.u32 @p0 s7, $0xE  }
0xaf: {  	s7 =	sadd.s32 @p0 $0x11B8D, s7;
	s8 =	sshll.u32 @p0 s6, $0x11  }
0xb0: {  	s7 =	sor.u32 @p0 s8, s7  }
0xb1: {  	[sflag:s7] =	ssyncadd.remote.s32 @p0 $0x1;
	_ =	sdelay $0x1  }
0xb2: {  	s7 =	simm.s32 @p0 $0x1B8D  }
0xb3: {  	_ =	swait.eq @p0 [sflag:s7], $0x1  }
0xb4: {  	[sflag:s7] =	ssyncadd.s32 @p0 $0xFFFFFFFF  }
0xb5: {  	s8 =	sshll.u32 @!p0 s1, $0xE  }
0xb6: {  	s8 =	sor.u32 @!p0 $0x4000, s8;
	s7 =	simm.s32 @!p0 $0x1B8D  }
0xb7: {  	s6 =	sshll.u32 @!p0 s6, $0x11;
	s8 =	sadd.s32 @!p0 $0x11B8D, s8;
	_ =	swait.eq @!p0 [sflag:s7], $0x1  }
0xb8: {  	s6 =	sor.u32 @!p0 s6, s8;
	[sflag:s7] =	ssyncadd.s32 @!p0 $0xFFFFFFFF  }
0xb9: {  	s25 =	simm.s32 $0x1B8E;
	s24 =	sld [smem:$0x3FFE];
	[sflag:s6] =	ssyncadd.remote.s32 @!p0 $0x1  }
0xba: {  	s26 =	simm.s32 $execute0_lowered;
	[smem:$0x3FD2] =	sst s25  }
0xbb: {  	s7 =	sshll.u32 s26, $0x1;
	_ =	strace $0x8000004F;
	[dreg:$0x1] =	wrdreg $0xFFFFFFFF  }
0xbc: {  	s28 =	simm.s32 $_size_execute0_lowered;
	s5 =	sadd.s32 s5, s7;
	[dreg:$0x0] =	wrdreg $0x0  }
0xbd: {  	s7 =	sshll.u32 s28, $0x1;
	[dreg:$0x2] =	wrdreg s5  }
0xbe: {  	[dreg:$0x3] =	wrdreg s7  }
0xbf: {  	[dreg:$0x4] =	wrdreg $0xC0  }
0xc0: {  	_ =	task [dreg:s22], $0x5FFFF  }
0xc1: {  	[dreg:$0x1] =	wrdreg $0xFFFFFFFF  }
0xc2: {  	[dreg:$0x0] =	wrdreg $0x60  }
0xc3: {  	[dreg:$0x2] =	wrdreg s24  }
0xc4: {  	[dreg:$0x3] =	wrdreg s17  }
0xc5: {  	[dreg:$0x4] =	wrdreg s18  }
0xc6: {  	[dreg:$0x5] =	wrdreg $0x9  }
0xc7: {  	_ =	task.clear_ibuf [dreg:s22], $0x6FFFF;
	_ =	strace $0x9000004F  }
0xc8: {  	s29 =	simm.s32 $0x9;
	_ =	strace $0x80000051  }
0xc9: {  	_ =	swait.ge [sflag:s29], $0x1  }
0xca: {  	[sflag:s29] =	ssyncadd.s32 $0xFFFFFFFF  }
0xcb: {  	_ =	strace $0x90000051  }
0xcc: {  	_ =	sfence  }
0xcd: {  	s30 =	sld [smem:$0x0];
	_ =	sdelay $0x2  }
0xce: {  	s31 =	sshll.u32 s1, $0xD;
	s1 =	sshrl.u32 s1, $0x2  }
0xcf: {  	s4 =	sand.u32 $0x4000, s31;
	s1 =	sadd.s32 s1, s30  }
0xd0: {  	s0 =	sor.u32 s4, s0;
	s1 =	sshll.u32 s1, $0x11  }
0xd1: {  	s0 =	sor.u32 s1, s0  }
0xd2: {  	s0 =	sadd.s32 $0x8F2B, s0  }
0xd3: {  	[sflag:s0] =	ssyncadd.remote.s32 $0x1  }
0xd4: {  	_ =	sfence.sel $0xFFFF  }
0xd5: {  	[dreg:$0x0] =	wrdreg $0xFFFFFFFF;
	(pc) =	sbr.abs _section_cstart, $3  }
0xd6: {  	[dreg:$0x1] =	wrdreg $0xFFFFFFFF  }
0xd7: {  	_ =	task.clear_ibuf [dreg:s22], $0x2FFFF;
	_ =	strace $0x9FFFFFFF  }
0xd8: {  	(tm) =	ssettm $0x7FFFFFFF  }
0xd9: {  	_ =	shalt  }
tec
execute0_lowered:
.L_overlay_start_1:
0x0: {  	(tag) =	ssettag $0x1  }
0x1: {  	s1 =	rddreg [dreg:$0x0]  }
0x2: {  	s0 =	srdreg.scid;
	s6 =	rddreg [dreg:$0x1]  }
0x3: {  	s15 =	stileid.u32;
	s7 =	rddreg [dreg:$0x2]  }
0x4: {  	s17 =	simm.s32 $0x9A00;
	s18 =	simm.s32 $0x4A00;
	s9 =	smul.u32 $0x1400, s15  }
0x5: {  	s19 =	simm.s32 $0x9200;
	s20 =	simm.s32 $0xA200;
	s13 =	smul.u32 $0xA00, s15  }
0x6: {  	s21 =	simm.s32 $0x2;
	s0 =	sand.u32 $0x1, s0;
	s26 =	smul.u32 $0xA000, s15  }
0x7: {  	s22 =	simm.s32 $0x3;
	s2 =	sshll.u32 s15, $0x1;
	s11 =	smul.u32 $0xA00, s0  }
0x8: {  	s4 =	sadd.s32 $0x5600, s1;
	s5 =	sadd.s32 $0xA600, s1;
	s14 =	smul.u32 $0x500, s0  }
0x9: {  	s2 =	sor.u32 s0, s2;
	s10 =	ssub.s32 $0x2, s0;
	s0 =	smul.u32 $0x5000, s0  }
0xa: {  	s15 =	simm.s32 $0xA00;
	s3 =	smul.u32 $0x500, s2;
	s2 =	simm.s32 $0x0  }
0xb: {  	s12 =	sshrl.u32 s10, $0x1;
	s29 =	sadd.s32 s26, s6;
	[smem:$0x7FF] =	sst s2  }
0xc: {  	s10 =	ssub.s32 s10, s12;
	s25 =	sadd.s32 s14, s13;
	s13 =	simm.s32 $0x1  }
0xd: {  	s14 =	simm.s32 $0x80;
	s3 =	sshrl.u32 s3, $0x3;
	_ =	strace $0x80000050  }
0xe: {  	s24 =	smax.u32 s10, $0x1;
	s10 =	sor.u32 $0x80, s25;
	s25 =	simm.s32 $0x0  }
0xf: {  	s8 =	sadd.s32 s3, s1;
	s3 =	sadd.s32 $0xF600, s1;
	s1 =	sadd.s32 $0x7A000, s1  }
0x10: {  	[dreg:$0x8] =	wrdreg s24;
	s28 =	sshrl.u32 s10, $0x7;
	s24 =	simm.s32 $0x5  }
0x11: {  	s23 =	sadd.s32 s9, s1;
	s16 =	sadd.s32 $0x78C00, s8;
	s8 =	sadd.s32 $0x77800, s8  }
0x12: {  	s9 =	sadd.s32 s9, s7;
	s30 =	sshll.u32 s28, $0x8;
	[dreg:$0x6] =	wrdreg s16  }
0x13: {  	s31 =	sshll.u32 s28, $0xB;
	[dreg:$0x7] =	wrdreg s8;
	s12 =	sadd.s32 s11, s23  }
0x14: {  	s9 =	sadd.s32 s11, s9;
	s10 =	sadd.s32 s30, s7;
	s11 =	sadd.s32 s30, s1  }
0x15: {  	s16 =	simm.s32 $0x8A00;
	s23 =	simm.s32 $0x4;
	[dreg:$0x4] =	wrdreg s12  }
0x16: {  	[dreg:$0x5] =	wrdreg s9;
	s9 =	sadd.s32 s0, s29;
	s12 =	sadd.s32 s31, s6  }
.LBB2_1:
0x17: {  	s0 =	rddreg [dreg:$0x6]  }
0x18: {  	[tilespmem:s2], [sflag:$0x1] =	stream.linear.gather [hbm4b:s0+s2], $0x500, $0x38;
	[tilespmem:$0xAA00] =	vst v63  }
0x19: {  	_ =	swait.ge [sflag:s13], $0x500  }
0x1a: {  	[sflag:s13] =	ssyncset.done $0x0  }
0x1b: {  	s7 =	simm.s32 $0x500;
	s1 =	rddreg [dreg:$0x7];
	[sflag:s13] =	ssyncadd.s32 $0xFFFFFB00  }
0x1c: {  	[tilespmem:s7], [sflag:$0x1] =	stream.linear.gather [hbm4b:s1+s2], $0x500, $0x38;
	[tilespmem:$0xAA00] =	vst v63  }
0x1d: {  	_ =	swait.ge [sflag:s13], $0x500  }
0x1e: {  	p0 =	por $0x1, $0x1;
	[sflag:s13] =	ssyncset.done $0x0  }
0x1f: {  	s1 =	simm.s32 @!p0 $0x4;
	[sflag:s13] =	ssyncadd.s32 $0xFFFFFB00  }
0x20: {  	_ =	swait.ge @!p0 [sflag:s1], $0x4000  }
0x21: {  	[sflag:s1] =	ssyncset.done @!p0 $0x0  }
0x22: {  	[sflag:s1] =	ssyncadd.s32 @!p0 $0xFFFFC000  }
0x23: {  	_ =	swait.ge @!p0 [sflag:s1], $0x800  }
0x24: {  	[sflag:s1] =	ssyncset.done @!p0 $0x0  }
0x25: {  	[sflag:s1] =	ssyncadd.s32 @!p0 $0xFFFFF800  }
0x26: {  	_ =	swait.ge @!p0 [sflag:s1], $0x800  }
0x27: {  	[sflag:s1] =	ssyncset.done @!p0 $0x0  }
0x28: {  	[sflag:s1] =	ssyncadd.s32 @!p0 $0xFFFFF800;
	s1 =	simm.s32 @!p0 $0x5  }
0x29: {  	_ =	swait.ge @!p0 [sflag:s1], $0x4000  }
0x2a: {  	[sflag:s1] =	ssyncset.done @!p0 $0x0  }
0x2b: {  	[sflag:s1] =	ssyncadd.s32 @!p0 $0xFFFFC000  }
0x2c: {  	_ =	swait.ge @!p0 [sflag:s1], $0x800  }
0x2d: {  	[sflag:s1] =	ssyncset.done @!p0 $0x0  }
0x2e: {  	[sflag:s1] =	ssyncadd.s32 @!p0 $0xFFFFF800  }
0x2f: {  	_ =	swait.ge @!p0 [sflag:s1], $0x800  }
0x30: {  	[sflag:s1] =	ssyncset.done @!p0 $0x0  }
0x31: {  	[sflag:s1] =	ssyncadd.s32 @!p0 $0xFFFFF800  }
0x32: {  	[tilespmem:s15], [sflag:$0x2] =	stream.indirect.gather [hbm4b:s3+s14], $0x80, s2, s14, $0xb8;
	[tilespmem:$0xAA00] =	vst v63  }
0x33: {  	_ = 	snop  }
0x34: {  	[tilespmem:s16], [sflag:$0x2] =	stream.indirect.gather [hbm4b:s4+s14], $0x10, s2, s14, $0xb8;
	[tilespmem:$0xAA00] =	vst v63  }
0x35: {  	_ = 	snop  }
0x36: {  	[tilespmem:s17], [sflag:$0x2] =	stream.indirect.gather [hbm4b:s5+s14], $0x10, s7, s14, $0xb8;
	[tilespmem:$0xAA00] =	vst v63  }
0x37: {  	s8 =	simm.s32 $0x80  }
0x38: {  	[tilespmem:s18], [sflag:$0x3] =	stream.indirect.gather [hbm4b:s3+s14], $0x80, s8, s14, $0xb8;
	[tilespmem:$0xAA00] =	vst v63  }
0x39: {  	_ = 	snop  }
0x3a: {  	[tilespmem:s19], [sflag:$0x3] =	stream.indirect.gather [hbm4b:s4+s14], $0x10, s8, s14, $0xb8;
	[tilespmem:$0xAA00] =	vst v63  }
0x3b: {  	s26 =	simm.s32 $0x580  }
0x3c: {  	[tilespmem:s20], [sflag:$0x3] =	stream.indirect.gather [hbm4b:s5+s14], $0x10, s26, s14, $0xb8;
	[tilespmem:$0xAA00] =	vst v63  }
0x3d: {  	_ =	swait.ge [sflag:s21], $0x4000  }
0x3e: {  	[sflag:s21] =	ssyncset.done $0x0  }
0x3f: {  	[sflag:s21] =	ssyncadd.s32 $0xFFFFC000  }
0x40: {  	_ =	swait.ge [sflag:s21], $0x800  }
0x41: {  	[sflag:s21] =	ssyncset.done $0x0  }
0x42: {  	[sflag:s21] =	ssyncadd.s32 $0xFFFFF800  }
0x43: {  	_ =	swait.ge [sflag:s21], $0x800  }
0x44: {  	[sflag:s21] =	ssyncset.done $0x0  }
0x45: {  	s1 =	rddreg [dreg:$0x5];
	[sflag:s21] =	ssyncadd.s32 $0xFFFFF800  }
0x46: {  	[hbm4b:s9+s2] =	stream.linear.scatter [tilespmem:s15], [sflag:$0x4], $0x4000, $0x38;
	[tilespmem:$0xAA00] =	vst v63  }
0x47: {  	s6 =	rddreg [dreg:$0x4];
	s0 =	sadd.s32 $0x0, s1  }
0x48: {  	[hbm4b:s0+s2] =	stream.linear.scatter [tilespmem:s16], [sflag:$0x4], $0x800, $0x38;
	[tilespmem:$0xAA00] =	vst v63  }
0x49: {  	s7 =	sadd.s32 $0x0, s6  }
0x4a: {  	[hbm4b:s7+s2] =	stream.linear.scatter [tilespmem:s17], [sflag:$0x4], $0x800, $0x38;
	[tilespmem:$0xAA00] =	vst v63  }
0x4b: {  	_ =	swait.ge [sflag:s22], $0x4000  }
0x4c: {  	[sflag:s22] =	ssyncset.done $0x0  }
0x4d: {  	[sflag:s22] =	ssyncadd.s32 $0xFFFFC000  }
0x4e: {  	_ =	swait.ge [sflag:s22], $0x800  }
0x4f: {  	[sflag:s22] =	ssyncset.done $0x0  }
0x50: {  	[sflag:s22] =	ssyncadd.s32 $0xFFFFF800  }
0x51: {  	s28 =	sadd.s32 $0x1000, s12;
	s31 =	simm.s32 $0x100;
	_ =	swait.ge [sflag:s22], $0x800  }
0x52: {  	s30 =	simm.s32 $0x600;
	p1 =	por $0x0, $0x0;
	[sflag:s22] =	ssyncset.done $0x0  }
0x53: {  	s29 =	smov.u32 s9;
	s8 =	sadd.s32 $0x0, s10;
	[sflag:s22] =	ssyncadd.s32 $0xFFFFF800  }
0x54: {  	[hbm4b:s12+s2] =	stream.linear.scatter [tilespmem:s18], [sflag:$0x5], $0x4000, $0x38;
	[tilespmem:$0xAA00] =	vst v63  }
0x55: {  	s26 =	simm.s32 $0x200;
	s1 =	simm.s32 $0x400;
	s7 =	sadd.s32 $0x0, s11  }
0x56: {  	[hbm4b:s8+s2] =	stream.linear.scatter [tilespmem:s19], [sflag:$0x5], $0x800, $0x38;
	[tilespmem:$0xAA00] =	vst v63  }
.LBB2_2:
0x57: {  	s8 =	simm.s32 @!p1 $0x4  }
0x58: {  	[hbm4b:s7+s2] =	stream.linear.scatter [tilespmem:s20], [sflag:$0x5], $0x800, $0x38;
	[tilespmem:$0xAA00] =	vst v63  }
0x59: {  	_ =	swait.ge @!p1 [sflag:s8], $0x4000  }
0x5a: {  	[sflag:s8] =	ssyncset.done @!p1 $0x0  }
0x5b: {  	[sflag:s8] =	ssyncadd.s32 @!p1 $0xFFFFC000  }
0x5c: {  	_ =	swait.ge @!p1 [sflag:s8], $0x800  }
0x5d: {  	[sflag:s8] =	ssyncset.done @!p1 $0x0  }
0x5e: {  	[sflag:s8] =	ssyncadd.s32 @!p1 $0xFFFFF800  }
0x5f: {  	_ =	swait.ge @!p1 [sflag:s8], $0x800  }
0x60: {  	[sflag:s8] =	ssyncset.done @!p1 $0x0  }
0x61: {  	s7 =	simm.s32 @!p1 $0x5;
	[sflag:s8] =	ssyncadd.s32 @!p1 $0xFFFFF800  }
0x62: {  	_ =	swait.ge @!p1 [sflag:s7], $0x4000  }
0x63: {  	[sflag:s7] =	ssyncset.done @!p1 $0x0  }
0x64: {  	[sflag:s7] =	ssyncadd.s32 @!p1 $0xFFFFC000  }
0x65: {  	_ =	swait.ge @!p1 [sflag:s7], $0x800  }
0x66: {  	[sflag:s7] =	ssyncset.done @!p1 $0x0  }
0x67: {  	[sflag:s7] =	ssyncadd.s32 @!p1 $0xFFFFF800  }
0x68: {  	_ =	swait.ge @!p1 [sflag:s7], $0x800  }
0x69: {  	[sflag:s7] =	ssyncset.done @!p1 $0x0  }
0x6a: {  	[sflag:s7] =	ssyncadd.s32 @!p1 $0xFFFFF800  }
0x6b: {  	[tilespmem:s15], [sflag:$0x2] =	stream.indirect.gather [hbm4b:s3+s14], $0x80, s31, s14, $0xb8;
	[tilespmem:$0xAA00] =	vst v63  }
0x6c: {  	_ = 	snop  }
0x6d: {  	[tilespmem:s16], [sflag:$0x2] =	stream.indirect.gather [hbm4b:s4+s14], $0x10, s31, s14, $0xb8;
	[tilespmem:$0xAA00] =	vst v63  }
0x6e: {  	_ = 	snop  }
0x6f: {  	[tilespmem:s17], [sflag:$0x2] =	stream.indirect.gather [hbm4b:s5+s14], $0x10, s30, s14, $0xb8;
	[tilespmem:$0xAA00] =	vst v63  }
0x70: {  	s8 =	sadd.s32 $0x80, s31  }
0x71: {  	[tilespmem:s18], [sflag:$0x3] =	stream.indirect.gather [hbm4b:s3+s14], $0x80, s8, s14, $0xb8;
	[tilespmem:$0xAA00] =	vst v63  }
0x72: {  	_ = 	snop  }
0x73: {  	[tilespmem:s19], [sflag:$0x3] =	stream.indirect.gather [hbm4b:s4+s14], $0x10, s8, s14, $0xb8;
	[tilespmem:$0xAA00] =	vst v63  }
0x74: {  	s8 =	sadd.s32 $0x80, s30  }
0x75: {  	[tilespmem:s20], [sflag:$0x3] =	stream.indirect.gather [hbm4b:s5+s14], $0x10, s8, s14, $0xb8;
	[tilespmem:$0xAA00] =	vst v63  }
0x76: {  	_ =	swait.ge [sflag:s21], $0x4000  }
0x77: {  	[sflag:s21] =	ssyncset.done $0x0  }
0x78: {  	[sflag:s21] =	ssyncadd.s32 $0xFFFFC000  }
0x79: {  	_ =	swait.ge [sflag:s21], $0x800  }
0x7a: {  	[sflag:s21] =	ssyncset.done $0x0  }
0x7b: {  	[sflag:s21] =	ssyncadd.s32 $0xFFFFF800  }
0x7c: {  	_ =	swait.ge [sflag:s21], $0x800  }
0x7d: {  	s29 =	sadd.s32 $0x1000, s29;
	[sflag:s21] =	ssyncset.done $0x0  }
0x7e: {  	s0 =	smov.u32 s26;
	s7 =	rddreg [dreg:$0x5];
	[sflag:s21] =	ssyncadd.s32 $0xFFFFF800  }
0x7f: {  	[hbm4b:s29+s2] =	stream.linear.scatter [tilespmem:s15], [sflag:$0x4], $0x4000, $0x38;
	[tilespmem:$0xAA00] =	vst v63  }
0x80: {  	s8 =	rddreg [dreg:$0x4];
	s7 =	sadd.s32 s0, s7  }
0x81: {  	[hbm4b:s7+s2] =	stream.linear.scatter [tilespmem:s16], [sflag:$0x4], $0x800, $0x38;
	[tilespmem:$0xAA00] =	vst v63  }
0x82: {  	s8 =	sadd.s32 s0, s8  }
0x83: {  	[hbm4b:s8+s2] =	stream.linear.scatter [tilespmem:s17], [sflag:$0x4], $0x800, $0x38;
	[tilespmem:$0xAA00] =	vst v63  }
0x84: {  	_ =	swait.ge [sflag:s22], $0x4000  }
0x85: {  	[sflag:s22] =	ssyncset.done $0x0  }
0x86: {  	[sflag:s22] =	ssyncadd.s32 $0xFFFFC000  }
0x87: {  	_ =	swait.ge [sflag:s22], $0x800  }
0x88: {  	[sflag:s22] =	ssyncset.done $0x0  }
0x89: {  	s26 =	smov.u32 s1;
	s1 =	sadd.s32 $0x200, s1;
	[sflag:s22] =	ssyncadd.s32 $0xFFFFF800  }
0x8a: {  	s6 =	smov.u32 s28;
	p0 =	sne.s32 s1, $0xA00;
	_ =	swait.ge [sflag:s22], $0x800  }
.Ltmp0:
0x8b: {  	s28 =	sadd.s32 $0x1000, s28;
	[sflag:s22] =	ssyncset.done $0x0;
	(pc) =	sbr.rel @p0 .LBB2_2-.Ltmp0, $4  }
0x8c: {  	p1 =	seq.s32 s26, $0x0;
	s31 =	sadd.s32 $0x100, s31;
	[sflag:s22] =	ssyncadd.s32 $0xFFFFF800  }
0x8d: {  	[hbm4b:s6+s2] =	stream.linear.scatter [tilespmem:s18], [sflag:$0x5], $0x4000, $0x38;
	[tilespmem:$0xAA00] =	vst v63  }
0x8e: {  	s30 =	sadd.s32 $0x100, s30;
	s7 =	sadd.s32 s0, s11;
	s8 =	sadd.s32 s0, s10  }
0x8f: {  	[hbm4b:s8+s2] =	stream.linear.scatter [tilespmem:s19], [sflag:$0x5], $0x800, $0x38;
	[tilespmem:$0xAA00] =	vst v63  }
0x90: {  	s0 =	simm.s32 @!p1 $0x4  }
0x91: {  	[hbm4b:s7+s2] =	stream.linear.scatter [tilespmem:s20], [sflag:$0x5], $0x800, $0x38;
	[tilespmem:$0xAA00] =	vst v63  }
0x92: {  	_ =	swait.ge @!p1 [sflag:s0], $0x4000  }
0x93: {  	[sflag:s0] =	ssyncset.done @!p1 $0x0  }
0x94: {  	[sflag:s0] =	ssyncadd.s32 @!p1 $0xFFFFC000  }
0x95: {  	_ =	swait.ge @!p1 [sflag:s0], $0x800  }
0x96: {  	[sflag:s0] =	ssyncset.done @!p1 $0x0  }
0x97: {  	[sflag:s0] =	ssyncadd.s32 @!p1 $0xFFFFF800  }
0x98: {  	_ =	swait.ge @!p1 [sflag:s0], $0x800  }
0x99: {  	[sflag:s0] =	ssyncset.done @!p1 $0x0  }
0x9a: {  	[sflag:s0] =	ssyncadd.s32 @!p1 $0xFFFFF800;
	s0 =	simm.s32 @!p1 $0x5  }
0x9b: {  	_ =	swait.ge @!p1 [sflag:s0], $0x4000  }
0x9c: {  	[sflag:s0] =	ssyncset.done @!p1 $0x0  }
0x9d: {  	[sflag:s0] =	ssyncadd.s32 @!p1 $0xFFFFC000  }
0x9e: {  	_ =	swait.ge @!p1 [sflag:s0], $0x800  }
0x9f: {  	[sflag:s0] =	ssyncset.done @!p1 $0x0  }
0xa0: {  	[sflag:s0] =	ssyncadd.s32 @!p1 $0xFFFFF800  }
0xa1: {  	_ =	swait.ge @!p1 [sflag:s0], $0x800  }
0xa2: {  	[sflag:s0] =	ssyncset.done @!p1 $0x0  }
0xa3: {  	[sflag:s0] =	ssyncadd.s32 @!p1 $0xFFFFF800  }
0xa4: {  	[tilespmem:s15], [sflag:$0x2] =	stream.indirect.gather [hbm4b:s3+s14], $0x80, s31, s14, $0xb8;
	[tilespmem:$0xAA00] =	vst v63  }
0xa5: {  	_ = 	snop  }
0xa6: {  	[tilespmem:s16], [sflag:$0x2] =	stream.indirect.gather [hbm4b:s4+s14], $0x10, s31, s14, $0xb8;
	[tilespmem:$0xAA00] =	vst v63  }
0xa7: {  	_ = 	snop  }
0xa8: {  	[tilespmem:s17], [sflag:$0x2] =	stream.indirect.gather [hbm4b:s5+s14], $0x10, s30, s14, $0xb8;
	[tilespmem:$0xAA00] =	vst v63  }
0xa9: {  	s1 =	sadd.s32 $0x80, s31  }
0xaa: {  	[tilespmem:s18], [sflag:$0x3] =	stream.indirect.gather [hbm4b:s3+s14], $0x80, s1, s14, $0xb8;
	[tilespmem:$0xAA00] =	vst v63  }
0xab: {  	_ = 	snop  }
0xac: {  	[tilespmem:s19], [sflag:$0x3] =	stream.indirect.gather [hbm4b:s4+s14], $0x10, s1, s14, $0xb8;
	[tilespmem:$0xAA00] =	vst v63  }
0xad: {  	s6 =	sadd.s32 $0x80, s30  }
0xae: {  	[tilespmem:s20], [sflag:$0x3] =	stream.indirect.gather [hbm4b:s5+s14], $0x10, s6, s14, $0xb8;
	[tilespmem:$0xAA00] =	vst v63  }
0xaf: {  	_ =	swait.ge [sflag:s21], $0x4000  }
0xb0: {  	[sflag:s21] =	ssyncset.done $0x0  }
0xb1: {  	[sflag:s21] =	ssyncadd.s32 $0xFFFFC000  }
0xb2: {  	_ =	swait.ge [sflag:s21], $0x800  }
0xb3: {  	[sflag:s21] =	ssyncset.done $0x0  }
0xb4: {  	[sflag:s21] =	ssyncadd.s32 $0xFFFFF800  }
0xb5: {  	_ =	swait.ge [sflag:s21], $0x800  }
0xb6: {  	[sflag:s21] =	ssyncset.done $0x0  }
0xb7: {  	s1 =	sadd.s32 $0x1000, s29;
	s7 =	rddreg [dreg:$0x5];
	[sflag:s21] =	ssyncadd.s32 $0xFFFFF800  }
0xb8: {  	[hbm4b:s1+s2] =	stream.linear.scatter [tilespmem:s15], [sflag:$0x4], $0x4000, $0x38;
	[tilespmem:$0xAA00] =	vst v63  }
0xb9: {  	s6 =	rddreg [dreg:$0x4];
	s0 =	sadd.s32 s26, s7  }
0xba: {  	[hbm4b:s0+s2] =	stream.linear.scatter [tilespmem:s16], [sflag:$0x4], $0x800, $0x38;
	[tilespmem:$0xAA00] =	vst v63  }
0xbb: {  	s8 =	sadd.s32 s26, s6  }
0xbc: {  	[hbm4b:s8+s2] =	stream.linear.scatter [tilespmem:s17], [sflag:$0x4], $0x800, $0x38;
	[tilespmem:$0xAA00] =	vst v63  }
0xbd: {  	_ =	swait.ge [sflag:s22], $0x4000  }
0xbe: {  	[sflag:s22] =	ssyncset.done $0x0  }
0xbf: {  	[sflag:s22] =	ssyncadd.s32 $0xFFFFC000  }
0xc0: {  	_ =	swait.ge [sflag:s22], $0x800  }
0xc1: {  	[sflag:s22] =	ssyncset.done $0x0  }
0xc2: {  	[sflag:s22] =	ssyncadd.s32 $0xFFFFF800  }
0xc3: {  	_ =	swait.ge [sflag:s22], $0x800  }
0xc4: {  	[sflag:s22] =	ssyncset.done $0x0  }
0xc5: {  	[sflag:s22] =	ssyncadd.s32 $0xFFFFF800  }
0xc6: {  	[hbm4b:s28+s2] =	stream.linear.scatter [tilespmem:s18], [sflag:$0x5], $0x4000, $0x38;
	[tilespmem:$0xAA00] =	vst v63  }
0xc7: {  	s29 =	sadd.s32 s26, s10  }
0xc8: {  	[hbm4b:s29+s2] =	stream.linear.scatter [tilespmem:s19], [sflag:$0x5], $0x800, $0x38;
	[tilespmem:$0xAA00] =	vst v63  }
0xc9: {  	s30 =	sadd.s32 s26, s11  }
0xca: {  	[hbm4b:s30+s2] =	stream.linear.scatter [tilespmem:s20], [sflag:$0x5], $0x800, $0x38;
	[tilespmem:$0xAA00] =	vst v63  }
0xcb: {  	_ =	swait.ge [sflag:s23], $0x4000  }
0xcc: {  	[sflag:s23] =	ssyncset.done $0x0  }
0xcd: {  	[sflag:s23] =	ssyncadd.s32 $0xFFFFC000  }
0xce: {  	_ =	swait.ge [sflag:s23], $0x800  }
0xcf: {  	[sflag:s23] =	ssyncset.done $0x0  }
0xd0: {  	[sflag:s23] =	ssyncadd.s32 $0xFFFFF800  }
0xd1: {  	_ =	swait.ge [sflag:s23], $0x800  }
0xd2: {  	[sflag:s23] =	ssyncset.done $0x0  }
0xd3: {  	[sflag:s23] =	ssyncadd.s32 $0xFFFFF800  }
0xd4: {  	_ =	swait.ge [sflag:s24], $0x4000  }
0xd5: {  	[sflag:s24] =	ssyncset.done $0x0  }
0xd6: {  	[sflag:s24] =	ssyncadd.s32 $0xFFFFC000  }
0xd7: {  	_ =	swait.ge [sflag:s24], $0x800  }
0xd8: {  	[sflag:s24] =	ssyncset.done $0x0  }
0xd9: {  	[sflag:s24] =	ssyncadd.s32 $0xFFFFF800  }
0xda: {  	_ =	swait.ge [sflag:s24], $0x800  }
0xdb: {  	s25 =	sadd.s32 $0x1, s25;
	s31 =	rddreg [dreg:$0x8]  }
0xdc: {  	p0 =	sne.s32 s25, s31  }
.Ltmp1:
0xdd: {  	_ = 	snop;
	(pc) =	sbr.rel @p0 .LBB2_1-.Ltmp1, $3  }
0xde: {  	_ =	sdelay $0x1  }
0xdf: {  	[sflag:s24] =	ssyncset.done $0x0  }
0xe0: {  	[sflag:s24] =	ssyncadd.s32 $0xFFFFF800  }
0xe1: {  	_ =	sfence.sel $0x180000  }
0xe2: {  	[bflag:$0x0] =	sbarrier.arrive $0xFFFF  }
0xe3: {  	_ =	strace $0x90000050  }
0xe4: {  	s0 =	stileid.u32;
	[bflag:$0x2] =	sbarrier.arrive $0xFFFF  }
0xe5: {  	p0 =	sne.s32 s0, $0x0;
	s0 =	rddreg [dreg:$0x3]  }
0xe6: {  	s0 =	sadd.s32 @!p0 $0x100000, s0  }
0xe7: {  	[sflag:s0] =	ssyncadd.tile.s32 @!p0 $0x1;
	_ =	shalt  }
.Lfunc_end2:
_tile_overlayer_lowered:
.L_overlay_start_2:
0xe8: {  	(tag) =	ssettag $0x2  }
0xe9: {  	s0 =	rddreg [dreg:$0x0];
	s2 =	stileid.u32  }
0xea: {  	s1 =	rddreg [dreg:$0x1];
	p0 =	sne.s32 s2, $0x0  }
0xeb: {  	s3 =	rddreg [dreg:$0x2];
	[bflag:$0x3] =	sbarrier.arrive $0xFFFF;
	s2 =	simm.s32 @!p0 $0x1C06  }
0xec: {  	[timem:s3], [sflag:s2] =	dma.local @!p0 [hbm:s0], s1  }
0xed: {  	s0 =	simm.s32 @!p0 $0x6  }
0xee: {  	_ =	swait.ge @!p0 [sflag:s0], s1  }
0xef: {  	s1 =	ssub.s32 @!p0 $0x0, s1;
	[sflag:s0] =	ssyncset.done @!p0 $0x0  }
0xf0: {  	[sflag:s0] =	ssyncadd.s32 @!p0 s1  }
0xf1: {  	[bflag:$0x3] =	sbarrier.arrive $0xFFFF  }
0xf2: {  	_ =	shalt  }

</sc_bundles>
